<compile_context>
chip_gen: v7x
topology: tpu7x:2x2x1
jax: 0.10.2.dev20260603
libtpu: 0.0.44.dev20260713+nightly
codegen_flags: <defaults>
</compile_context>

<pallas_src>
import functools

import jax
import jax.numpy as jnp
from jax import lax
from jax.experimental import pallas as pl
from jax.experimental.pallas import tpu as pltpu
from jax.experimental.pallas import tpu_sc as plsc

N = 10000
E = 320000
D = 128
HD = D // 2
NP = N + 8

NC = 2
NS = 16

C = 128
NCHUNK = 160
EP = NS * NCHUNK * C
OWN = 1000
ZR = 200

_mesh = plsc.VectorSubcoreMesh(core_axis_name="c", subcore_axis_name="s")


DC = 128
DNCH = EP // NS // DC


@functools.partial(
    pl.kernel,
    out_type=jax.ShapeDtypeStruct((2 * N,), jnp.float32),
    mesh=_mesh,
    scratch_types=[
        pltpu.VMEM((DNCH, DC), jnp.int32),
        pltpu.VMEM((DC,), jnp.float32),
        pltpu.VMEM((OWN,), jnp.float32),
        pltpu.VMEM_SHARED((NP,), jnp.float32),
    ],
)
def _deg_kernel(eidx_hbm, ones_hbm, zeros_hbm, out_hbm, idx_v, ones_v, zer_v, acc):
    c = lax.axis_index("c")
    s = lax.axis_index("s")
    pltpu.sync_copy(ones_hbm, ones_v)
    pltpu.sync_copy(zeros_hbm, zer_v)
    @pl.when(s < 10)
    def _():
        pltpu.sync_copy(zer_v, acc.at[pl.ds(pl.multiple_of(s * OWN, 8), OWN)])
    plsc.subcore_barrier()
    pltpu.sync_copy(eidx_hbm.at[c, s], idx_v)

    def body(i, carry):
        pltpu.sync_copy(ones_v, acc.at[idx_v.at[i]], add=True)
        return carry

    lax.fori_loop(0, DNCH, body, 0)
    plsc.subcore_barrier()
    @pl.when(s < 10)
    def _():
        r0 = pl.multiple_of(s * OWN, 8)
        o0 = pl.multiple_of(c * N + s * OWN, 8)
        pltpu.sync_copy(acc.at[pl.ds(r0, OWN)], zer_v)
        pltpu.sync_copy(zer_v, out_hbm.at[pl.ds(o0, OWN)])


@functools.partial(
    pl.kernel,
    out_type=jax.ShapeDtypeStruct((NC, N, HD), jnp.float32),
    mesh=_mesh,
    compiler_params=pltpu.CompilerParams(use_tc_tiling_on_sc=False),
    scratch_types=[
        pltpu.VMEM((NCHUNK, C), jnp.int32),
        pltpu.VMEM((NCHUNK, C), jnp.int32),
        pltpu.VMEM((4, C, HD), jnp.float32),
        pltpu.VMEM((ZR, HD), jnp.float32),
        pltpu.VMEM_SHARED((NP, HD), jnp.float32),
        pltpu.SemaphoreType.DMA,
        pltpu.SemaphoreType.DMA,
    ],
)
def _prop_kernel(h_hbm, src_hbm, dst_hbm, zeros_hbm, out_hbm,
                 src_v, dst_v, bufs, zbuf, acc, gsem, ssem):
    c = lax.axis_index("c")
    s = lax.axis_index("s")
    iload = [pltpu.async_copy(src_hbm.at[s], src_v, gsem),
             pltpu.async_copy(dst_hbm.at[s], dst_v, gsem)]
    pltpu.sync_copy(zeros_hbm, zbuf)
    @pl.when(s < 10)
    def _():
        zcp = [pltpu.async_copy(zbuf, acc.at[pl.ds(pl.multiple_of(s * OWN + k * ZR, 8), ZR)], ssem)
               for k in range(OWN // ZR)]
        for cp in zcp:
            cp.wait()
    for cp in iload:
        cp.wait()
    hc = h_hbm.at[c]
    R = 4
    NITER = NCHUNK // R
    plsc.subcore_barrier()
    for t in range(R):
        pltpu.async_copy(hc.at[src_v.at[t]], bufs.at[t], gsem)

    def body(j, carry):
        base = R * j
        scs = []
        for t in range(R):
            pltpu.make_async_copy(hc.at[src_v.at[base + t]], bufs.at[t], gsem).wait()
            scs.append(pltpu.async_copy(bufs.at[t], acc.at[dst_v.at[base + t]],
                                        ssem, add=True))
        for t in range(R):
            scs[t].wait()
            @pl.when(j < NITER - 1)
            def _():
                pltpu.async_copy(hc.at[src_v.at[base + R + t]], bufs.at[t], gsem)
        return carry

    lax.fori_loop(0, NITER, body, 0)
    plsc.subcore_barrier()
    @pl.when(s < 10)
    def _():
        for k in range(OWN // ZR):
            r0 = pl.multiple_of(s * OWN + k * ZR, 8)
            pltpu.sync_copy(acc.at[pl.ds(r0, ZR)], zbuf)
            pltpu.sync_copy(zbuf, out_hbm.at[c, pl.ds(r0, ZR)])


def _split_store(o_ref, h):
    o_ref[0, pl.ds(0, N), :] = h[:, :HD]
    o_ref[1, pl.ds(0, N), :] = h[:, HD:]
    z8 = jnp.zeros((8, HD), jnp.float32)
    o_ref[0, pl.ds(N, 8), :] = z8
    o_ref[1, pl.ds(N, 8), :] = z8


def _tc_in_body(x_ref, w_ref, od_ref, o_ref):
    ns = lax.rsqrt(jnp.maximum(od_ref[...], 1.0))
    h = jnp.dot(x_ref[...], w_ref[...], preferred_element_type=jnp.float32)
    _split_store(o_ref, h * ns)


def _tc_mid_body(p_ref, od_ref, id_ref, b1_ref, w_ref, o_ref):
    ns = lax.rsqrt(jnp.maximum(od_ref[...], 1.0))
    nd = lax.rsqrt(jnp.maximum(id_ref[...], 1.0))
    agg = jnp.concatenate([p_ref[0], p_ref[1]], axis=-1) * nd + b1_ref[...]
    z = jnp.maximum(agg, 0.0)
    h = jnp.dot(z, w_ref[...], preferred_element_type=jnp.float32)
    _split_store(o_ref, h * ns)


def _tc_out_body(p_ref, id_ref, b2_ref, o_ref):
    nd = lax.rsqrt(jnp.maximum(id_ref[...], 1.0))
    o_ref[...] = jnp.concatenate([p_ref[0], p_ref[1]], axis=-1) * nd + b2_ref[...]


def kernel(features, edge_index, W1, b1, W2, b2):
    pad = jnp.full((EP - E,), N, jnp.int32)
    srcp = jnp.concatenate([edge_index[0], pad])
    dstp = jnp.concatenate([edge_index[1], pad])
    src_t = srcp.reshape(NS, NCHUNK, C)
    dst_t = dstp.reshape(NS, NCHUNK, C)
    eidx = jnp.stack([srcp, dstp]).reshape(2, NS, DNCH, DC)
    ones_c = jnp.ones((DC,), jnp.float32)
    zeros_own = jnp.zeros((OWN,), jnp.float32)
    zeros_zr = jnp.zeros((ZR, HD), jnp.float32)
    b1r = b1.reshape(1, D)
    b2r = b2.reshape(1, D)

    degs = _deg_kernel(eidx, ones_c, zeros_own)
    od = degs[:N].reshape(N, 1)
    idg = degs[N:].reshape(N, 1)

    f32 = jnp.float32
    h1 = pl.pallas_call(
        _tc_in_body, out_shape=jax.ShapeDtypeStruct((NC, NP, HD), f32),
    )(features, W1, od)
    p1 = _prop_kernel(h1, src_t, dst_t, zeros_zr)
    h2 = pl.pallas_call(
        _tc_mid_body, out_shape=jax.ShapeDtypeStruct((NC, NP, HD), f32),
    )(p1, od, idg, b1r, W2)
    p2 = _prop_kernel(h2, src_t, dst_t, zeros_zr)
    out = pl.pallas_call(
        _tc_out_body, out_shape=jax.ShapeDtypeStruct((N, D), f32),
    )(p2, idg, b2r)
    return out

# --- scband reference (transcript-rebuilt; emitter-appended) ---
"""Pipeline reference for scband-gcn-36730560315397 (READ-ONLY COPY).

The authoritative reference and input builder live on the scoring server;
editing this copy changes nothing except your own understanding.
"""

import jax, jax.numpy as jnp
import numpy as np

N = 10000
E = 320000
D = 128
H1 = 128
H2 = 128

def setup_inputs(seed: int = 0) -> dict:
    key = jax.random.key(seed)
    k1, k2, k3, k4 = jax.random.split(key, 4)
    features = jax.random.normal(k1, (N, D), dtype=jnp.float32)
    edge_index = jax.random.randint(k2, (2, E), 0, N, dtype=jnp.int32)
    W1 = jax.random.normal(k3, (D, H1), dtype=jnp.float32) * (1.0 / np.sqrt(D))
    b1 = jnp.zeros((H1,), dtype=jnp.float32)
    W2 = jax.random.normal(k4, (H1, H2), dtype=jnp.float32) * (1.0 / np.sqrt(H1))
    b2 = jnp.zeros((H2,), dtype=jnp.float32)
    return {"features": features, "edge_index": edge_index, "W1": W1, "b1": b1, "W2": W2, "b2": b2}

def reference(features, edge_index, W1, b1, W2, b2):
    # DGL GraphConv with norm='both': h = D_in^{-1/2} A D_out^{-1/2} X W + b
    src = edge_index[0]
    dst = edge_index[1]
    ones = jnp.ones((edge_index.shape[1],), dtype=jnp.float32)
    out_deg = jax.ops.segment_sum(ones, src, num_segments=N)
    in_deg = jax.ops.segment_sum(ones, dst, num_segments=N)
    norm_src = jax.lax.rsqrt(jnp.clip(out_deg, 1.0, None))
    norm_dst = jax.lax.rsqrt(jnp.clip(in_deg, 1.0, None))

    def gconv(x, W, b):
        h = x * norm_src[:, None]
        h = h @ W
        msgs = h[src]  # gather over edges
        agg = jax.ops.segment_sum(msgs, dst, num_segments=N)  # scatter-add
        agg = agg * norm_dst[:, None]
        return agg + b

    # layer 0: GraphConv with relu activation (dropout p=0.0 is identity)
    z = jax.nn.relu(gconv(features, W1, b1))
    # final encode_z (distribution='none'): GraphConv with identity activation
    z = gconv(z, W2, b2)
    return z

if __name__ == "__main__":
    import jax
    _d = setup_inputs()
    print(jax.jit(kernel)(*tuple(_d.values())))

</pallas_src>

<mosaic_0001>
#map = affine_map<(d0, d1) -> (0, 0, 0)>
#map1 = affine_map<(d0, d1) -> (0, 0)>
module attributes {stable_mosaic.version = 14 : i64} {
  func.func @_prop_kernel(%arg0: i32, %arg1: i32, %arg2: memref<2x10008x64xf32, #tpu.memory_space<hbm>>, %arg3: memref<16x160x128xi32, #tpu.memory_space<hbm>>, %arg4: memref<16x160x128xi32, #tpu.memory_space<hbm>>, %arg5: memref<200x64xf32, #tpu.memory_space<hbm>>, %arg6: memref<2x10000x64xf32, #tpu.memory_space<hbm>>, %arg7: memref<160x128xi32, #tpu.memory_space<vmem>>, %arg8: memref<160x128xi32, #tpu.memory_space<vmem>>, %arg9: memref<4x128x64xf32, #tpu.memory_space<vmem>>, %arg10: memref<200x64xf32, #tpu.memory_space<vmem>>, %arg11: memref<10008x64xf32, #tpu.memory_space<vmem_shared>>, %arg12: memref<!tpu.dma_semaphore, #tpu.memory_space<semaphore_mem>>, %arg13: memref<!tpu.dma_semaphore, #tpu.memory_space<semaphore_mem>>) attributes {dimension_semantics = [#tpu.dimension_semantics<core_parallel>, #tpu.dimension_semantics<subcore_parallel>], iteration_bounds = array<i64: 2, 16>, scalar_prefetch = 0 : i64, scratch_operands = 7 : i64, tpu.core_type = #tpu.core_type<sc_vector_subcore>, window_params = [{transform_indices = #map}, {transform_indices = #map}, {transform_indices = #map}, {transform_indices = #map1}, {transform_indices = #map}]} {
    %dma_start3A = arith.constant 0 : i32
    %dma_start3A_0 = arith.constant 0 : i32
    %dma_start3A_1 = tpu.memref_slice %arg3[%arg1, %dma_start3A, %dma_start3A_0] : memref<16x160x128xi32, #tpu.memory_space<hbm>> -> memref<1x160x128xi32, #tpu.memory_space<hbm>>
    %dma_start3A_2 = tpu.memref_squeeze %dma_start3A_1 : memref<1x160x128xi32, #tpu.memory_space<hbm>> -> memref<160x128xi32, #tpu.memory_space<hbm>>
    %dma_start3A_3 = arith.constant 0 : i32
    %dma_start3A_4 = arith.constant 0 : i32
    %dma_start3A_5 = tpu.memref_slice %arg3[%arg1, %dma_start3A_3, %dma_start3A_4] : memref<16x160x128xi32, #tpu.memory_space<hbm>> -> memref<1x160x128xi32, #tpu.memory_space<hbm>>
    %dma_start3A_6 = tpu.memref_squeeze %dma_start3A_5 : memref<1x160x128xi32, #tpu.memory_space<hbm>> -> memref<160x128xi32, #tpu.memory_space<hbm>>
    tpu.enqueue_dma source(%dma_start3A_6 : memref<160x128xi32, #tpu.memory_space<hbm>>) target(%arg7 : memref<160x128xi32, #tpu.memory_space<vmem>>) target_semaphore(%arg12 : memref<!tpu.dma_semaphore, #tpu.memory_space<semaphore_mem>>)
    %dma_start3A_7 = arith.constant 0 : i32
    %dma_start3A_8 = arith.constant 0 : i32
    %dma_start3A_9 = tpu.memref_slice %arg4[%arg1, %dma_start3A_7, %dma_start3A_8] : memref<16x160x128xi32, #tpu.memory_space<hbm>> -> memref<1x160x128xi32, #tpu.memory_space<hbm>>
    %dma_start3A_10 = tpu.memref_squeeze %dma_start3A_9 : memref<1x160x128xi32, #tpu.memory_space<hbm>> -> memref<160x128xi32, #tpu.memory_space<hbm>>
    %dma_start3A_11 = arith.constant 0 : i32
    %dma_start3A_12 = arith.constant 0 : i32
    %dma_start3A_13 = tpu.memref_slice %arg4[%arg1, %dma_start3A_11, %dma_start3A_12] : memref<16x160x128xi32, #tpu.memory_space<hbm>> -> memref<1x160x128xi32, #tpu.memory_space<hbm>>
    %dma_start3A_14 = tpu.memref_squeeze %dma_start3A_13 : memref<1x160x128xi32, #tpu.memory_space<hbm>> -> memref<160x128xi32, #tpu.memory_space<hbm>>
    tpu.enqueue_dma source(%dma_start3A_14 : memref<160x128xi32, #tpu.memory_space<hbm>>) target(%arg8 : memref<160x128xi32, #tpu.memory_space<vmem>>) target_semaphore(%arg12 : memref<!tpu.dma_semaphore, #tpu.memory_space<semaphore_mem>>)
    "tpu.region"() ({
      %run_scoped3A = tpu.sem_alloc : memref<!tpu.dma_semaphore, #tpu.memory_space<semaphore_mem>>
      tpu.enqueue_dma source(%arg5 : memref<200x64xf32, #tpu.memory_space<hbm>>) target(%arg10 : memref<200x64xf32, #tpu.memory_space<vmem>>) target_semaphore(%run_scoped3A : memref<!tpu.dma_semaphore, #tpu.memory_space<semaphore_mem>>)
      tpu.wait_dma2 semaphore(%run_scoped3A : memref<!tpu.dma_semaphore, #tpu.memory_space<semaphore_mem>>) src(%arg5 : memref<200x64xf32, #tpu.memory_space<hbm>>) dst(%arg10 : memref<200x64xf32, #tpu.memory_space<vmem>>)
      tpu.yield
    }) : () -> ()
    %lt3A = arith.constant 10 : i32
    %lt3A_15 = arith.cmpi slt, %arg1, %lt3A : i32
    %convert_element_type3A = arith.extui %lt3A_15 : i1 to i32
    %cond3A = arith.constant 0 : i32
    %cond3A_16 = arith.cmpi ne, %convert_element_type3A, %cond3A : i32
    scf.if %cond3A_16 {
      %mul3A = arith.constant 1000 : i32
      %mul3A_107 = arith.muli %arg1, %mul3A : i32
      %add3A = arith.constant 0 : i32
      %add3A_108 = arith.addi %mul3A_107, %add3A : i32
      %multiple_of3A = tpu.assume_multiple %add3A_108, 8 : i32
      %dma_start3A_109 = arith.constant 0 : i32
      %dma_start3A_110 = tpu.memref_slice %arg11[%multiple_of3A, %dma_start3A_109] : memref<10008x64xf32, #tpu.memory_space<vmem_shared>> -> memref<200x64xf32, #tpu.memory_space<vmem_shared>>
      %dma_start3A_111 = arith.constant 0 : i32
      %dma_start3A_112 = tpu.memref_slice %arg11[%multiple_of3A, %dma_start3A_111] : memref<10008x64xf32, #tpu.memory_space<vmem_shared>> -> memref<200x64xf32, #tpu.memory_space<vmem_shared>>
      tpu.enqueue_dma source(%arg10 : memref<200x64xf32, #tpu.memory_space<vmem>>) target(%dma_start3A_112 : memref<200x64xf32, #tpu.memory_space<vmem_shared>>) target_semaphore(%arg13 : memref<!tpu.dma_semaphore, #tpu.memory_space<semaphore_mem>>)
      %mul3A_113 = arith.constant 1000 : i32
      %mul3A_114 = arith.muli %arg1, %mul3A_113 : i32
      %add3A_115 = arith.constant 200 : i32
      %add3A_116 = arith.addi %mul3A_114, %add3A_115 : i32
      %multiple_of3A_117 = tpu.assume_multiple %add3A_116, 8 : i32
      %dma_start3A_118 = arith.constant 0 : i32
      %dma_start3A_119 = tpu.memref_slice %arg11[%multiple_of3A_117, %dma_start3A_118] : memref<10008x64xf32, #tpu.memory_space<vmem_shared>> -> memref<200x64xf32, #tpu.memory_space<vmem_shared>>
      %dma_start3A_120 = arith.constant 0 : i32
      %dma_start3A_121 = tpu.memref_slice %arg11[%multiple_of3A_117, %dma_start3A_120] : memref<10008x64xf32, #tpu.memory_space<vmem_shared>> -> memref<200x64xf32, #tpu.memory_space<vmem_shared>>
      tpu.enqueue_dma source(%arg10 : memref<200x64xf32, #tpu.memory_space<vmem>>) target(%dma_start3A_121 : memref<200x64xf32, #tpu.memory_space<vmem_shared>>) target_semaphore(%arg13 : memref<!tpu.dma_semaphore, #tpu.memory_space<semaphore_mem>>)
      %mul3A_122 = arith.constant 1000 : i32
      %mul3A_123 = arith.muli %arg1, %mul3A_122 : i32
      %add3A_124 = arith.constant 400 : i32
      %add3A_125 = arith.addi %mul3A_123, %add3A_124 : i32
      %multiple_of3A_126 = tpu.assume_multiple %add3A_125, 8 : i32
      %dma_start3A_127 = arith.constant 0 : i32
      %dma_start3A_128 = tpu.memref_slice %arg11[%multiple_of3A_126, %dma_start3A_127] : memref<10008x64xf32, #tpu.memory_space<vmem_shared>> -> memref<200x64xf32, #tpu.memory_space<vmem_shared>>
      %dma_start3A_129 = arith.constant 0 : i32
      %dma_start3A_130 = tpu.memref_slice %arg11[%multiple_of3A_126, %dma_start3A_129] : memref<10008x64xf32, #tpu.memory_space<vmem_shared>> -> memref<200x64xf32, #tpu.memory_space<vmem_shared>>
      tpu.enqueue_dma source(%arg10 : memref<200x64xf32, #tpu.memory_space<vmem>>) target(%dma_start3A_130 : memref<200x64xf32, #tpu.memory_space<vmem_shared>>) target_semaphore(%arg13 : memref<!tpu.dma_semaphore, #tpu.memory_space<semaphore_mem>>)
      %mul3A_131 = arith.constant 1000 : i32
      %mul3A_132 = arith.muli %arg1, %mul3A_131 : i32
      %add3A_133 = arith.constant 600 : i32
      %add3A_134 = arith.addi %mul3A_132, %add3A_133 : i32
      %multiple_of3A_135 = tpu.assume_multiple %add3A_134, 8 : i32
      %dma_start3A_136 = arith.constant 0 : i32
      %dma_start3A_137 = tpu.memref_slice %arg11[%multiple_of3A_135, %dma_start3A_136] : memref<10008x64xf32, #tpu.memory_space<vmem_shared>> -> memref<200x64xf32, #tpu.memory_space<vmem_shared>>
      %dma_start3A_138 = arith.constant 0 : i32
      %dma_start3A_139 = tpu.memref_slice %arg11[%multiple_of3A_135, %dma_start3A_138] : memref<10008x64xf32, #tpu.memory_space<vmem_shared>> -> memref<200x64xf32, #tpu.memory_space<vmem_shared>>
      tpu.enqueue_dma source(%arg10 : memref<200x64xf32, #tpu.memory_space<vmem>>) target(%dma_start3A_139 : memref<200x64xf32, #tpu.memory_space<vmem_shared>>) target_semaphore(%arg13 : memref<!tpu.dma_semaphore, #tpu.memory_space<semaphore_mem>>)
      %mul3A_140 = arith.constant 1000 : i32
      %mul3A_141 = arith.muli %arg1, %mul3A_140 : i32
      %add3A_142 = arith.constant 800 : i32
      %add3A_143 = arith.addi %mul3A_141, %add3A_142 : i32
      %multiple_of3A_144 = tpu.assume_multiple %add3A_143, 8 : i32
      %dma_start3A_145 = arith.constant 0 : i32
      %dma_start3A_146 = tpu.memref_slice %arg11[%multiple_of3A_144, %dma_start3A_145] : memref<10008x64xf32, #tpu.memory_space<vmem_shared>> -> memref<200x64xf32, #tpu.memory_space<vmem_shared>>
      %dma_start3A_147 = arith.constant 0 : i32
      %dma_start3A_148 = tpu.memref_slice %arg11[%multiple_of3A_144, %dma_start3A_147] : memref<10008x64xf32, #tpu.memory_space<vmem_shared>> -> memref<200x64xf32, #tpu.memory_space<vmem_shared>>
      tpu.enqueue_dma source(%arg10 : memref<200x64xf32, #tpu.memory_space<vmem>>) target(%dma_start3A_148 : memref<200x64xf32, #tpu.memory_space<vmem_shared>>) target_semaphore(%arg13 : memref<!tpu.dma_semaphore, #tpu.memory_space<semaphore_mem>>)
      %dma_wait3A_149 = arith.constant 0 : i32
      %dma_wait3A_150 = tpu.memref_slice %arg11[%multiple_of3A, %dma_wait3A_149] : memref<10008x64xf32, #tpu.memory_space<vmem_shared>> -> memref<200x64xf32, #tpu.memory_space<vmem_shared>>
      %dma_wait3A_151 = arith.constant 0 : i32
      %dma_wait3A_152 = tpu.memref_slice %arg11[%multiple_of3A, %dma_wait3A_151] : memref<10008x64xf32, #tpu.memory_space<vmem_shared>> -> memref<200x64xf32, #tpu.memory_space<vmem_shared>>
      tpu.wait_dma2 semaphore(%arg13 : memref<!tpu.dma_semaphore, #tpu.memory_space<semaphore_mem>>) src(%arg10 : memref<200x64xf32, #tpu.memory_space<vmem>>) dst(%dma_wait3A_152 : memref<200x64xf32, #tpu.memory_space<vmem_shared>>)
      %dma_wait3A_153 = arith.constant 0 : i32
      %dma_wait3A_154 = tpu.memref_slice %arg11[%multiple_of3A_117, %dma_wait3A_153] : memref<10008x64xf32, #tpu.memory_space<vmem_shared>> -> memref<200x64xf32, #tpu.memory_space<vmem_shared>>
      %dma_wait3A_155 = arith.constant 0 : i32
      %dma_wait3A_156 = tpu.memref_slice %arg11[%multiple_of3A_117, %dma_wait3A_155] : memref<10008x64xf32, #tpu.memory_space<vmem_shared>> -> memref<200x64xf32, #tpu.memory_space<vmem_shared>>
      tpu.wait_dma2 semaphore(%arg13 : memref<!tpu.dma_semaphore, #tpu.memory_space<semaphore_mem>>) src(%arg10 : memref<200x64xf32, #tpu.memory_space<vmem>>) dst(%dma_wait3A_156 : memref<200x64xf32, #tpu.memory_space<vmem_shared>>)
      %dma_wait3A_157 = arith.constant 0 : i32
      %dma_wait3A_158 = tpu.memref_slice %arg11[%multiple_of3A_126, %dma_wait3A_157] : memref<10008x64xf32, #tpu.memory_space<vmem_shared>> -> memref<200x64xf32, #tpu.memory_space<vmem_shared>>
      %dma_wait3A_159 = arith.constant 0 : i32
      %dma_wait3A_160 = tpu.memref_slice %arg11[%multiple_of3A_126, %dma_wait3A_159] : memref<10008x64xf32, #tpu.memory_space<vmem_shared>> -> memref<200x64xf32, #tpu.memory_space<vmem_shared>>
      tpu.wait_dma2 semaphore(%arg13 : memref<!tpu.dma_semaphore, #tpu.memory_space<semaphore_mem>>) src(%arg10 : memref<200x64xf32, #tpu.memory_space<vmem>>) dst(%dma_wait3A_160 : memref<200x64xf32, #tpu.memory_space<vmem_shared>>)
      %dma_wait3A_161 = arith.constant 0 : i32
      %dma_wait3A_162 = tpu.memref_slice %arg11[%multiple_of3A_135, %dma_wait3A_161] : memref<10008x64xf32, #tpu.memory_space<vmem_shared>> -> memref<200x64xf32, #tpu.memory_space<vmem_shared>>
      %dma_wait3A_163 = arith.constant 0 : i32
      %dma_wait3A_164 = tpu.memref_slice %arg11[%multiple_of3A_135, %dma_wait3A_163] : memref<10008x64xf32, #tpu.memory_space<vmem_shared>> -> memref<200x64xf32, #tpu.memory_space<vmem_shared>>
      tpu.wait_dma2 semaphore(%arg13 : memref<!tpu.dma_semaphore, #tpu.memory_space<semaphore_mem>>) src(%arg10 : memref<200x64xf32, #tpu.memory_space<vmem>>) dst(%dma_wait3A_164 : memref<200x64xf32, #tpu.memory_space<vmem_shared>>)
      %dma_wait3A_165 = arith.constant 0 : i32
      %dma_wait3A_166 = tpu.memref_slice %arg11[%multiple_of3A_144, %dma_wait3A_165] : memref<10008x64xf32, #tpu.memory_space<vmem_shared>> -> memref<200x64xf32, #tpu.memory_space<vmem_shared>>
      %dma_wait3A_167 = arith.constant 0 : i32
      %dma_wait3A_168 = tpu.memref_slice %arg11[%multiple_of3A_144, %dma_wait3A_167] : memref<10008x64xf32, #tpu.memory_space<vmem_shared>> -> memref<200x64xf32, #tpu.memory_space<vmem_shared>>
      tpu.wait_dma2 semaphore(%arg13 : memref<!tpu.dma_semaphore, #tpu.memory_space<semaphore_mem>>) src(%arg10 : memref<200x64xf32, #tpu.memory_space<vmem>>) dst(%dma_wait3A_168 : memref<200x64xf32, #tpu.memory_space<vmem_shared>>)
    } else {
    }
    %dma_wait3A = arith.constant 0 : i32
    %dma_wait3A_17 = arith.constant 0 : i32
    %dma_wait3A_18 = tpu.memref_slice %arg3[%arg1, %dma_wait3A, %dma_wait3A_17] : memref<16x160x128xi32, #tpu.memory_space<hbm>> -> memref<1x160x128xi32, #tpu.memory_space<hbm>>
    %dma_wait3A_19 = tpu.memref_squeeze %dma_wait3A_18 : memref<1x160x128xi32, #tpu.memory_space<hbm>> -> memref<160x128xi32, #tpu.memory_space<hbm>>
    %dma_wait3A_20 = arith.constant 0 : i32
    %dma_wait3A_21 = arith.constant 0 : i32
    %dma_wait3A_22 = tpu.memref_slice %arg3[%arg1, %dma_wait3A_20, %dma_wait3A_21] : memref<16x160x128xi32, #tpu.memory_space<hbm>> -> memref<1x160x128xi32, #tpu.memory_space<hbm>>
    %dma_wait3A_23 = tpu.memref_squeeze %dma_wait3A_22 : memref<1x160x128xi32, #tpu.memory_space<hbm>> -> memref<160x128xi32, #tpu.memory_space<hbm>>
    tpu.wait_dma2 semaphore(%arg12 : memref<!tpu.dma_semaphore, #tpu.memory_space<semaphore_mem>>) src(%dma_wait3A_23 : memref<160x128xi32, #tpu.memory_space<hbm>>) dst(%arg7 : memref<160x128xi32, #tpu.memory_space<vmem>>)
    %dma_wait3A_24 = arith.constant 0 : i32
    %dma_wait3A_25 = arith.constant 0 : i32
    %dma_wait3A_26 = tpu.memref_slice %arg4[%arg1, %dma_wait3A_24, %dma_wait3A_25] : memref<16x160x128xi32, #tpu.memory_space<hbm>> -> memref<1x160x128xi32, #tpu.memory_space<hbm>>
    %dma_wait3A_27 = tpu.memref_squeeze %dma_wait3A_26 : memref<1x160x128xi32, #tpu.memory_space<hbm>> -> memref<160x128xi32, #tpu.memory_space<hbm>>
    %dma_wait3A_28 = arith.constant 0 : i32
    %dma_wait3A_29 = arith.constant 0 : i32
    %dma_wait3A_30 = tpu.memref_slice %arg4[%arg1, %dma_wait3A_28, %dma_wait3A_29] : memref<16x160x128xi32, #tpu.memory_space<hbm>> -> memref<1x160x128xi32, #tpu.memory_space<hbm>>
    %dma_wait3A_31 = tpu.memref_squeeze %dma_wait3A_30 : memref<1x160x128xi32, #tpu.memory_space<hbm>> -> memref<160x128xi32, #tpu.memory_space<hbm>>
    tpu.wait_dma2 semaphore(%arg12 : memref<!tpu.dma_semaphore, #tpu.memory_space<semaphore_mem>>) src(%dma_wait3A_31 : memref<160x128xi32, #tpu.memory_space<hbm>>) dst(%arg8 : memref<160x128xi32, #tpu.memory_space<vmem>>)
    %barrier3A = arith.constant 0 : index
    tpu.barrier barrier_id(%barrier3A)
    %dma_start3A_32 = arith.constant 0 : i32
    %dma_start3A_33 = arith.constant 0 : i32
    %dma_start3A_34 = arith.constant 0 : i32
    %dma_start3A_35 = arith.constant 0 : i32
    %dma_start3A_36 = tpu.memref_slice %arg9[%dma_start3A_33, %dma_start3A_34, %dma_start3A_35] : memref<4x128x64xf32, #tpu.memory_space<vmem>> -> memref<1x128x64xf32, #tpu.memory_space<vmem>>
    %dma_start3A_37 = tpu.memref_squeeze %dma_start3A_36 : memref<1x128x64xf32, #tpu.memory_space<vmem>> -> memref<128x64xf32, #tpu.memory_space<vmem>>
    %dma_start3A_38 = arith.constant 0 : i32
    %dma_start3A_39 = tpu.memref_slice %arg7[%dma_start3A_32, %dma_start3A_38] : memref<160x128xi32, #tpu.memory_space<vmem>> -> memref<1x128xi32, #tpu.memory_space<vmem>>
    %dma_start3A_40 = tpu.memref_squeeze %dma_start3A_39 : memref<1x128xi32, #tpu.memory_space<vmem>> -> memref<128xi32, #tpu.memory_space<vmem>>
    %dma_start3A_41 = arith.constant 0 : i32
    %dma_start3A_42 = arith.constant 0 : i32
    %dma_start3A_43 = tpu.memref_slice %arg2[%arg0, %dma_start3A_41, %dma_start3A_42] : memref<2x10008x64xf32, #tpu.memory_space<hbm>> -> memref<1x10008x64xf32, #tpu.memory_space<hbm>>
    %dma_start3A_44 = tpu.memref_squeeze %dma_start3A_43 : memref<1x10008x64xf32, #tpu.memory_space<hbm>> -> memref<10008x64xf32, #tpu.memory_space<hbm>>
    %dma_start3A_45 = arith.constant 0 : i32
    %dma_start3A_46 = arith.constant 0 : i32
    %dma_start3A_47 = tpu.memref_slice %dma_start3A_44[%dma_start3A_45, %dma_start3A_46] : memref<10008x64xf32, #tpu.memory_space<hbm>> -> memref<10008x64xf32, #tpu.memory_space<hbm>>
    tpu.enqueue_indirect_dma source(%dma_start3A_47 : memref<10008x64xf32, #tpu.memory_space<hbm>>) target(%dma_start3A_37 : memref<128x64xf32, #tpu.memory_space<vmem>>) offsets(%dma_start3A_40 : memref<128xi32, #tpu.memory_space<vmem>>) semaphore(%arg12 : memref<!tpu.dma_semaphore, #tpu.memory_space<semaphore_mem>>)
    %dma_start3A_48 = arith.constant 1 : i32
    %dma_start3A_49 = arith.constant 1 : i32
    %dma_start3A_50 = arith.constant 0 : i32
    %dma_start3A_51 = arith.constant 0 : i32
    %dma_start3A_52 = tpu.memref_slice %arg9[%dma_start3A_49, %dma_start3A_50, %dma_start3A_51] : memref<4x128x64xf32, #tpu.memory_space<vmem>> -> memref<1x128x64xf32, #tpu.memory_space<vmem>>
    %dma_start3A_53 = tpu.memref_squeeze %dma_start3A_52 : memref<1x128x64xf32, #tpu.memory_space<vmem>> -> memref<128x64xf32, #tpu.memory_space<vmem>>
    %dma_start3A_54 = arith.constant 0 : i32
    %dma_start3A_55 = tpu.memref_slice %arg7[%dma_start3A_48, %dma_start3A_54] : memref<160x128xi32, #tpu.memory_space<vmem>> -> memref<1x128xi32, #tpu.memory_space<vmem>>
    %dma_start3A_56 = tpu.memref_squeeze %dma_start3A_55 : memref<1x128xi32, #tpu.memory_space<vmem>> -> memref<128xi32, #tpu.memory_space<vmem>>
    %dma_start3A_57 = arith.constant 0 : i32
    %dma_start3A_58 = arith.constant 0 : i32
    %dma_start3A_59 = tpu.memref_slice %arg2[%arg0, %dma_start3A_57, %dma_start3A_58] : memref<2x10008x64xf32, #tpu.memory_space<hbm>> -> memref<1x10008x64xf32, #tpu.memory_space<hbm>>
    %dma_start3A_60 = tpu.memref_squeeze %dma_start3A_59 : memref<1x10008x64xf32, #tpu.memory_space<hbm>> -> memref<10008x64xf32, #tpu.memory_space<hbm>>
    %dma_start3A_61 = arith.constant 0 : i32
    %dma_start3A_62 = arith.constant 0 : i32
    %dma_start3A_63 = tpu.memref_slice %dma_start3A_60[%dma_start3A_61, %dma_start3A_62] : memref<10008x64xf32, #tpu.memory_space<hbm>> -> memref<10008x64xf32, #tpu.memory_space<hbm>>
    tpu.enqueue_indirect_dma source(%dma_start3A_63 : memref<10008x64xf32, #tpu.memory_space<hbm>>) target(%dma_start3A_53 : memref<128x64xf32, #tpu.memory_space<vmem>>) offsets(%dma_start3A_56 : memref<128xi32, #tpu.memory_space<vmem>>) semaphore(%arg12 : memref<!tpu.dma_semaphore, #tpu.memory_space<semaphore_mem>>)
    %dma_start3A_64 = arith.constant 2 : i32
    %dma_start3A_65 = arith.constant 2 : i32
    %dma_start3A_66 = arith.constant 0 : i32
    %dma_start3A_67 = arith.constant 0 : i32
    %dma_start3A_68 = tpu.memref_slice %arg9[%dma_start3A_65, %dma_start3A_66, %dma_start3A_67] : memref<4x128x64xf32, #tpu.memory_space<vmem>> -> memref<1x128x64xf32, #tpu.memory_space<vmem>>
    %dma_start3A_69 = tpu.memref_squeeze %dma_start3A_68 : memref<1x128x64xf32, #tpu.memory_space<vmem>> -> memref<128x64xf32, #tpu.memory_space<vmem>>
    %dma_start3A_70 = arith.constant 0 : i32
    %dma_start3A_71 = tpu.memref_slice %arg7[%dma_start3A_64, %dma_start3A_70] : memref<160x128xi32, #tpu.memory_space<vmem>> -> memref<1x128xi32, #tpu.memory_space<vmem>>
    %dma_start3A_72 = tpu.memref_squeeze %dma_start3A_71 : memref<1x128xi32, #tpu.memory_space<vmem>> -> memref<128xi32, #tpu.memory_space<vmem>>
    %dma_start3A_73 = arith.constant 0 : i32
    %dma_start3A_74 = arith.constant 0 : i32
    %dma_start3A_75 = tpu.memref_slice %arg2[%arg0, %dma_start3A_73, %dma_start3A_74] : memref<2x10008x64xf32, #tpu.memory_space<hbm>> -> memref<1x10008x64xf32, #tpu.memory_space<hbm>>
    %dma_start3A_76 = tpu.memref_squeeze %dma_start3A_75 : memref<1x10008x64xf32, #tpu.memory_space<hbm>> -> memref<10008x64xf32, #tpu.memory_space<hbm>>
    %dma_start3A_77 = arith.constant 0 : i32
    %dma_start3A_78 = arith.constant 0 : i32
    %dma_start3A_79 = tpu.memref_slice %dma_start3A_76[%dma_start3A_77, %dma_start3A_78] : memref<10008x64xf32, #tpu.memory_space<hbm>> -> memref<10008x64xf32, #tpu.memory_space<hbm>>
    tpu.enqueue_indirect_dma source(%dma_start3A_79 : memref<10008x64xf32, #tpu.memory_space<hbm>>) target(%dma_start3A_69 : memref<128x64xf32, #tpu.memory_space<vmem>>) offsets(%dma_start3A_72 : memref<128xi32, #tpu.memory_space<vmem>>) semaphore(%arg12 : memref<!tpu.dma_semaphore, #tpu.memory_space<semaphore_mem>>)
    %dma_start3A_80 = arith.constant 3 : i32
    %dma_start3A_81 = arith.constant 3 : i32
    %dma_start3A_82 = arith.constant 0 : i32
    %dma_start3A_83 = arith.constant 0 : i32
    %dma_start3A_84 = tpu.memref_slice %arg9[%dma_start3A_81, %dma_start3A_82, %dma_start3A_83] : memref<4x128x64xf32, #tpu.memory_space<vmem>> -> memref<1x128x64xf32, #tpu.memory_space<vmem>>
    %dma_start3A_85 = tpu.memref_squeeze %dma_start3A_84 : memref<1x128x64xf32, #tpu.memory_space<vmem>> -> memref<128x64xf32, #tpu.memory_space<vmem>>
    %dma_start3A_86 = arith.constant 0 : i32
    %dma_start3A_87 = tpu.memref_slice %arg7[%dma_start3A_80, %dma_start3A_86] : memref<160x128xi32, #tpu.memory_space<vmem>> -> memref<1x128xi32, #tpu.memory_space<vmem>>
    %dma_start3A_88 = tpu.memref_squeeze %dma_start3A_87 : memref<1x128xi32, #tpu.memory_space<vmem>> -> memref<128xi32, #tpu.memory_space<vmem>>
    %dma_start3A_89 = arith.constant 0 : i32
    %dma_start3A_90 = arith.constant 0 : i32
    %dma_start3A_91 = tpu.memref_slice %arg2[%arg0, %dma_start3A_89, %dma_start3A_90] : memref<2x10008x64xf32, #tpu.memory_space<hbm>> -> memref<1x10008x64xf32, #tpu.memory_space<hbm>>
    %dma_start3A_92 = tpu.memref_squeeze %dma_start3A_91 : memref<1x10008x64xf32, #tpu.memory_space<hbm>> -> memref<10008x64xf32, #tpu.memory_space<hbm>>
    %dma_start3A_93 = arith.constant 0 : i32
    %dma_start3A_94 = arith.constant 0 : i32
    %dma_start3A_95 = tpu.memref_slice %dma_start3A_92[%dma_start3A_93, %dma_start3A_94] : memref<10008x64xf32, #tpu.memory_space<hbm>> -> memref<10008x64xf32, #tpu.memory_space<hbm>>
    tpu.enqueue_indirect_dma source(%dma_start3A_95 : memref<10008x64xf32, #tpu.memory_space<hbm>>) target(%dma_start3A_85 : memref<128x64xf32, #tpu.memory_space<vmem>>) offsets(%dma_start3A_88 : memref<128xi32, #tpu.memory_space<vmem>>) semaphore(%arg12 : memref<!tpu.dma_semaphore, #tpu.memory_space<semaphore_mem>>)
    %scan3A = arith.constant 0 : i32
    %scan3A_96 = arith.constant 0 : i32
    %scan3A_97 = arith.constant 40 : i32
    %scan3A_98 = arith.addi %scan3A_96, %scan3A_97 : i32
    %scan3A_99 = arith.constant 1 : i32
    scf.for %scan3A_107 = %scan3A_96 to %scan3A_98 step %scan3A_99  : i32 {
      %mul3A = arith.constant 4 : i32
      %mul3A_108 = arith.muli %mul3A, %scan3A_107 : i32
      %add3A = arith.constant 0 : i32
      %add3A_109 = arith.addi %mul3A_108, %add3A : i32
      %dma_wait3A_110 = arith.constant 0 : i32
      %dma_wait3A_111 = arith.constant 0 : i32
      %dma_wait3A_112 = arith.constant 0 : i32
      %dma_wait3A_113 = tpu.memref_slice %arg9[%dma_wait3A_110, %dma_wait3A_111, %dma_wait3A_112] : memref<4x128x64xf32, #tpu.memory_space<vmem>> -> memref<1x128x64xf32, #tpu.memory_space<vmem>>
      %dma_wait3A_114 = tpu.memref_squeeze %dma_wait3A_113 : memref<1x128x64xf32, #tpu.memory_space<vmem>> -> memref<128x64xf32, #tpu.memory_space<vmem>>
      %dma_wait3A_115 = arith.constant 0 : i32
      %dma_wait3A_116 = tpu.memref_slice %arg7[%add3A_109, %dma_wait3A_115] : memref<160x128xi32, #tpu.memory_space<vmem>> -> memref<1x128xi32, #tpu.memory_space<vmem>>
      %dma_wait3A_117 = tpu.memref_squeeze %dma_wait3A_116 : memref<1x128xi32, #tpu.memory_space<vmem>> -> memref<128xi32, #tpu.memory_space<vmem>>
      %dma_wait3A_118 = arith.constant 0 : i32
      %dma_wait3A_119 = arith.constant 0 : i32
      %dma_wait3A_120 = tpu.memref_slice %arg2[%arg0, %dma_wait3A_118, %dma_wait3A_119] : memref<2x10008x64xf32, #tpu.memory_space<hbm>> -> memref<1x10008x64xf32, #tpu.memory_space<hbm>>
      %dma_wait3A_121 = tpu.memref_squeeze %dma_wait3A_120 : memref<1x10008x64xf32, #tpu.memory_space<hbm>> -> memref<10008x64xf32, #tpu.memory_space<hbm>>
      %dma_wait3A_122 = arith.constant 0 : i32
      %dma_wait3A_123 = arith.constant 0 : i32
      %dma_wait3A_124 = tpu.memref_slice %dma_wait3A_121[%dma_wait3A_122, %dma_wait3A_123] : memref<10008x64xf32, #tpu.memory_space<hbm>> -> memref<10008x64xf32, #tpu.memory_space<hbm>>
      tpu.wait_indirect_dma semaphore(%arg12 : memref<!tpu.dma_semaphore, #tpu.memory_space<semaphore_mem>>) src(%dma_wait3A_124 : memref<10008x64xf32, #tpu.memory_space<hbm>>) dst(%dma_wait3A_114 : memref<128x64xf32, #tpu.memory_space<vmem>>)
      %add3A_125 = arith.constant 0 : i32
      %add3A_126 = arith.addi %mul3A_108, %add3A_125 : i32
      %dma_start3A_127 = arith.constant 0 : i32
      %dma_start3A_128 = arith.constant 0 : i32
      %dma_start3A_129 = arith.constant 0 : i32
      %dma_start3A_130 = tpu.memref_slice %arg9[%dma_start3A_127, %dma_start3A_128, %dma_start3A_129] : memref<4x128x64xf32, #tpu.memory_space<vmem>> -> memref<1x128x64xf32, #tpu.memory_space<vmem>>
      %dma_start3A_131 = tpu.memref_squeeze %dma_start3A_130 : memref<1x128x64xf32, #tpu.memory_space<vmem>> -> memref<128x64xf32, #tpu.memory_space<vmem>>
      %dma_start3A_132 = arith.constant 0 : i32
      %dma_start3A_133 = tpu.memref_slice %arg8[%add3A_126, %dma_start3A_132] : memref<160x128xi32, #tpu.memory_space<vmem>> -> memref<1x128xi32, #tpu.memory_space<vmem>>
      %dma_start3A_134 = tpu.memref_squeeze %dma_start3A_133 : memref<1x128xi32, #tpu.memory_space<vmem>> -> memref<128xi32, #tpu.memory_space<vmem>>
      %dma_start3A_135 = arith.constant 0 : i32
      %dma_start3A_136 = arith.constant 0 : i32
      %dma_start3A_137 = tpu.memref_slice %arg11[%dma_start3A_135, %dma_start3A_136] : memref<10008x64xf32, #tpu.memory_space<vmem_shared>> -> memref<10008x64xf32, #tpu.memory_space<vmem_shared>>
      tpu.enqueue_indirect_dma source(%dma_start3A_131 : memref<128x64xf32, #tpu.memory_space<vmem>>) target(%dma_start3A_137 : memref<10008x64xf32, #tpu.memory_space<vmem_shared>>) offsets(%dma_start3A_134 : memref<128xi32, #tpu.memory_space<vmem>>) semaphore(%arg13 : memref<!tpu.dma_semaphore, #tpu.memory_space<semaphore_mem>>) {add = true}
      %add3A_138 = arith.constant 1 : i32
      %add3A_139 = arith.addi %mul3A_108, %add3A_138 : i32
      %dma_wait3A_140 = arith.constant 1 : i32
      %dma_wait3A_141 = arith.constant 0 : i32
      %dma_wait3A_142 = arith.constant 0 : i32
      %dma_wait3A_143 = tpu.memref_slice %arg9[%dma_wait3A_140, %dma_wait3A_141, %dma_wait3A_142] : memref<4x128x64xf32, #tpu.memory_space<vmem>> -> memref<1x128x64xf32, #tpu.memory_space<vmem>>
      %dma_wait3A_144 = tpu.memref_squeeze %dma_wait3A_143 : memref<1x128x64xf32, #tpu.memory_space<vmem>> -> memref<128x64xf32, #tpu.memory_space<vmem>>
      %dma_wait3A_145 = arith.constant 0 : i32
      %dma_wait3A_146 = tpu.memref_slice %arg7[%add3A_139, %dma_wait3A_145] : memref<160x128xi32, #tpu.memory_space<vmem>> -> memref<1x128xi32, #tpu.memory_space<vmem>>
      %dma_wait3A_147 = tpu.memref_squeeze %dma_wait3A_146 : memref<1x128xi32, #tpu.memory_space<vmem>> -> memref<128xi32, #tpu.memory_space<vmem>>
      %dma_wait3A_148 = arith.constant 0 : i32
      %dma_wait3A_149 = arith.constant 0 : i32
      %dma_wait3A_150 = tpu.memref_slice %arg2[%arg0, %dma_wait3A_148, %dma_wait3A_149] : memref<2x10008x64xf32, #tpu.memory_space<hbm>> -> memref<1x10008x64xf32, #tpu.memory_space<hbm>>
      %dma_wait3A_151 = tpu.memref_squeeze %dma_wait3A_150 : memref<1x10008x64xf32, #tpu.memory_space<hbm>> -> memref<10008x64xf32, #tpu.memory_space<hbm>>
      %dma_wait3A_152 = arith.constant 0 : i32
      %dma_wait3A_153 = arith.constant 0 : i32
      %dma_wait3A_154 = tpu.memref_slice %dma_wait3A_151[%dma_wait3A_152, %dma_wait3A_153] : memref<10008x64xf32, #tpu.memory_space<hbm>> -> memref<10008x64xf32, #tpu.memory_space<hbm>>
      tpu.wait_indirect_dma semaphore(%arg12 : memref<!tpu.dma_semaphore, #tpu.memory_space<semaphore_mem>>) src(%dma_wait3A_154 : memref<10008x64xf32, #tpu.memory_space<hbm>>) dst(%dma_wait3A_144 : memref<128x64xf32, #tpu.memory_space<vmem>>)
      %add3A_155 = arith.constant 1 : i32
      %add3A_156 = arith.addi %mul3A_108, %add3A_155 : i32
      %dma_start3A_157 = arith.constant 1 : i32
      %dma_start3A_158 = arith.constant 0 : i32
      %dma_start3A_159 = arith.constant 0 : i32
      %dma_start3A_160 = tpu.memref_slice %arg9[%dma_start3A_157, %dma_start3A_158, %dma_start3A_159] : memref<4x128x64xf32, #tpu.memory_space<vmem>> -> memref<1x128x64xf32, #tpu.memory_space<vmem>>
      %dma_start3A_161 = tpu.memref_squeeze %dma_start3A_160 : memref<1x128x64xf32, #tpu.memory_space<vmem>> -> memref<128x64xf32, #tpu.memory_space<vmem>>
      %dma_start3A_162 = arith.constant 0 : i32
      %dma_start3A_163 = tpu.memref_slice %arg8[%add3A_156, %dma_start3A_162] : memref<160x128xi32, #tpu.memory_space<vmem>> -> memref<1x128xi32, #tpu.memory_space<vmem>>
      %dma_start3A_164 = tpu.memref_squeeze %dma_start3A_163 : memref<1x128xi32, #tpu.memory_space<vmem>> -> memref<128xi32, #tpu.memory_space<vmem>>
      %dma_start3A_165 = arith.constant 0 : i32
      %dma_start3A_166 = arith.constant 0 : i32
      %dma_start3A_167 = tpu.memref_slice %arg11[%dma_start3A_165, %dma_start3A_166] : memref<10008x64xf32, #tpu.memory_space<vmem_shared>> -> memref<10008x64xf32, #tpu.memory_space<vmem_shared>>
      tpu.enqueue_indirect_dma source(%dma_start3A_161 : memref<128x64xf32, #tpu.memory_space<vmem>>) target(%dma_start3A_167 : memref<10008x64xf32, #tpu.memory_space<vmem_shared>>) offsets(%dma_start3A_164 : memref<128xi32, #tpu.memory_space<vmem>>) semaphore(%arg13 : memref<!tpu.dma_semaphore, #tpu.memory_space<semaphore_mem>>) {add = true}
      %add3A_168 = arith.constant 2 : i32
      %add3A_169 = arith.addi %mul3A_108, %add3A_168 : i32
      %dma_wait3A_170 = arith.constant 2 : i32
      %dma_wait3A_171 = arith.constant 0 : i32
      %dma_wait3A_172 = arith.constant 0 : i32
      %dma_wait3A_173 = tpu.memref_slice %arg9[%dma_wait3A_170, %dma_wait3A_171, %dma_wait3A_172] : memref<4x128x64xf32, #tpu.memory_space<vmem>> -> memref<1x128x64xf32, #tpu.memory_space<vmem>>
      %dma_wait3A_174 = tpu.memref_squeeze %dma_wait3A_173 : memref<1x128x64xf32, #tpu.memory_space<vmem>> -> memref<128x64xf32, #tpu.memory_space<vmem>>
      %dma_wait3A_175 = arith.constant 0 : i32
      %dma_wait3A_176 = tpu.memref_slice %arg7[%add3A_169, %dma_wait3A_175] : memref<160x128xi32, #tpu.memory_space<vmem>> -> memref<1x128xi32, #tpu.memory_space<vmem>>
      %dma_wait3A_177 = tpu.memref_squeeze %dma_wait3A_176 : memref<1x128xi32, #tpu.memory_space<vmem>> -> memref<128xi32, #tpu.memory_space<vmem>>
      %dma_wait3A_178 = arith.constant 0 : i32
      %dma_wait3A_179 = arith.constant 0 : i32
      %dma_wait3A_180 = tpu.memref_slice %arg2[%arg0, %dma_wait3A_178, %dma_wait3A_179] : memref<2x10008x64xf32, #tpu.memory_space<hbm>> -> memref<1x10008x64xf32, #tpu.memory_space<hbm>>
      %dma_wait3A_181 = tpu.memref_squeeze %dma_wait3A_180 : memref<1x10008x64xf32, #tpu.memory_space<hbm>> -> memref<10008x64xf32, #tpu.memory_space<hbm>>
      %dma_wait3A_182 = arith.constant 0 : i32
      %dma_wait3A_183 = arith.constant 0 : i32
      %dma_wait3A_184 = tpu.memref_slice %dma_wait3A_181[%dma_wait3A_182, %dma_wait3A_183] : memref<10008x64xf32, #tpu.memory_space<hbm>> -> memref<10008x64xf32, #tpu.memory_space<hbm>>
      tpu.wait_indirect_dma semaphore(%arg12 : memref<!tpu.dma_semaphore, #tpu.memory_space<semaphore_mem>>) src(%dma_wait3A_184 : memref<10008x64xf32, #tpu.memory_space<hbm>>) dst(%dma_wait3A_174 : memref<128x64xf32, #tpu.memory_space<vmem>>)
      %add3A_185 = arith.constant 2 : i32
      %add3A_186 = arith.addi %mul3A_108, %add3A_185 : i32
      %dma_start3A_187 = arith.constant 2 : i32
      %dma_start3A_188 = arith.constant 0 : i32
      %dma_start3A_189 = arith.constant 0 : i32
      %dma_start3A_190 = tpu.memref_slice %arg9[%dma_start3A_187, %dma_start3A_188, %dma_start3A_189] : memref<4x128x64xf32, #tpu.memory_space<vmem>> -> memref<1x128x64xf32, #tpu.memory_space<vmem>>
      %dma_start3A_191 = tpu.memref_squeeze %dma_start3A_190 : memref<1x128x64xf32, #tpu.memory_space<vmem>> -> memref<128x64xf32, #tpu.memory_space<vmem>>
      %dma_start3A_192 = arith.constant 0 : i32
      %dma_start3A_193 = tpu.memref_slice %arg8[%add3A_186, %dma_start3A_192] : memref<160x128xi32, #tpu.memory_space<vmem>> -> memref<1x128xi32, #tpu.memory_space<vmem>>
      %dma_start3A_194 = tpu.memref_squeeze %dma_start3A_193 : memref<1x128xi32, #tpu.memory_space<vmem>> -> memref<128xi32, #tpu.memory_space<vmem>>
      %dma_start3A_195 = arith.constant 0 : i32
      %dma_start3A_196 = arith.constant 0 : i32
      %dma_start3A_197 = tpu.memref_slice %arg11[%dma_start3A_195, %dma_start3A_196] : memref<10008x64xf32, #tpu.memory_space<vmem_shared>> -> memref<10008x64xf32, #tpu.memory_space<vmem_shared>>
      tpu.enqueue_indirect_dma source(%dma_start3A_191 : memref<128x64xf32, #tpu.memory_space<vmem>>) target(%dma_start3A_197 : memref<10008x64xf32, #tpu.memory_space<vmem_shared>>) offsets(%dma_start3A_194 : memref<128xi32, #tpu.memory_space<vmem>>) semaphore(%arg13 : memref<!tpu.dma_semaphore, #tpu.memory_space<semaphore_mem>>) {add = true}
      %add3A_198 = arith.constant 3 : i32
      %add3A_199 = arith.addi %mul3A_108, %add3A_198 : i32
      %dma_wait3A_200 = arith.constant 3 : i32
      %dma_wait3A_201 = arith.constant 0 : i32
      %dma_wait3A_202 = arith.constant 0 : i32
      %dma_wait3A_203 = tpu.memref_slice %arg9[%dma_wait3A_200, %dma_wait3A_201, %dma_wait3A_202] : memref<4x128x64xf32, #tpu.memory_space<vmem>> -> memref<1x128x64xf32, #tpu.memory_space<vmem>>
      %dma_wait3A_204 = tpu.memref_squeeze %dma_wait3A_203 : memref<1x128x64xf32, #tpu.memory_space<vmem>> -> memref<128x64xf32, #tpu.memory_space<vmem>>
      %dma_wait3A_205 = arith.constant 0 : i32
      %dma_wait3A_206 = tpu.memref_slice %arg7[%add3A_199, %dma_wait3A_205] : memref<160x128xi32, #tpu.memory_space<vmem>> -> memref<1x128xi32, #tpu.memory_space<vmem>>
      %dma_wait3A_207 = tpu.memref_squeeze %dma_wait3A_206 : memref<1x128xi32, #tpu.memory_space<vmem>> -> memref<128xi32, #tpu.memory_space<vmem>>
      %dma_wait3A_208 = arith.constant 0 : i32
      %dma_wait3A_209 = arith.constant 0 : i32
      %dma_wait3A_210 = tpu.memref_slice %arg2[%arg0, %dma_wait3A_208, %dma_wait3A_209] : memref<2x10008x64xf32, #tpu.memory_space<hbm>> -> memref<1x10008x64xf32, #tpu.memory_space<hbm>>
      %dma_wait3A_211 = tpu.memref_squeeze %dma_wait3A_210 : memref<1x10008x64xf32, #tpu.memory_space<hbm>> -> memref<10008x64xf32, #tpu.memory_space<hbm>>
      %dma_wait3A_212 = arith.constant 0 : i32
      %dma_wait3A_213 = arith.constant 0 : i32
      %dma_wait3A_214 = tpu.memref_slice %dma_wait3A_211[%dma_wait3A_212, %dma_wait3A_213] : memref<10008x64xf32, #tpu.memory_space<hbm>> -> memref<10008x64xf32, #tpu.memory_space<hbm>>
      tpu.wait_indirect_dma semaphore(%arg12 : memref<!tpu.dma_semaphore, #tpu.memory_space<semaphore_mem>>) src(%dma_wait3A_214 : memref<10008x64xf32, #tpu.memory_space<hbm>>) dst(%dma_wait3A_204 : memref<128x64xf32, #tpu.memory_space<vmem>>)
      %add3A_215 = arith.constant 3 : i32
      %add3A_216 = arith.addi %mul3A_108, %add3A_215 : i32
      %dma_start3A_217 = arith.constant 3 : i32
      %dma_start3A_218 = arith.constant 0 : i32
      %dma_start3A_219 = arith.constant 0 : i32
      %dma_start3A_220 = tpu.memref_slice %arg9[%dma_start3A_217, %dma_start3A_218, %dma_start3A_219] : memref<4x128x64xf32, #tpu.memory_space<vmem>> -> memref<1x128x64xf32, #tpu.memory_space<vmem>>
      %dma_start3A_221 = tpu.memref_squeeze %dma_start3A_220 : memref<1x128x64xf32, #tpu.memory_space<vmem>> -> memref<128x64xf32, #tpu.memory_space<vmem>>
      %dma_start3A_222 = arith.constant 0 : i32
      %dma_start3A_223 = tpu.memref_slice %arg8[%add3A_216, %dma_start3A_222] : memref<160x128xi32, #tpu.memory_space<vmem>> -> memref<1x128xi32, #tpu.memory_space<vmem>>
      %dma_start3A_224 = tpu.memref_squeeze %dma_start3A_223 : memref<1x128xi32, #tpu.memory_space<vmem>> -> memref<128xi32, #tpu.memory_space<vmem>>
      %dma_start3A_225 = arith.constant 0 : i32
      %dma_start3A_226 = arith.constant 0 : i32
      %dma_start3A_227 = tpu.memref_slice %arg11[%dma_start3A_225, %dma_start3A_226] : memref<10008x64xf32, #tpu.memory_space<vmem_shared>> -> memref<10008x64xf32, #tpu.memory_space<vmem_shared>>
      tpu.enqueue_indirect_dma source(%dma_start3A_221 : memref<128x64xf32, #tpu.memory_space<vmem>>) target(%dma_start3A_227 : memref<10008x64xf32, #tpu.memory_space<vmem_shared>>) offsets(%dma_start3A_224 : memref<128xi32, #tpu.memory_space<vmem>>) semaphore(%arg13 : memref<!tpu.dma_semaphore, #tpu.memory_space<semaphore_mem>>) {add = true}
      %dma_wait3A_228 = arith.constant 0 : i32
      %dma_wait3A_229 = arith.constant 0 : i32
      %dma_wait3A_230 = arith.constant 0 : i32
      %dma_wait3A_231 = tpu.memref_slice %arg9[%dma_wait3A_228, %dma_wait3A_229, %dma_wait3A_230] : memref<4x128x64xf32, #tpu.memory_space<vmem>> -> memref<1x128x64xf32, #tpu.memory_space<vmem>>
      %dma_wait3A_232 = tpu.memref_squeeze %dma_wait3A_231 : memref<1x128x64xf32, #tpu.memory_space<vmem>> -> memref<128x64xf32, #tpu.memory_space<vmem>>
      %dma_wait3A_233 = arith.constant 0 : i32
      %dma_wait3A_234 = tpu.memref_slice %arg8[%add3A_126, %dma_wait3A_233] : memref<160x128xi32, #tpu.memory_space<vmem>> -> memref<1x128xi32, #tpu.memory_space<vmem>>
      %dma_wait3A_235 = tpu.memref_squeeze %dma_wait3A_234 : memref<1x128xi32, #tpu.memory_space<vmem>> -> memref<128xi32, #tpu.memory_space<vmem>>
      %dma_wait3A_236 = arith.constant 0 : i32
      %dma_wait3A_237 = arith.constant 0 : i32
      %dma_wait3A_238 = tpu.memref_slice %arg11[%dma_wait3A_236, %dma_wait3A_237] : memref<10008x64xf32, #tpu.memory_space<vmem_shared>> -> memref<10008x64xf32, #tpu.memory_space<vmem_shared>>
      tpu.wait_indirect_dma semaphore(%arg13 : memref<!tpu.dma_semaphore, #tpu.memory_space<semaphore_mem>>) src(%dma_wait3A_232 : memref<128x64xf32, #tpu.memory_space<vmem>>) dst(%dma_wait3A_238 : memref<10008x64xf32, #tpu.memory_space<vmem_shared>>)
      %lt3A_239 = arith.constant 39 : i32
      %lt3A_240 = arith.cmpi slt, %scan3A_107, %lt3A_239 : i32
      %convert_element_type3A_241 = arith.extui %lt3A_240 : i1 to i32
      %cond3A_242 = arith.constant 0 : i32
      %cond3A_243 = arith.cmpi ne, %convert_element_type3A_241, %cond3A_242 : i32
      scf.if %cond3A_243 {
        %add3A_292 = arith.constant 4 : i32
        %add3A_293 = arith.addi %mul3A_108, %add3A_292 : i32
        %add3A_294 = arith.constant 0 : i32
        %add3A_295 = arith.addi %add3A_293, %add3A_294 : i32
        %dma_start3A_296 = arith.constant 0 : i32
        %dma_start3A_297 = arith.constant 0 : i32
        %dma_start3A_298 = arith.constant 0 : i32
        %dma_start3A_299 = tpu.memref_slice %arg9[%dma_start3A_296, %dma_start3A_297, %dma_start3A_298] : memref<4x128x64xf32, #tpu.memory_space<vmem>> -> memref<1x128x64xf32, #tpu.memory_space<vmem>>
        %dma_start3A_300 = tpu.memref_squeeze %dma_start3A_299 : memref<1x128x64xf32, #tpu.memory_space<vmem>> -> memref<128x64xf32, #tpu.memory_space<vmem>>
        %dma_start3A_301 = arith.constant 0 : i32
        %dma_start3A_302 = tpu.memref_slice %arg7[%add3A_295, %dma_start3A_301] : memref<160x128xi32, #tpu.memory_space<vmem>> -> memref<1x128xi32, #tpu.memory_space<vmem>>
        %dma_start3A_303 = tpu.memref_squeeze %dma_start3A_302 : memref<1x128xi32, #tpu.memory_space<vmem>> -> memref<128xi32, #tpu.memory_space<vmem>>
        %dma_start3A_304 = arith.constant 0 : i32
        %dma_start3A_305 = arith.constant 0 : i32
        %dma_start3A_306 = tpu.memref_slice %arg2[%arg0, %dma_start3A_304, %dma_start3A_305] : memref<2x10008x64xf32, #tpu.memory_space<hbm>> -> memref<1x10008x64xf32, #tpu.memory_space<hbm>>
        %dma_start3A_307 = tpu.memref_squeeze %dma_start3A_306 : memref<1x10008x64xf32, #tpu.memory_space<hbm>> -> memref<10008x64xf32, #tpu.memory_space<hbm>>
        %dma_start3A_308 = arith.constant 0 : i32
        %dma_start3A_309 = arith.constant 0 : i32
        %dma_start3A_310 = tpu.memref_slice %dma_start3A_307[%dma_start3A_308, %dma_start3A_309] : memref<10008x64xf32, #tpu.memory_space<hbm>> -> memref<10008x64xf32, #tpu.memory_space<hbm>>
        tpu.enqueue_indirect_dma source(%dma_start3A_310 : memref<10008x64xf32, #tpu.memory_space<hbm>>) target(%dma_start3A_300 : memref<128x64xf32, #tpu.memory_space<vmem>>) offsets(%dma_start3A_303 : memref<128xi32, #tpu.memory_space<vmem>>) semaphore(%arg12 : memref<!tpu.dma_semaphore, #tpu.memory_space<semaphore_mem>>)
      } else {
      }
      %dma_wait3A_244 = arith.constant 1 : i32
      %dma_wait3A_245 = arith.constant 0 : i32
      %dma_wait3A_246 = arith.constant 0 : i32
      %dma_wait3A_247 = tpu.memref_slice %arg9[%dma_wait3A_244, %dma_wait3A_245, %dma_wait3A_246] : memref<4x128x64xf32, #tpu.memory_space<vmem>> -> memref<1x128x64xf32, #tpu.memory_space<vmem>>
      %dma_wait3A_248 = tpu.memref_squeeze %dma_wait3A_247 : memref<1x128x64xf32, #tpu.memory_space<vmem>> -> memref<128x64xf32, #tpu.memory_space<vmem>>
      %dma_wait3A_249 = arith.constant 0 : i32
      %dma_wait3A_250 = tpu.memref_slice %arg8[%add3A_156, %dma_wait3A_249] : memref<160x128xi32, #tpu.memory_space<vmem>> -> memref<1x128xi32, #tpu.memory_space<vmem>>
      %dma_wait3A_251 = tpu.memref_squeeze %dma_wait3A_250 : memref<1x128xi32, #tpu.memory_space<vmem>> -> memref<128xi32, #tpu.memory_space<vmem>>
      %dma_wait3A_252 = arith.constant 0 : i32
      %dma_wait3A_253 = arith.constant 0 : i32
      %dma_wait3A_254 = tpu.memref_slice %arg11[%dma_wait3A_252, %dma_wait3A_253] : memref<10008x64xf32, #tpu.memory_space<vmem_shared>> -> memref<10008x64xf32, #tpu.memory_space<vmem_shared>>
      tpu.wait_indirect_dma semaphore(%arg13 : memref<!tpu.dma_semaphore, #tpu.memory_space<semaphore_mem>>) src(%dma_wait3A_248 : memref<128x64xf32, #tpu.memory_space<vmem>>) dst(%dma_wait3A_254 : memref<10008x64xf32, #tpu.memory_space<vmem_shared>>)
      %lt3A_255 = arith.constant 39 : i32
      %lt3A_256 = arith.cmpi slt, %scan3A_107, %lt3A_255 : i32
      %convert_element_type3A_257 = arith.extui %lt3A_256 : i1 to i32
      %cond3A_258 = arith.constant 0 : i32
      %cond3A_259 = arith.cmpi ne, %convert_element_type3A_257, %cond3A_258 : i32
      scf.if %cond3A_259 {
        %add3A_292 = arith.constant 4 : i32
        %add3A_293 = arith.addi %mul3A_108, %add3A_292 : i32
        %add3A_294 = arith.constant 1 : i32
        %add3A_295 = arith.addi %add3A_293, %add3A_294 : i32
        %dma_start3A_296 = arith.constant 1 : i32
        %dma_start3A_297 = arith.constant 0 : i32
        %dma_start3A_298 = arith.constant 0 : i32
        %dma_start3A_299 = tpu.memref_slice %arg9[%dma_start3A_296, %dma_start3A_297, %dma_start3A_298] : memref<4x128x64xf32, #tpu.memory_space<vmem>> -> memref<1x128x64xf32, #tpu.memory_space<vmem>>
        %dma_start3A_300 = tpu.memref_squeeze %dma_start3A_299 : memref<1x128x64xf32, #tpu.memory_space<vmem>> -> memref<128x64xf32, #tpu.memory_space<vmem>>
        %dma_start3A_301 = arith.constant 0 : i32
        %dma_start3A_302 = tpu.memref_slice %arg7[%add3A_295, %dma_start3A_301] : memref<160x128xi32, #tpu.memory_space<vmem>> -> memref<1x128xi32, #tpu.memory_space<vmem>>
        %dma_start3A_303 = tpu.memref_squeeze %dma_start3A_302 : memref<1x128xi32, #tpu.memory_space<vmem>> -> memref<128xi32, #tpu.memory_space<vmem>>
        %dma_start3A_304 = arith.constant 0 : i32
        %dma_start3A_305 = arith.constant 0 : i32
        %dma_start3A_306 = tpu.memref_slice %arg2[%arg0, %dma_start3A_304, %dma_start3A_305] : memref<2x10008x64xf32, #tpu.memory_space<hbm>> -> memref<1x10008x64xf32, #tpu.memory_space<hbm>>
        %dma_start3A_307 = tpu.memref_squeeze %dma_start3A_306 : memref<1x10008x64xf32, #tpu.memory_space<hbm>> -> memref<10008x64xf32, #tpu.memory_space<hbm>>
        %dma_start3A_308 = arith.constant 0 : i32
        %dma_start3A_309 = arith.constant 0 : i32
        %dma_start3A_310 = tpu.memref_slice %dma_start3A_307[%dma_start3A_308, %dma_start3A_309] : memref<10008x64xf32, #tpu.memory_space<hbm>> -> memref<10008x64xf32, #tpu.memory_space<hbm>>
        tpu.enqueue_indirect_dma source(%dma_start3A_310 : memref<10008x64xf32, #tpu.memory_space<hbm>>) target(%dma_start3A_300 : memref<128x64xf32, #tpu.memory_space<vmem>>) offsets(%dma_start3A_303 : memref<128xi32, #tpu.memory_space<vmem>>) semaphore(%arg12 : memref<!tpu.dma_semaphore, #tpu.memory_space<semaphore_mem>>)
      } else {
      }
      %dma_wait3A_260 = arith.constant 2 : i32
      %dma_wait3A_261 = arith.constant 0 : i32
      %dma_wait3A_262 = arith.constant 0 : i32
      %dma_wait3A_263 = tpu.memref_slice %arg9[%dma_wait3A_260, %dma_wait3A_261, %dma_wait3A_262] : memref<4x128x64xf32, #tpu.memory_space<vmem>> -> memref<1x128x64xf32, #tpu.memory_space<vmem>>
      %dma_wait3A_264 = tpu.memref_squeeze %dma_wait3A_263 : memref<1x128x64xf32, #tpu.memory_space<vmem>> -> memref<128x64xf32, #tpu.memory_space<vmem>>
      %dma_wait3A_265 = arith.constant 0 : i32
      %dma_wait3A_266 = tpu.memref_slice %arg8[%add3A_186, %dma_wait3A_265] : memref<160x128xi32, #tpu.memory_space<vmem>> -> memref<1x128xi32, #tpu.memory_space<vmem>>
      %dma_wait3A_267 = tpu.memref_squeeze %dma_wait3A_266 : memref<1x128xi32, #tpu.memory_space<vmem>> -> memref<128xi32, #tpu.memory_space<vmem>>
      %dma_wait3A_268 = arith.constant 0 : i32
      %dma_wait3A_269 = arith.constant 0 : i32
      %dma_wait3A_270 = tpu.memref_slice %arg11[%dma_wait3A_268, %dma_wait3A_269] : memref<10008x64xf32, #tpu.memory_space<vmem_shared>> -> memref<10008x64xf32, #tpu.memory_space<vmem_shared>>
      tpu.wait_indirect_dma semaphore(%arg13 : memref<!tpu.dma_semaphore, #tpu.memory_space<semaphore_mem>>) src(%dma_wait3A_264 : memref<128x64xf32, #tpu.memory_space<vmem>>) dst(%dma_wait3A_270 : memref<10008x64xf32, #tpu.memory_space<vmem_shared>>)
      %lt3A_271 = arith.constant 39 : i32
      %lt3A_272 = arith.cmpi slt, %scan3A_107, %lt3A_271 : i32
      %convert_element_type3A_273 = arith.extui %lt3A_272 : i1 to i32
      %cond3A_274 = arith.constant 0 : i32
      %cond3A_275 = arith.cmpi ne, %convert_element_type3A_273, %cond3A_274 : i32
      scf.if %cond3A_275 {
        %add3A_292 = arith.constant 4 : i32
        %add3A_293 = arith.addi %mul3A_108, %add3A_292 : i32
        %add3A_294 = arith.constant 2 : i32
        %add3A_295 = arith.addi %add3A_293, %add3A_294 : i32
        %dma_start3A_296 = arith.constant 2 : i32
        %dma_start3A_297 = arith.constant 0 : i32
        %dma_start3A_298 = arith.constant 0 : i32
        %dma_start3A_299 = tpu.memref_slice %arg9[%dma_start3A_296, %dma_start3A_297, %dma_start3A_298] : memref<4x128x64xf32, #tpu.memory_space<vmem>> -> memref<1x128x64xf32, #tpu.memory_space<vmem>>
        %dma_start3A_300 = tpu.memref_squeeze %dma_start3A_299 : memref<1x128x64xf32, #tpu.memory_space<vmem>> -> memref<128x64xf32, #tpu.memory_space<vmem>>
        %dma_start3A_301 = arith.constant 0 : i32
        %dma_start3A_302 = tpu.memref_slice %arg7[%add3A_295, %dma_start3A_301] : memref<160x128xi32, #tpu.memory_space<vmem>> -> memref<1x128xi32, #tpu.memory_space<vmem>>
        %dma_start3A_303 = tpu.memref_squeeze %dma_start3A_302 : memref<1x128xi32, #tpu.memory_space<vmem>> -> memref<128xi32, #tpu.memory_space<vmem>>
        %dma_start3A_304 = arith.constant 0 : i32
        %dma_start3A_305 = arith.constant 0 : i32
        %dma_start3A_306 = tpu.memref_slice %arg2[%arg0, %dma_start3A_304, %dma_start3A_305] : memref<2x10008x64xf32, #tpu.memory_space<hbm>> -> memref<1x10008x64xf32, #tpu.memory_space<hbm>>
        %dma_start3A_307 = tpu.memref_squeeze %dma_start3A_306 : memref<1x10008x64xf32, #tpu.memory_space<hbm>> -> memref<10008x64xf32, #tpu.memory_space<hbm>>
        %dma_start3A_308 = arith.constant 0 : i32
        %dma_start3A_309 = arith.constant 0 : i32
        %dma_start3A_310 = tpu.memref_slice %dma_start3A_307[%dma_start3A_308, %dma_start3A_309] : memref<10008x64xf32, #tpu.memory_space<hbm>> -> memref<10008x64xf32, #tpu.memory_space<hbm>>
        tpu.enqueue_indirect_dma source(%dma_start3A_310 : memref<10008x64xf32, #tpu.memory_space<hbm>>) target(%dma_start3A_300 : memref<128x64xf32, #tpu.memory_space<vmem>>) offsets(%dma_start3A_303 : memref<128xi32, #tpu.memory_space<vmem>>) semaphore(%arg12 : memref<!tpu.dma_semaphore, #tpu.memory_space<semaphore_mem>>)
      } else {
      }
      %dma_wait3A_276 = arith.constant 3 : i32
      %dma_wait3A_277 = arith.constant 0 : i32
      %dma_wait3A_278 = arith.constant 0 : i32
      %dma_wait3A_279 = tpu.memref_slice %arg9[%dma_wait3A_276, %dma_wait3A_277, %dma_wait3A_278] : memref<4x128x64xf32, #tpu.memory_space<vmem>> -> memref<1x128x64xf32, #tpu.memory_space<vmem>>
      %dma_wait3A_280 = tpu.memref_squeeze %dma_wait3A_279 : memref<1x128x64xf32, #tpu.memory_space<vmem>> -> memref<128x64xf32, #tpu.memory_space<vmem>>
      %dma_wait3A_281 = arith.constant 0 : i32
      %dma_wait3A_282 = tpu.memref_slice %arg8[%add3A_216, %dma_wait3A_281] : memref<160x128xi32, #tpu.memory_space<vmem>> -> memref<1x128xi32, #tpu.memory_space<vmem>>
      %dma_wait3A_283 = tpu.memref_squeeze %dma_wait3A_282 : memref<1x128xi32, #tpu.memory_space<vmem>> -> memref<128xi32, #tpu.memory_space<vmem>>
      %dma_wait3A_284 = arith.constant 0 : i32
      %dma_wait3A_285 = arith.constant 0 : i32
      %dma_wait3A_286 = tpu.memref_slice %arg11[%dma_wait3A_284, %dma_wait3A_285] : memref<10008x64xf32, #tpu.memory_space<vmem_shared>> -> memref<10008x64xf32, #tpu.memory_space<vmem_shared>>
      tpu.wait_indirect_dma semaphore(%arg13 : memref<!tpu.dma_semaphore, #tpu.memory_space<semaphore_mem>>) src(%dma_wait3A_280 : memref<128x64xf32, #tpu.memory_space<vmem>>) dst(%dma_wait3A_286 : memref<10008x64xf32, #tpu.memory_space<vmem_shared>>)
      %lt3A_287 = arith.constant 39 : i32
      %lt3A_288 = arith.cmpi slt, %scan3A_107, %lt3A_287 : i32
      %convert_element_type3A_289 = arith.extui %lt3A_288 : i1 to i32
      %cond3A_290 = arith.constant 0 : i32
      %cond3A_291 = arith.cmpi ne, %convert_element_type3A_289, %cond3A_290 : i32
      scf.if %cond3A_291 {
        %add3A_292 = arith.constant 4 : i32
        %add3A_293 = arith.addi %mul3A_108, %add3A_292 : i32
        %add3A_294 = arith.constant 3 : i32
        %add3A_295 = arith.addi %add3A_293, %add3A_294 : i32
        %dma_start3A_296 = arith.constant 3 : i32
        %dma_start3A_297 = arith.constant 0 : i32
        %dma_start3A_298 = arith.constant 0 : i32
        %dma_start3A_299 = tpu.memref_slice %arg9[%dma_start3A_296, %dma_start3A_297, %dma_start3A_298] : memref<4x128x64xf32, #tpu.memory_space<vmem>> -> memref<1x128x64xf32, #tpu.memory_space<vmem>>
        %dma_start3A_300 = tpu.memref_squeeze %dma_start3A_299 : memref<1x128x64xf32, #tpu.memory_space<vmem>> -> memref<128x64xf32, #tpu.memory_space<vmem>>
        %dma_start3A_301 = arith.constant 0 : i32
        %dma_start3A_302 = tpu.memref_slice %arg7[%add3A_295, %dma_start3A_301] : memref<160x128xi32, #tpu.memory_space<vmem>> -> memref<1x128xi32, #tpu.memory_space<vmem>>
        %dma_start3A_303 = tpu.memref_squeeze %dma_start3A_302 : memref<1x128xi32, #tpu.memory_space<vmem>> -> memref<128xi32, #tpu.memory_space<vmem>>
        %dma_start3A_304 = arith.constant 0 : i32
        %dma_start3A_305 = arith.constant 0 : i32
        %dma_start3A_306 = tpu.memref_slice %arg2[%arg0, %dma_start3A_304, %dma_start3A_305] : memref<2x10008x64xf32, #tpu.memory_space<hbm>> -> memref<1x10008x64xf32, #tpu.memory_space<hbm>>
        %dma_start3A_307 = tpu.memref_squeeze %dma_start3A_306 : memref<1x10008x64xf32, #tpu.memory_space<hbm>> -> memref<10008x64xf32, #tpu.memory_space<hbm>>
        %dma_start3A_308 = arith.constant 0 : i32
        %dma_start3A_309 = arith.constant 0 : i32
        %dma_start3A_310 = tpu.memref_slice %dma_start3A_307[%dma_start3A_308, %dma_start3A_309] : memref<10008x64xf32, #tpu.memory_space<hbm>> -> memref<10008x64xf32, #tpu.memory_space<hbm>>
        tpu.enqueue_indirect_dma source(%dma_start3A_310 : memref<10008x64xf32, #tpu.memory_space<hbm>>) target(%dma_start3A_300 : memref<128x64xf32, #tpu.memory_space<vmem>>) offsets(%dma_start3A_303 : memref<128xi32, #tpu.memory_space<vmem>>) semaphore(%arg12 : memref<!tpu.dma_semaphore, #tpu.memory_space<semaphore_mem>>)
      } else {
      }
    }
    %scan3A_100 = arith.constant 40 : i32
    %barrier3A_101 = arith.constant 0 : index
    tpu.barrier barrier_id(%barrier3A_101)
    %lt3A_102 = arith.constant 10 : i32
    %lt3A_103 = arith.cmpi slt, %arg1, %lt3A_102 : i32
    %convert_element_type3A_104 = arith.extui %lt3A_103 : i1 to i32
    %cond3A_105 = arith.constant 0 : i32
    %cond3A_106 = arith.cmpi ne, %convert_element_type3A_104, %cond3A_105 : i32
    scf.if %cond3A_106 {
      %mul3A = arith.constant 1000 : i32
      %mul3A_107 = arith.muli %arg1, %mul3A : i32
      %add3A = arith.constant 0 : i32
      %add3A_108 = arith.addi %mul3A_107, %add3A : i32
      %multiple_of3A = tpu.assume_multiple %add3A_108, 8 : i32
      "tpu.region"() ({
        %run_scoped3A = tpu.sem_alloc : memref<!tpu.dma_semaphore, #tpu.memory_space<semaphore_mem>>
        %dma_start3A_129 = arith.constant 0 : i32
        %dma_start3A_130 = tpu.memref_slice %arg11[%multiple_of3A, %dma_start3A_129] : memref<10008x64xf32, #tpu.memory_space<vmem_shared>> -> memref<200x64xf32, #tpu.memory_space<vmem_shared>>
        %dma_start3A_131 = arith.constant 0 : i32
        %dma_start3A_132 = tpu.memref_slice %arg11[%multiple_of3A, %dma_start3A_131] : memref<10008x64xf32, #tpu.memory_space<vmem_shared>> -> memref<200x64xf32, #tpu.memory_space<vmem_shared>>
        tpu.enqueue_dma source(%dma_start3A_132 : memref<200x64xf32, #tpu.memory_space<vmem_shared>>) target(%arg10 : memref<200x64xf32, #tpu.memory_space<vmem>>) target_semaphore(%run_scoped3A : memref<!tpu.dma_semaphore, #tpu.memory_space<semaphore_mem>>)
        %dma_wait3A_133 = arith.constant 0 : i32
        %dma_wait3A_134 = tpu.memref_slice %arg11[%multiple_of3A, %dma_wait3A_133] : memref<10008x64xf32, #tpu.memory_space<vmem_shared>> -> memref<200x64xf32, #tpu.memory_space<vmem_shared>>
        %dma_wait3A_135 = arith.constant 0 : i32
        %dma_wait3A_136 = tpu.memref_slice %arg11[%multiple_of3A, %dma_wait3A_135] : memref<10008x64xf32, #tpu.memory_space<vmem_shared>> -> memref<200x64xf32, #tpu.memory_space<vmem_shared>>
        tpu.wait_dma2 semaphore(%run_scoped3A : memref<!tpu.dma_semaphore, #tpu.memory_space<semaphore_mem>>) src(%dma_wait3A_136 : memref<200x64xf32, #tpu.memory_space<vmem_shared>>) dst(%arg10 : memref<200x64xf32, #tpu.memory_space<vmem>>)
        tpu.yield
      }) : () -> ()
      "tpu.region"() ({
        %run_scoped3A = tpu.sem_alloc : memref<!tpu.dma_semaphore, #tpu.memory_space<semaphore_mem>>
        %dma_start3A_129 = arith.constant 0 : i32
        %dma_start3A_130 = tpu.memref_slice %arg6[%arg0, %multiple_of3A, %dma_start3A_129] : memref<2x10000x64xf32, #tpu.memory_space<hbm>> -> memref<1x200x64xf32, #tpu.memory_space<hbm>>
        %dma_start3A_131 = tpu.memref_squeeze %dma_start3A_130 : memref<1x200x64xf32, #tpu.memory_space<hbm>> -> memref<200x64xf32, #tpu.memory_space<hbm>>
        %dma_start3A_132 = arith.constant 0 : i32
        %dma_start3A_133 = tpu.memref_slice %arg6[%arg0, %multiple_of3A, %dma_start3A_132] : memref<2x10000x64xf32, #tpu.memory_space<hbm>> -> memref<1x200x64xf32, #tpu.memory_space<hbm>>
        %dma_start3A_134 = tpu.memref_squeeze %dma_start3A_133 : memref<1x200x64xf32, #tpu.memory_space<hbm>> -> memref<200x64xf32, #tpu.memory_space<hbm>>
        tpu.enqueue_dma source(%arg10 : memref<200x64xf32, #tpu.memory_space<vmem>>) target(%dma_start3A_134 : memref<200x64xf32, #tpu.memory_space<hbm>>) target_semaphore(%run_scoped3A : memref<!tpu.dma_semaphore, #tpu.memory_space<semaphore_mem>>)
        %dma_wait3A_135 = arith.constant 0 : i32
        %dma_wait3A_136 = tpu.memref_slice %arg6[%arg0, %multiple_of3A, %dma_wait3A_135] : memref<2x10000x64xf32, #tpu.memory_space<hbm>> -> memref<1x200x64xf32, #tpu.memory_space<hbm>>
        %dma_wait3A_137 = tpu.memref_squeeze %dma_wait3A_136 : memref<1x200x64xf32, #tpu.memory_space<hbm>> -> memref<200x64xf32, #tpu.memory_space<hbm>>
        %dma_wait3A_138 = arith.constant 0 : i32
        %dma_wait3A_139 = tpu.memref_slice %arg6[%arg0, %multiple_of3A, %dma_wait3A_138] : memref<2x10000x64xf32, #tpu.memory_space<hbm>> -> memref<1x200x64xf32, #tpu.memory_space<hbm>>
        %dma_wait3A_140 = tpu.memref_squeeze %dma_wait3A_139 : memref<1x200x64xf32, #tpu.memory_space<hbm>> -> memref<200x64xf32, #tpu.memory_space<hbm>>
        tpu.wait_dma2 semaphore(%run_scoped3A : memref<!tpu.dma_semaphore, #tpu.memory_space<semaphore_mem>>) src(%arg10 : memref<200x64xf32, #tpu.memory_space<vmem>>) dst(%dma_wait3A_140 : memref<200x64xf32, #tpu.memory_space<hbm>>)
        tpu.yield
      }) : () -> ()
      %mul3A_109 = arith.constant 1000 : i32
      %mul3A_110 = arith.muli %arg1, %mul3A_109 : i32
      %add3A_111 = arith.constant 200 : i32
      %add3A_112 = arith.addi %mul3A_110, %add3A_111 : i32
      %multiple_of3A_113 = tpu.assume_multiple %add3A_112, 8 : i32
      "tpu.region"() ({
        %run_scoped3A = tpu.sem_alloc : memref<!tpu.dma_semaphore, #tpu.memory_space<semaphore_mem>>
        %dma_start3A_129 = arith.constant 0 : i32
        %dma_start3A_130 = tpu.memref_slice %arg11[%multiple_of3A_113, %dma_start3A_129] : memref<10008x64xf32, #tpu.memory_space<vmem_shared>> -> memref<200x64xf32, #tpu.memory_space<vmem_shared>>
        %dma_start3A_131 = arith.constant 0 : i32
        %dma_start3A_132 = tpu.memref_slice %arg11[%multiple_of3A_113, %dma_start3A_131] : memref<10008x64xf32, #tpu.memory_space<vmem_shared>> -> memref<200x64xf32, #tpu.memory_space<vmem_shared>>
        tpu.enqueue_dma source(%dma_start3A_132 : memref<200x64xf32, #tpu.memory_space<vmem_shared>>) target(%arg10 : memref<200x64xf32, #tpu.memory_space<vmem>>) target_semaphore(%run_scoped3A : memref<!tpu.dma_semaphore, #tpu.memory_space<semaphore_mem>>)
        %dma_wait3A_133 = arith.constant 0 : i32
        %dma_wait3A_134 = tpu.memref_slice %arg11[%multiple_of3A_113, %dma_wait3A_133] : memref<10008x64xf32, #tpu.memory_space<vmem_shared>> -> memref<200x64xf32, #tpu.memory_space<vmem_shared>>
        %dma_wait3A_135 = arith.constant 0 : i32
        %dma_wait3A_136 = tpu.memref_slice %arg11[%multiple_of3A_113, %dma_wait3A_135] : memref<10008x64xf32, #tpu.memory_space<vmem_shared>> -> memref<200x64xf32, #tpu.memory_space<vmem_shared>>
        tpu.wait_dma2 semaphore(%run_scoped3A : memref<!tpu.dma_semaphore, #tpu.memory_space<semaphore_mem>>) src(%dma_wait3A_136 : memref<200x64xf32, #tpu.memory_space<vmem_shared>>) dst(%arg10 : memref<200x64xf32, #tpu.memory_space<vmem>>)
        tpu.yield
      }) : () -> ()
      "tpu.region"() ({
        %run_scoped3A = tpu.sem_alloc : memref<!tpu.dma_semaphore, #tpu.memory_space<semaphore_mem>>
        %dma_start3A_129 = arith.constant 0 : i32
        %dma_start3A_130 = tpu.memref_slice %arg6[%arg0, %multiple_of3A_113, %dma_start3A_129] : memref<2x10000x64xf32, #tpu.memory_space<hbm>> -> memref<1x200x64xf32, #tpu.memory_space<hbm>>
        %dma_start3A_131 = tpu.memref_squeeze %dma_start3A_130 : memref<1x200x64xf32, #tpu.memory_space<hbm>> -> memref<200x64xf32, #tpu.memory_space<hbm>>
        %dma_start3A_132 = arith.constant 0 : i32
        %dma_start3A_133 = tpu.memref_slice %arg6[%arg0, %multiple_of3A_113, %dma_start3A_132] : memref<2x10000x64xf32, #tpu.memory_space<hbm>> -> memref<1x200x64xf32, #tpu.memory_space<hbm>>
        %dma_start3A_134 = tpu.memref_squeeze %dma_start3A_133 : memref<1x200x64xf32, #tpu.memory_space<hbm>> -> memref<200x64xf32, #tpu.memory_space<hbm>>
        tpu.enqueue_dma source(%arg10 : memref<200x64xf32, #tpu.memory_space<vmem>>) target(%dma_start3A_134 : memref<200x64xf32, #tpu.memory_space<hbm>>) target_semaphore(%run_scoped3A : memref<!tpu.dma_semaphore, #tpu.memory_space<semaphore_mem>>)
        %dma_wait3A_135 = arith.constant 0 : i32
        %dma_wait3A_136 = tpu.memref_slice %arg6[%arg0, %multiple_of3A_113, %dma_wait3A_135] : memref<2x10000x64xf32, #tpu.memory_space<hbm>> -> memref<1x200x64xf32, #tpu.memory_space<hbm>>
        %dma_wait3A_137 = tpu.memref_squeeze %dma_wait3A_136 : memref<1x200x64xf32, #tpu.memory_space<hbm>> -> memref<200x64xf32, #tpu.memory_space<hbm>>
        %dma_wait3A_138 = arith.constant 0 : i32
        %dma_wait3A_139 = tpu.memref_slice %arg6[%arg0, %multiple_of3A_113, %dma_wait3A_138] : memref<2x10000x64xf32, #tpu.memory_space<hbm>> -> memref<1x200x64xf32, #tpu.memory_space<hbm>>
        %dma_wait3A_140 = tpu.memref_squeeze %dma_wait3A_139 : memref<1x200x64xf32, #tpu.memory_space<hbm>> -> memref<200x64xf32, #tpu.memory_space<hbm>>
        tpu.wait_dma2 semaphore(%run_scoped3A : memref<!tpu.dma_semaphore, #tpu.memory_space<semaphore_mem>>) src(%arg10 : memref<200x64xf32, #tpu.memory_space<vmem>>) dst(%dma_wait3A_140 : memref<200x64xf32, #tpu.memory_space<hbm>>)
        tpu.yield
      }) : () -> ()
      %mul3A_114 = arith.constant 1000 : i32
      %mul3A_115 = arith.muli %arg1, %mul3A_114 : i32
      %add3A_116 = arith.constant 400 : i32
      %add3A_117 = arith.addi %mul3A_115, %add3A_116 : i32
      %multiple_of3A_118 = tpu.assume_multiple %add3A_117, 8 : i32
      "tpu.region"() ({
        %run_scoped3A = tpu.sem_alloc : memref<!tpu.dma_semaphore, #tpu.memory_space<semaphore_mem>>
        %dma_start3A_129 = arith.constant 0 : i32
        %dma_start3A_130 = tpu.memref_slice %arg11[%multiple_of3A_118, %dma_start3A_129] : memref<10008x64xf32, #tpu.memory_space<vmem_shared>> -> memref<200x64xf32, #tpu.memory_space<vmem_shared>>
        %dma_start3A_131 = arith.constant 0 : i32
        %dma_start3A_132 = tpu.memref_slice %arg11[%multiple_of3A_118, %dma_start3A_131] : memref<10008x64xf32, #tpu.memory_space<vmem_shared>> -> memref<200x64xf32, #tpu.memory_space<vmem_shared>>
        tpu.enqueue_dma source(%dma_start3A_132 : memref<200x64xf32, #tpu.memory_space<vmem_shared>>) target(%arg10 : memref<200x64xf32, #tpu.memory_space<vmem>>) target_semaphore(%run_scoped3A : memref<!tpu.dma_semaphore, #tpu.memory_space<semaphore_mem>>)
        %dma_wait3A_133 = arith.constant 0 : i32
        %dma_wait3A_134 = tpu.memref_slice %arg11[%multiple_of3A_118, %dma_wait3A_133] : memref<10008x64xf32, #tpu.memory_space<vmem_shared>> -> memref<200x64xf32, #tpu.memory_space<vmem_shared>>
        %dma_wait3A_135 = arith.constant 0 : i32
        %dma_wait3A_136 = tpu.memref_slice %arg11[%multiple_of3A_118, %dma_wait3A_135] : memref<10008x64xf32, #tpu.memory_space<vmem_shared>> -> memref<200x64xf32, #tpu.memory_space<vmem_shared>>
        tpu.wait_dma2 semaphore(%run_scoped3A : memref<!tpu.dma_semaphore, #tpu.memory_space<semaphore_mem>>) src(%dma_wait3A_136 : memref<200x64xf32, #tpu.memory_space<vmem_shared>>) dst(%arg10 : memref<200x64xf32, #tpu.memory_space<vmem>>)
        tpu.yield
      }) : () -> ()
      "tpu.region"() ({
        %run_scoped3A = tpu.sem_alloc : memref<!tpu.dma_semaphore, #tpu.memory_space<semaphore_mem>>
        %dma_start3A_129 = arith.constant 0 : i32
        %dma_start3A_130 = tpu.memref_slice %arg6[%arg0, %multiple_of3A_118, %dma_start3A_129] : memref<2x10000x64xf32, #tpu.memory_space<hbm>> -> memref<1x200x64xf32, #tpu.memory_space<hbm>>
        %dma_start3A_131 = tpu.memref_squeeze %dma_start3A_130 : memref<1x200x64xf32, #tpu.memory_space<hbm>> -> memref<200x64xf32, #tpu.memory_space<hbm>>
        %dma_start3A_132 = arith.constant 0 : i32
        %dma_start3A_133 = tpu.memref_slice %arg6[%arg0, %multiple_of3A_118, %dma_start3A_132] : memref<2x10000x64xf32, #tpu.memory_space<hbm>> -> memref<1x200x64xf32, #tpu.memory_space<hbm>>
        %dma_start3A_134 = tpu.memref_squeeze %dma_start3A_133 : memref<1x200x64xf32, #tpu.memory_space<hbm>> -> memref<200x64xf32, #tpu.memory_space<hbm>>
        tpu.enqueue_dma source(%arg10 : memref<200x64xf32, #tpu.memory_space<vmem>>) target(%dma_start3A_134 : memref<200x64xf32, #tpu.memory_space<hbm>>) target_semaphore(%run_scoped3A : memref<!tpu.dma_semaphore, #tpu.memory_space<semaphore_mem>>)
        %dma_wait3A_135 = arith.constant 0 : i32
        %dma_wait3A_136 = tpu.memref_slice %arg6[%arg0, %multiple_of3A_118, %dma_wait3A_135] : memref<2x10000x64xf32, #tpu.memory_space<hbm>> -> memref<1x200x64xf32, #tpu.memory_space<hbm>>
        %dma_wait3A_137 = tpu.memref_squeeze %dma_wait3A_136 : memref<1x200x64xf32, #tpu.memory_space<hbm>> -> memref<200x64xf32, #tpu.memory_space<hbm>>
        %dma_wait3A_138 = arith.constant 0 : i32
        %dma_wait3A_139 = tpu.memref_slice %arg6[%arg0, %multiple_of3A_118, %dma_wait3A_138] : memref<2x10000x64xf32, #tpu.memory_space<hbm>> -> memref<1x200x64xf32, #tpu.memory_space<hbm>>
        %dma_wait3A_140 = tpu.memref_squeeze %dma_wait3A_139 : memref<1x200x64xf32, #tpu.memory_space<hbm>> -> memref<200x64xf32, #tpu.memory_space<hbm>>
        tpu.wait_dma2 semaphore(%run_scoped3A : memref<!tpu.dma_semaphore, #tpu.memory_space<semaphore_mem>>) src(%arg10 : memref<200x64xf32, #tpu.memory_space<vmem>>) dst(%dma_wait3A_140 : memref<200x64xf32, #tpu.memory_space<hbm>>)
        tpu.yield
      }) : () -> ()
      %mul3A_119 = arith.constant 1000 : i32
      %mul3A_120 = arith.muli %arg1, %mul3A_119 : i32
      %add3A_121 = arith.constant 600 : i32
      %add3A_122 = arith.addi %mul3A_120, %add3A_121 : i32
      %multiple_of3A_123 = tpu.assume_multiple %add3A_122, 8 : i32
      "tpu.region"() ({
        %run_scoped3A = tpu.sem_alloc : memref<!tpu.dma_semaphore, #tpu.memory_space<semaphore_mem>>
        %dma_start3A_129 = arith.constant 0 : i32
        %dma_start3A_130 = tpu.memref_slice %arg11[%multiple_of3A_123, %dma_start3A_129] : memref<10008x64xf32, #tpu.memory_space<vmem_shared>> -> memref<200x64xf32, #tpu.memory_space<vmem_shared>>
        %dma_start3A_131 = arith.constant 0 : i32
        %dma_start3A_132 = tpu.memref_slice %arg11[%multiple_of3A_123, %dma_start3A_131] : memref<10008x64xf32, #tpu.memory_space<vmem_shared>> -> memref<200x64xf32, #tpu.memory_space<vmem_shared>>
        tpu.enqueue_dma source(%dma_start3A_132 : memref<200x64xf32, #tpu.memory_space<vmem_shared>>) target(%arg10 : memref<200x64xf32, #tpu.memory_space<vmem>>) target_semaphore(%run_scoped3A : memref<!tpu.dma_semaphore, #tpu.memory_space<semaphore_mem>>)
        %dma_wait3A_133 = arith.constant 0 : i32
        %dma_wait3A_134 = tpu.memref_slice %arg11[%multiple_of3A_123, %dma_wait3A_133] : memref<10008x64xf32, #tpu.memory_space<vmem_shared>> -> memref<200x64xf32, #tpu.memory_space<vmem_shared>>
        %dma_wait3A_135 = arith.constant 0 : i32
        %dma_wait3A_136 = tpu.memref_slice %arg11[%multiple_of3A_123, %dma_wait3A_135] : memref<10008x64xf32, #tpu.memory_space<vmem_shared>> -> memref<200x64xf32, #tpu.memory_space<vmem_shared>>
        tpu.wait_dma2 semaphore(%run_scoped3A : memref<!tpu.dma_semaphore, #tpu.memory_space<semaphore_mem>>) src(%dma_wait3A_136 : memref<200x64xf32, #tpu.memory_space<vmem_shared>>) dst(%arg10 : memref<200x64xf32, #tpu.memory_space<vmem>>)
        tpu.yield
      }) : () -> ()
      "tpu.region"() ({
        %run_scoped3A = tpu.sem_alloc : memref<!tpu.dma_semaphore, #tpu.memory_space<semaphore_mem>>
        %dma_start3A_129 = arith.constant 0 : i32
        %dma_start3A_130 = tpu.memref_slice %arg6[%arg0, %multiple_of3A_123, %dma_start3A_129] : memref<2x10000x64xf32, #tpu.memory_space<hbm>> -> memref<1x200x64xf32, #tpu.memory_space<hbm>>
        %dma_start3A_131 = tpu.memref_squeeze %dma_start3A_130 : memref<1x200x64xf32, #tpu.memory_space<hbm>> -> memref<200x64xf32, #tpu.memory_space<hbm>>
        %dma_start3A_132 = arith.constant 0 : i32
        %dma_start3A_133 = tpu.memref_slice %arg6[%arg0, %multiple_of3A_123, %dma_start3A_132] : memref<2x10000x64xf32, #tpu.memory_space<hbm>> -> memref<1x200x64xf32, #tpu.memory_space<hbm>>
        %dma_start3A_134 = tpu.memref_squeeze %dma_start3A_133 : memref<1x200x64xf32, #tpu.memory_space<hbm>> -> memref<200x64xf32, #tpu.memory_space<hbm>>
        tpu.enqueue_dma source(%arg10 : memref<200x64xf32, #tpu.memory_space<vmem>>) target(%dma_start3A_134 : memref<200x64xf32, #tpu.memory_space<hbm>>) target_semaphore(%run_scoped3A : memref<!tpu.dma_semaphore, #tpu.memory_space<semaphore_mem>>)
        %dma_wait3A_135 = arith.constant 0 : i32
        %dma_wait3A_136 = tpu.memref_slice %arg6[%arg0, %multiple_of3A_123, %dma_wait3A_135] : memref<2x10000x64xf32, #tpu.memory_space<hbm>> -> memref<1x200x64xf32, #tpu.memory_space<hbm>>
        %dma_wait3A_137 = tpu.memref_squeeze %dma_wait3A_136 : memref<1x200x64xf32, #tpu.memory_space<hbm>> -> memref<200x64xf32, #tpu.memory_space<hbm>>
        %dma_wait3A_138 = arith.constant 0 : i32
        %dma_wait3A_139 = tpu.memref_slice %arg6[%arg0, %multiple_of3A_123, %dma_wait3A_138] : memref<2x10000x64xf32, #tpu.memory_space<hbm>> -> memref<1x200x64xf32, #tpu.memory_space<hbm>>
        %dma_wait3A_140 = tpu.memref_squeeze %dma_wait3A_139 : memref<1x200x64xf32, #tpu.memory_space<hbm>> -> memref<200x64xf32, #tpu.memory_space<hbm>>
        tpu.wait_dma2 semaphore(%run_scoped3A : memref<!tpu.dma_semaphore, #tpu.memory_space<semaphore_mem>>) src(%arg10 : memref<200x64xf32, #tpu.memory_space<vmem>>) dst(%dma_wait3A_140 : memref<200x64xf32, #tpu.memory_space<hbm>>)
        tpu.yield
      }) : () -> ()
      %mul3A_124 = arith.constant 1000 : i32
      %mul3A_125 = arith.muli %arg1, %mul3A_124 : i32
      %add3A_126 = arith.constant 800 : i32
      %add3A_127 = arith.addi %mul3A_125, %add3A_126 : i32
      %multiple_of3A_128 = tpu.assume_multiple %add3A_127, 8 : i32
      "tpu.region"() ({
        %run_scoped3A = tpu.sem_alloc : memref<!tpu.dma_semaphore, #tpu.memory_space<semaphore_mem>>
        %dma_start3A_129 = arith.constant 0 : i32
        %dma_start3A_130 = tpu.memref_slice %arg11[%multiple_of3A_128, %dma_start3A_129] : memref<10008x64xf32, #tpu.memory_space<vmem_shared>> -> memref<200x64xf32, #tpu.memory_space<vmem_shared>>
        %dma_start3A_131 = arith.constant 0 : i32
        %dma_start3A_132 = tpu.memref_slice %arg11[%multiple_of3A_128, %dma_start3A_131] : memref<10008x64xf32, #tpu.memory_space<vmem_shared>> -> memref<200x64xf32, #tpu.memory_space<vmem_shared>>
        tpu.enqueue_dma source(%dma_start3A_132 : memref<200x64xf32, #tpu.memory_space<vmem_shared>>) target(%arg10 : memref<200x64xf32, #tpu.memory_space<vmem>>) target_semaphore(%run_scoped3A : memref<!tpu.dma_semaphore, #tpu.memory_space<semaphore_mem>>)
        %dma_wait3A_133 = arith.constant 0 : i32
        %dma_wait3A_134 = tpu.memref_slice %arg11[%multiple_of3A_128, %dma_wait3A_133] : memref<10008x64xf32, #tpu.memory_space<vmem_shared>> -> memref<200x64xf32, #tpu.memory_space<vmem_shared>>
        %dma_wait3A_135 = arith.constant 0 : i32
        %dma_wait3A_136 = tpu.memref_slice %arg11[%multiple_of3A_128, %dma_wait3A_135] : memref<10008x64xf32, #tpu.memory_space<vmem_shared>> -> memref<200x64xf32, #tpu.memory_space<vmem_shared>>
        tpu.wait_dma2 semaphore(%run_scoped3A : memref<!tpu.dma_semaphore, #tpu.memory_space<semaphore_mem>>) src(%dma_wait3A_136 : memref<200x64xf32, #tpu.memory_space<vmem_shared>>) dst(%arg10 : memref<200x64xf32, #tpu.memory_space<vmem>>)
        tpu.yield
      }) : () -> ()
      "tpu.region"() ({
        %run_scoped3A = tpu.sem_alloc : memref<!tpu.dma_semaphore, #tpu.memory_space<semaphore_mem>>
        %dma_start3A_129 = arith.constant 0 : i32
        %dma_start3A_130 = tpu.memref_slice %arg6[%arg0, %multiple_of3A_128, %dma_start3A_129] : memref<2x10000x64xf32, #tpu.memory_space<hbm>> -> memref<1x200x64xf32, #tpu.memory_space<hbm>>
        %dma_start3A_131 = tpu.memref_squeeze %dma_start3A_130 : memref<1x200x64xf32, #tpu.memory_space<hbm>> -> memref<200x64xf32, #tpu.memory_space<hbm>>
        %dma_start3A_132 = arith.constant 0 : i32
        %dma_start3A_133 = tpu.memref_slice %arg6[%arg0, %multiple_of3A_128, %dma_start3A_132] : memref<2x10000x64xf32, #tpu.memory_space<hbm>> -> memref<1x200x64xf32, #tpu.memory_space<hbm>>
        %dma_start3A_134 = tpu.memref_squeeze %dma_start3A_133 : memref<1x200x64xf32, #tpu.memory_space<hbm>> -> memref<200x64xf32, #tpu.memory_space<hbm>>
        tpu.enqueue_dma source(%arg10 : memref<200x64xf32, #tpu.memory_space<vmem>>) target(%dma_start3A_134 : memref<200x64xf32, #tpu.memory_space<hbm>>) target_semaphore(%run_scoped3A : memref<!tpu.dma_semaphore, #tpu.memory_space<semaphore_mem>>)
        %dma_wait3A_135 = arith.constant 0 : i32
        %dma_wait3A_136 = tpu.memref_slice %arg6[%arg0, %multiple_of3A_128, %dma_wait3A_135] : memref<2x10000x64xf32, #tpu.memory_space<hbm>> -> memref<1x200x64xf32, #tpu.memory_space<hbm>>
        %dma_wait3A_137 = tpu.memref_squeeze %dma_wait3A_136 : memref<1x200x64xf32, #tpu.memory_space<hbm>> -> memref<200x64xf32, #tpu.memory_space<hbm>>
        %dma_wait3A_138 = arith.constant 0 : i32
        %dma_wait3A_139 = tpu.memref_slice %arg6[%arg0, %multiple_of3A_128, %dma_wait3A_138] : memref<2x10000x64xf32, #tpu.memory_space<hbm>> -> memref<1x200x64xf32, #tpu.memory_space<hbm>>
        %dma_wait3A_140 = tpu.memref_squeeze %dma_wait3A_139 : memref<1x200x64xf32, #tpu.memory_space<hbm>> -> memref<200x64xf32, #tpu.memory_space<hbm>>
        tpu.wait_dma2 semaphore(%run_scoped3A : memref<!tpu.dma_semaphore, #tpu.memory_space<semaphore_mem>>) src(%arg10 : memref<200x64xf32, #tpu.memory_space<vmem>>) dst(%dma_wait3A_140 : memref<200x64xf32, #tpu.memory_space<hbm>>)
        tpu.yield
      }) : () -> ()
    } else {
    }
    return
  }
}

#map = affine_map<(d0, d1) -> (0, 0, 0, 0)>
#map1 = affine_map<(d0, d1) -> (0)>
module attributes {stable_mosaic.version = 14 : i64} {
  func.func @_deg_kernel(%arg0: i32, %arg1: i32, %arg2: memref<2x16x160x128xi32, #tpu.memory_space<hbm>>, %arg3: memref<128xf32, #tpu.memory_space<hbm>>, %arg4: memref<1000xf32, #tpu.memory_space<hbm>>, %arg5: memref<20000xf32, #tpu.memory_space<hbm>>, %arg6: memref<160x128xi32, #tpu.memory_space<vmem>>, %arg7: memref<128xf32, #tpu.memory_space<vmem>>, %arg8: memref<1000xf32, #tpu.memory_space<vmem>>, %arg9: memref<10008xf32, #tpu.memory_space<vmem_shared>>) attributes {dimension_semantics = [#tpu.dimension_semantics<core_parallel>, #tpu.dimension_semantics<subcore_parallel>], iteration_bounds = array<i64: 2, 16>, scalar_prefetch = 0 : i64, scratch_operands = 4 : i64, tpu.core_type = #tpu.core_type<sc_vector_subcore>, window_params = [{transform_indices = #map}, {transform_indices = #map1}, {transform_indices = #map1}, {transform_indices = #map1}]} {
    "tpu.region"() ({
      %run_scoped3A = tpu.sem_alloc : memref<!tpu.dma_semaphore, #tpu.memory_space<semaphore_mem>>
      tpu.enqueue_dma source(%arg3 : memref<128xf32, #tpu.memory_space<hbm>>) target(%arg7 : memref<128xf32, #tpu.memory_space<vmem>>) target_semaphore(%run_scoped3A : memref<!tpu.dma_semaphore, #tpu.memory_space<semaphore_mem>>)
      tpu.wait_dma2 semaphore(%run_scoped3A : memref<!tpu.dma_semaphore, #tpu.memory_space<semaphore_mem>>) src(%arg3 : memref<128xf32, #tpu.memory_space<hbm>>) dst(%arg7 : memref<128xf32, #tpu.memory_space<vmem>>)
      tpu.yield
    }) : () -> ()
    "tpu.region"() ({
      %run_scoped3A = tpu.sem_alloc : memref<!tpu.dma_semaphore, #tpu.memory_space<semaphore_mem>>
      tpu.enqueue_dma source(%arg4 : memref<1000xf32, #tpu.memory_space<hbm>>) target(%arg8 : memref<1000xf32, #tpu.memory_space<vmem>>) target_semaphore(%run_scoped3A : memref<!tpu.dma_semaphore, #tpu.memory_space<semaphore_mem>>)
      tpu.wait_dma2 semaphore(%run_scoped3A : memref<!tpu.dma_semaphore, #tpu.memory_space<semaphore_mem>>) src(%arg4 : memref<1000xf32, #tpu.memory_space<hbm>>) dst(%arg8 : memref<1000xf32, #tpu.memory_space<vmem>>)
      tpu.yield
    }) : () -> ()
    %lt3A = arith.constant 10 : i32
    %lt3A_0 = arith.cmpi slt, %arg1, %lt3A : i32
    %convert_element_type3A = arith.extui %lt3A_0 : i1 to i32
    %cond3A = arith.constant 0 : i32
    %cond3A_1 = arith.cmpi ne, %convert_element_type3A, %cond3A : i32
    scf.if %cond3A_1 {
      %mul3A = arith.constant 1000 : i32
      %mul3A_13 = arith.muli %arg1, %mul3A : i32
      %multiple_of3A = tpu.assume_multiple %mul3A_13, 8 : i32
      "tpu.region"() ({
        %run_scoped3A = tpu.sem_alloc : memref<!tpu.dma_semaphore, #tpu.memory_space<semaphore_mem>>
        %dma_start3A = tpu.memref_slice %arg9[%multiple_of3A] : memref<10008xf32, #tpu.memory_space<vmem_shared>> -> memref<1000xf32, #tpu.memory_space<vmem_shared>>
        %dma_start3A_14 = tpu.memref_slice %arg9[%multiple_of3A] : memref<10008xf32, #tpu.memory_space<vmem_shared>> -> memref<1000xf32, #tpu.memory_space<vmem_shared>>
        tpu.enqueue_dma source(%arg8 : memref<1000xf32, #tpu.memory_space<vmem>>) target(%dma_start3A_14 : memref<1000xf32, #tpu.memory_space<vmem_shared>>) target_semaphore(%run_scoped3A : memref<!tpu.dma_semaphore, #tpu.memory_space<semaphore_mem>>)
        %dma_wait3A = tpu.memref_slice %arg9[%multiple_of3A] : memref<10008xf32, #tpu.memory_space<vmem_shared>> -> memref<1000xf32, #tpu.memory_space<vmem_shared>>
        %dma_wait3A_15 = tpu.memref_slice %arg9[%multiple_of3A] : memref<10008xf32, #tpu.memory_space<vmem_shared>> -> memref<1000xf32, #tpu.memory_space<vmem_shared>>
        tpu.wait_dma2 semaphore(%run_scoped3A : memref<!tpu.dma_semaphore, #tpu.memory_space<semaphore_mem>>) src(%arg8 : memref<1000xf32, #tpu.memory_space<vmem>>) dst(%dma_wait3A_15 : memref<1000xf32, #tpu.memory_space<vmem_shared>>)
        tpu.yield
      }) : () -> ()
    } else {
    }
    %barrier3A = arith.constant 0 : index
    tpu.barrier barrier_id(%barrier3A)
    "tpu.region"() ({
      %run_scoped3A = tpu.sem_alloc : memref<!tpu.dma_semaphore, #tpu.memory_space<semaphore_mem>>
      %dma_start3A = arith.constant 0 : i32
      %dma_start3A_13 = arith.constant 0 : i32
      %dma_start3A_14 = tpu.memref_slice %arg2[%arg0, %arg1, %dma_start3A, %dma_start3A_13] : memref<2x16x160x128xi32, #tpu.memory_space<hbm>> -> memref<1x1x160x128xi32, #tpu.memory_space<hbm>>
      %dma_start3A_15 = tpu.memref_squeeze %dma_start3A_14 : memref<1x1x160x128xi32, #tpu.memory_space<hbm>> -> memref<160x128xi32, #tpu.memory_space<hbm>>
      %dma_start3A_16 = arith.constant 0 : i32
      %dma_start3A_17 = arith.constant 0 : i32
      %dma_start3A_18 = tpu.memref_slice %arg2[%arg0, %arg1, %dma_start3A_16, %dma_start3A_17] : memref<2x16x160x128xi32, #tpu.memory_space<hbm>> -> memref<1x1x160x128xi32, #tpu.memory_space<hbm>>
      %dma_start3A_19 = tpu.memref_squeeze %dma_start3A_18 : memref<1x1x160x128xi32, #tpu.memory_space<hbm>> -> memref<160x128xi32, #tpu.memory_space<hbm>>
      tpu.enqueue_dma source(%dma_start3A_19 : memref<160x128xi32, #tpu.memory_space<hbm>>) target(%arg6 : memref<160x128xi32, #tpu.memory_space<vmem>>) target_semaphore(%run_scoped3A : memref<!tpu.dma_semaphore, #tpu.memory_space<semaphore_mem>>)
      %dma_wait3A = arith.constant 0 : i32
      %dma_wait3A_20 = arith.constant 0 : i32
      %dma_wait3A_21 = tpu.memref_slice %arg2[%arg0, %arg1, %dma_wait3A, %dma_wait3A_20] : memref<2x16x160x128xi32, #tpu.memory_space<hbm>> -> memref<1x1x160x128xi32, #tpu.memory_space<hbm>>
      %dma_wait3A_22 = tpu.memref_squeeze %dma_wait3A_21 : memref<1x1x160x128xi32, #tpu.memory_space<hbm>> -> memref<160x128xi32, #tpu.memory_space<hbm>>
      %dma_wait3A_23 = arith.constant 0 : i32
      %dma_wait3A_24 = arith.constant 0 : i32
      %dma_wait3A_25 = tpu.memref_slice %arg2[%arg0, %arg1, %dma_wait3A_23, %dma_wait3A_24] : memref<2x16x160x128xi32, #tpu.memory_space<hbm>> -> memref<1x1x160x128xi32, #tpu.memory_space<hbm>>
      %dma_wait3A_26 = tpu.memref_squeeze %dma_wait3A_25 : memref<1x1x160x128xi32, #tpu.memory_space<hbm>> -> memref<160x128xi32, #tpu.memory_space<hbm>>
      tpu.wait_dma2 semaphore(%run_scoped3A : memref<!tpu.dma_semaphore, #tpu.memory_space<semaphore_mem>>) src(%dma_wait3A_26 : memref<160x128xi32, #tpu.memory_space<hbm>>) dst(%arg6 : memref<160x128xi32, #tpu.memory_space<vmem>>)
      tpu.yield
    }) : () -> ()
    %scan3A = arith.constant 0 : i32
    %scan3A_2 = arith.constant 0 : i32
    %scan3A_3 = arith.constant 160 : i32
    %scan3A_4 = arith.addi %scan3A_2, %scan3A_3 : i32
    %scan3A_5 = arith.constant 1 : i32
    scf.for %scan3A_13 = %scan3A_2 to %scan3A_4 step %scan3A_5  : i32 {
      "tpu.region"() ({
        %run_scoped3A = tpu.sem_alloc : memref<!tpu.dma_semaphore, #tpu.memory_space<semaphore_mem>>
        %dma_start3A = arith.constant 0 : i32
        %dma_start3A_14 = tpu.memref_slice %arg6[%scan3A_13, %dma_start3A] : memref<160x128xi32, #tpu.memory_space<vmem>> -> memref<1x128xi32, #tpu.memory_space<vmem>>
        %dma_start3A_15 = tpu.memref_squeeze %dma_start3A_14 : memref<1x128xi32, #tpu.memory_space<vmem>> -> memref<128xi32, #tpu.memory_space<vmem>>
        %dma_start3A_16 = arith.constant 0 : i32
        %dma_start3A_17 = tpu.memref_slice %arg9[%dma_start3A_16] : memref<10008xf32, #tpu.memory_space<vmem_shared>> -> memref<10008xf32, #tpu.memory_space<vmem_shared>>
        tpu.enqueue_indirect_dma source(%arg7 : memref<128xf32, #tpu.memory_space<vmem>>) target(%dma_start3A_17 : memref<10008xf32, #tpu.memory_space<vmem_shared>>) offsets(%dma_start3A_15 : memref<128xi32, #tpu.memory_space<vmem>>) semaphore(%run_scoped3A : memref<!tpu.dma_semaphore, #tpu.memory_space<semaphore_mem>>) {add = true}
        %dma_wait3A = arith.constant 0 : i32
        %dma_wait3A_18 = tpu.memref_slice %arg6[%scan3A_13, %dma_wait3A] : memref<160x128xi32, #tpu.memory_space<vmem>> -> memref<1x128xi32, #tpu.memory_space<vmem>>
        %dma_wait3A_19 = tpu.memref_squeeze %dma_wait3A_18 : memref<1x128xi32, #tpu.memory_space<vmem>> -> memref<128xi32, #tpu.memory_space<vmem>>
        %dma_wait3A_20 = arith.constant 0 : i32
        %dma_wait3A_21 = tpu.memref_slice %arg9[%dma_wait3A_20] : memref<10008xf32, #tpu.memory_space<vmem_shared>> -> memref<10008xf32, #tpu.memory_space<vmem_shared>>
        tpu.wait_indirect_dma semaphore(%run_scoped3A : memref<!tpu.dma_semaphore, #tpu.memory_space<semaphore_mem>>) src(%arg7 : memref<128xf32, #tpu.memory_space<vmem>>) dst(%dma_wait3A_21 : memref<10008xf32, #tpu.memory_space<vmem_shared>>)
        tpu.yield
      }) : () -> ()
    }
    %scan3A_6 = arith.constant 160 : i32
    %barrier3A_7 = arith.constant 0 : index
    tpu.barrier barrier_id(%barrier3A_7)
    %lt3A_8 = arith.constant 10 : i32
    %lt3A_9 = arith.cmpi slt, %arg1, %lt3A_8 : i32
    %convert_element_type3A_10 = arith.extui %lt3A_9 : i1 to i32
    %cond3A_11 = arith.constant 0 : i32
    %cond3A_12 = arith.cmpi ne, %convert_element_type3A_10, %cond3A_11 : i32
    scf.if %cond3A_12 {
      %mul3A = arith.constant 1000 : i32
      %mul3A_13 = arith.muli %arg1, %mul3A : i32
      %multiple_of3A = tpu.assume_multiple %mul3A_13, 8 : i32
      %mul3A_14 = arith.constant 10000 : i32
      %mul3A_15 = arith.muli %arg0, %mul3A_14 : i32
      %mul3A_16 = arith.constant 1000 : i32
      %mul3A_17 = arith.muli %arg1, %mul3A_16 : i32
      %add3A = arith.addi %mul3A_15, %mul3A_17 : i32
      %multiple_of3A_18 = tpu.assume_multiple %add3A, 8 : i32
      "tpu.region"() ({
        %run_scoped3A = tpu.sem_alloc : memref<!tpu.dma_semaphore, #tpu.memory_space<semaphore_mem>>
        %dma_start3A = tpu.memref_slice %arg9[%multiple_of3A] : memref<10008xf32, #tpu.memory_space<vmem_shared>> -> memref<1000xf32, #tpu.memory_space<vmem_shared>>
        %dma_start3A_19 = tpu.memref_slice %arg9[%multiple_of3A] : memref<10008xf32, #tpu.memory_space<vmem_shared>> -> memref<1000xf32, #tpu.memory_space<vmem_shared>>
        tpu.enqueue_dma source(%dma_start3A_19 : memref<1000xf32, #tpu.memory_space<vmem_shared>>) target(%arg8 : memref<1000xf32, #tpu.memory_space<vmem>>) target_semaphore(%run_scoped3A : memref<!tpu.dma_semaphore, #tpu.memory_space<semaphore_mem>>)
        %dma_wait3A = tpu.memref_slice %arg9[%multiple_of3A] : memref<10008xf32, #tpu.memory_space<vmem_shared>> -> memref<1000xf32, #tpu.memory_space<vmem_shared>>
        %dma_wait3A_20 = tpu.memref_slice %arg9[%multiple_of3A] : memref<10008xf32, #tpu.memory_space<vmem_shared>> -> memref<1000xf32, #tpu.memory_space<vmem_shared>>
        tpu.wait_dma2 semaphore(%run_scoped3A : memref<!tpu.dma_semaphore, #tpu.memory_space<semaphore_mem>>) src(%dma_wait3A_20 : memref<1000xf32, #tpu.memory_space<vmem_shared>>) dst(%arg8 : memref<1000xf32, #tpu.memory_space<vmem>>)
        tpu.yield
      }) : () -> ()
      "tpu.region"() ({
        %run_scoped3A = tpu.sem_alloc : memref<!tpu.dma_semaphore, #tpu.memory_space<semaphore_mem>>
        %dma_start3A = tpu.memref_slice %arg5[%multiple_of3A_18] : memref<20000xf32, #tpu.memory_space<hbm>> -> memref<1000xf32, #tpu.memory_space<hbm>>
        %dma_start3A_19 = tpu.memref_slice %arg5[%multiple_of3A_18] : memref<20000xf32, #tpu.memory_space<hbm>> -> memref<1000xf32, #tpu.memory_space<hbm>>
        tpu.enqueue_dma source(%arg8 : memref<1000xf32, #tpu.memory_space<vmem>>) target(%dma_start3A_19 : memref<1000xf32, #tpu.memory_space<hbm>>) target_semaphore(%run_scoped3A : memref<!tpu.dma_semaphore, #tpu.memory_space<semaphore_mem>>)
        %dma_wait3A = tpu.memref_slice %arg5[%multiple_of3A_18] : memref<20000xf32, #tpu.memory_space<hbm>> -> memref<1000xf32, #tpu.memory_space<hbm>>
        %dma_wait3A_20 = tpu.memref_slice %arg5[%multiple_of3A_18] : memref<20000xf32, #tpu.memory_space<hbm>> -> memref<1000xf32, #tpu.memory_space<hbm>>
        tpu.wait_dma2 semaphore(%run_scoped3A : memref<!tpu.dma_semaphore, #tpu.memory_space<semaphore_mem>>) src(%arg8 : memref<1000xf32, #tpu.memory_space<vmem>>) dst(%dma_wait3A_20 : memref<1000xf32, #tpu.memory_space<hbm>>)
        tpu.yield
      }) : () -> ()
    } else {
    }
    return
  }
}

#map = affine_map<(d0, d1) -> (0, 0, 0)>
#map1 = affine_map<(d0, d1) -> (0, 0)>
module attributes {stable_mosaic.version = 14 : i64} {
  func.func @_prop_kernel(%arg0: i32, %arg1: i32, %arg2: memref<2x10008x64xf32, #tpu.memory_space<hbm>>, %arg3: memref<16x160x128xi32, #tpu.memory_space<hbm>>, %arg4: memref<16x160x128xi32, #tpu.memory_space<hbm>>, %arg5: memref<200x64xf32, #tpu.memory_space<hbm>>, %arg6: memref<2x10000x64xf32, #tpu.memory_space<hbm>>, %arg7: memref<160x128xi32, #tpu.memory_space<vmem>>, %arg8: memref<160x128xi32, #tpu.memory_space<vmem>>, %arg9: memref<4x128x64xf32, #tpu.memory_space<vmem>>, %arg10: memref<200x64xf32, #tpu.memory_space<vmem>>, %arg11: memref<10008x64xf32, #tpu.memory_space<vmem_shared>>, %arg12: memref<!tpu.dma_semaphore, #tpu.memory_space<semaphore_mem>>, %arg13: memref<!tpu.dma_semaphore, #tpu.memory_space<semaphore_mem>>) attributes {dimension_semantics = [#tpu.dimension_semantics<core_parallel>, #tpu.dimension_semantics<subcore_parallel>], iteration_bounds = array<i64: 2, 16>, scalar_prefetch = 0 : i64, scratch_operands = 7 : i64, tpu.core_type = #tpu.core_type<sc_vector_subcore>, window_params = [{transform_indices = #map}, {transform_indices = #map}, {transform_indices = #map}, {transform_indices = #map1}, {transform_indices = #map}]} {
    %dma_start3A = arith.constant 0 : i32
    %dma_start3A_0 = arith.constant 0 : i32
    %dma_start3A_1 = tpu.memref_slice %arg3[%arg1, %dma_start3A, %dma_start3A_0] : memref<16x160x128xi32, #tpu.memory_space<hbm>> -> memref<1x160x128xi32, #tpu.memory_space<hbm>>
    %dma_start3A_2 = tpu.memref_squeeze %dma_start3A_1 : memref<1x160x128xi32, #tpu.memory_space<hbm>> -> memref<160x128xi32, #tpu.memory_space<hbm>>
    %dma_start3A_3 = arith.constant 0 : i32
    %dma_start3A_4 = arith.constant 0 : i32
    %dma_start3A_5 = tpu.memref_slice %arg3[%arg1, %dma_start3A_3, %dma_start3A_4] : memref<16x160x128xi32, #tpu.memory_space<hbm>> -> memref<1x160x128xi32, #tpu.memory_space<hbm>>
    %dma_start3A_6 = tpu.memref_squeeze %dma_start3A_5 : memref<1x160x128xi32, #tpu.memory_space<hbm>> -> memref<160x128xi32, #tpu.memory_space<hbm>>
    tpu.enqueue_dma source(%dma_start3A_6 : memref<160x128xi32, #tpu.memory_space<hbm>>) target(%arg7 : memref<160x128xi32, #tpu.memory_space<vmem>>) target_semaphore(%arg12 : memref<!tpu.dma_semaphore, #tpu.memory_space<semaphore_mem>>)
    %dma_start3A_7 = arith.constant 0 : i32
    %dma_start3A_8 = arith.constant 0 : i32
    %dma_start3A_9 = tpu.memref_slice %arg4[%arg1, %dma_start3A_7, %dma_start3A_8] : memref<16x160x128xi32, #tpu.memory_space<hbm>> -> memref<1x160x128xi32, #tpu.memory_space<hbm>>
    %dma_start3A_10 = tpu.memref_squeeze %dma_start3A_9 : memref<1x160x128xi32, #tpu.memory_space<hbm>> -> memref<160x128xi32, #tpu.memory_space<hbm>>
    %dma_start3A_11 = arith.constant 0 : i32
    %dma_start3A_12 = arith.constant 0 : i32
    %dma_start3A_13 = tpu.memref_slice %arg4[%arg1, %dma_start3A_11, %dma_start3A_12] : memref<16x160x128xi32, #tpu.memory_space<hbm>> -> memref<1x160x128xi32, #tpu.memory_space<hbm>>
    %dma_start3A_14 = tpu.memref_squeeze %dma_start3A_13 : memref<1x160x128xi32, #tpu.memory_space<hbm>> -> memref<160x128xi32, #tpu.memory_space<hbm>>
    tpu.enqueue_dma source(%dma_start3A_14 : memref<160x128xi32, #tpu.memory_space<hbm>>) target(%arg8 : memref<160x128xi32, #tpu.memory_space<vmem>>) target_semaphore(%arg12 : memref<!tpu.dma_semaphore, #tpu.memory_space<semaphore_mem>>)
    "tpu.region"() ({
      %run_scoped3A = tpu.sem_alloc : memref<!tpu.dma_semaphore, #tpu.memory_space<semaphore_mem>>
      tpu.enqueue_dma source(%arg5 : memref<200x64xf32, #tpu.memory_space<hbm>>) target(%arg10 : memref<200x64xf32, #tpu.memory_space<vmem>>) target_semaphore(%run_scoped3A : memref<!tpu.dma_semaphore, #tpu.memory_space<semaphore_mem>>)
      tpu.wait_dma2 semaphore(%run_scoped3A : memref<!tpu.dma_semaphore, #tpu.memory_space<semaphore_mem>>) src(%arg5 : memref<200x64xf32, #tpu.memory_space<hbm>>) dst(%arg10 : memref<200x64xf32, #tpu.memory_space<vmem>>)
      tpu.yield
    }) : () -> ()
    %lt3A = arith.constant 10 : i32
    %lt3A_15 = arith.cmpi slt, %arg1, %lt3A : i32
    %convert_element_type3A = arith.extui %lt3A_15 : i1 to i32
    %cond3A = arith.constant 0 : i32
    %cond3A_16 = arith.cmpi ne, %convert_element_type3A, %cond3A : i32
    scf.if %cond3A_16 {
      %mul3A = arith.constant 1000 : i32
      %mul3A_107 = arith.muli %arg1, %mul3A : i32
      %add3A = arith.constant 0 : i32
      %add3A_108 = arith.addi %mul3A_107, %add3A : i32
      %multiple_of3A = tpu.assume_multiple %add3A_108, 8 : i32
      %dma_start3A_109 = arith.constant 0 : i32
      %dma_start3A_110 = tpu.memref_slice %arg11[%multiple_of3A, %dma_start3A_109] : memref<10008x64xf32, #tpu.memory_space<vmem_shared>> -> memref<200x64xf32, #tpu.memory_space<vmem_shared>>
      %dma_start3A_111 = arith.constant 0 : i32
      %dma_start3A_112 = tpu.memref_slice %arg11[%multiple_of3A, %dma_start3A_111] : memref<10008x64xf32, #tpu.memory_space<vmem_shared>> -> memref<200x64xf32, #tpu.memory_space<vmem_shared>>
      tpu.enqueue_dma source(%arg10 : memref<200x64xf32, #tpu.memory_space<vmem>>) target(%dma_start3A_112 : memref<200x64xf32, #tpu.memory_space<vmem_shared>>) target_semaphore(%arg13 : memref<!tpu.dma_semaphore, #tpu.memory_space<semaphore_mem>>)
      %mul3A_113 = arith.constant 1000 : i32
      %mul3A_114 = arith.muli %arg1, %mul3A_113 : i32
      %add3A_115 = arith.constant 200 : i32
      %add3A_116 = arith.addi %mul3A_114, %add3A_115 : i32
      %multiple_of3A_117 = tpu.assume_multiple %add3A_116, 8 : i32
      %dma_start3A_118 = arith.constant 0 : i32
      %dma_start3A_119 = tpu.memref_slice %arg11[%multiple_of3A_117, %dma_start3A_118] : memref<10008x64xf32, #tpu.memory_space<vmem_shared>> -> memref<200x64xf32, #tpu.memory_space<vmem_shared>>
      %dma_start3A_120 = arith.constant 0 : i32
      %dma_start3A_121 = tpu.memref_slice %arg11[%multiple_of3A_117, %dma_start3A_120] : memref<10008x64xf32, #tpu.memory_space<vmem_shared>> -> memref<200x64xf32, #tpu.memory_space<vmem_shared>>
      tpu.enqueue_dma source(%arg10 : memref<200x64xf32, #tpu.memory_space<vmem>>) target(%dma_start3A_121 : memref<200x64xf32, #tpu.memory_space<vmem_shared>>) target_semaphore(%arg13 : memref<!tpu.dma_semaphore, #tpu.memory_space<semaphore_mem>>)
      %mul3A_122 = arith.constant 1000 : i32
      %mul3A_123 = arith.muli %arg1, %mul3A_122 : i32
      %add3A_124 = arith.constant 400 : i32
      %add3A_125 = arith.addi %mul3A_123, %add3A_124 : i32
      %multiple_of3A_126 = tpu.assume_multiple %add3A_125, 8 : i32
      %dma_start3A_127 = arith.constant 0 : i32
      %dma_start3A_128 = tpu.memref_slice %arg11[%multiple_of3A_126, %dma_start3A_127] : memref<10008x64xf32, #tpu.memory_space<vmem_shared>> -> memref<200x64xf32, #tpu.memory_space<vmem_shared>>
      %dma_start3A_129 = arith.constant 0 : i32
      %dma_start3A_130 = tpu.memref_slice %arg11[%multiple_of3A_126, %dma_start3A_129] : memref<10008x64xf32, #tpu.memory_space<vmem_shared>> -> memref<200x64xf32, #tpu.memory_space<vmem_shared>>
      tpu.enqueue_dma source(%arg10 : memref<200x64xf32, #tpu.memory_space<vmem>>) target(%dma_start3A_130 : memref<200x64xf32, #tpu.memory_space<vmem_shared>>) target_semaphore(%arg13 : memref<!tpu.dma_semaphore, #tpu.memory_space<semaphore_mem>>)
      %mul3A_131 = arith.constant 1000 : i32
      %mul3A_132 = arith.muli %arg1, %mul3A_131 : i32
      %add3A_133 = arith.constant 600 : i32
      %add3A_134 = arith.addi %mul3A_132, %add3A_133 : i32
      %multiple_of3A_135 = tpu.assume_multiple %add3A_134, 8 : i32
      %dma_start3A_136 = arith.constant 0 : i32
      %dma_start3A_137 = tpu.memref_slice %arg11[%multiple_of3A_135, %dma_start3A_136] : memref<10008x64xf32, #tpu.memory_space<vmem_shared>> -> memref<200x64xf32, #tpu.memory_space<vmem_shared>>
      %dma_start3A_138 = arith.constant 0 : i32
      %dma_start3A_139 = tpu.memref_slice %arg11[%multiple_of3A_135, %dma_start3A_138] : memref<10008x64xf32, #tpu.memory_space<vmem_shared>> -> memref<200x64xf32, #tpu.memory_space<vmem_shared>>
      tpu.enqueue_dma source(%arg10 : memref<200x64xf32, #tpu.memory_space<vmem>>) target(%dma_start3A_139 : memref<200x64xf32, #tpu.memory_space<vmem_shared>>) target_semaphore(%arg13 : memref<!tpu.dma_semaphore, #tpu.memory_space<semaphore_mem>>)
      %mul3A_140 = arith.constant 1000 : i32
      %mul3A_141 = arith.muli %arg1, %mul3A_140 : i32
      %add3A_142 = arith.constant 800 : i32
      %add3A_143 = arith.addi %mul3A_141, %add3A_142 : i32
      %multiple_of3A_144 = tpu.assume_multiple %add3A_143, 8 : i32
      %dma_start3A_145 = arith.constant 0 : i32
      %dma_start3A_146 = tpu.memref_slice %arg11[%multiple_of3A_144, %dma_start3A_145] : memref<10008x64xf32, #tpu.memory_space<vmem_shared>> -> memref<200x64xf32, #tpu.memory_space<vmem_shared>>
      %dma_start3A_147 = arith.constant 0 : i32
      %dma_start3A_148 = tpu.memref_slice %arg11[%multiple_of3A_144, %dma_start3A_147] : memref<10008x64xf32, #tpu.memory_space<vmem_shared>> -> memref<200x64xf32, #tpu.memory_space<vmem_shared>>
      tpu.enqueue_dma source(%arg10 : memref<200x64xf32, #tpu.memory_space<vmem>>) target(%dma_start3A_148 : memref<200x64xf32, #tpu.memory_space<vmem_shared>>) target_semaphore(%arg13 : memref<!tpu.dma_semaphore, #tpu.memory_space<semaphore_mem>>)
      %dma_wait3A_149 = arith.constant 0 : i32
      %dma_wait3A_150 = tpu.memref_slice %arg11[%multiple_of3A, %dma_wait3A_149] : memref<10008x64xf32, #tpu.memory_space<vmem_shared>> -> memref<200x64xf32, #tpu.memory_space<vmem_shared>>
      %dma_wait3A_151 = arith.constant 0 : i32
      %dma_wait3A_152 = tpu.memref_slice %arg11[%multiple_of3A, %dma_wait3A_151] : memref<10008x64xf32, #tpu.memory_space<vmem_shared>> -> memref<200x64xf32, #tpu.memory_space<vmem_shared>>
      tpu.wait_dma2 semaphore(%arg13 : memref<!tpu.dma_semaphore, #tpu.memory_space<semaphore_mem>>) src(%arg10 : memref<200x64xf32, #tpu.memory_space<vmem>>) dst(%dma_wait3A_152 : memref<200x64xf32, #tpu.memory_space<vmem_shared>>)
      %dma_wait3A_153 = arith.constant 0 : i32
      %dma_wait3A_154 = tpu.memref_slice %arg11[%multiple_of3A_117, %dma_wait3A_153] : memref<10008x64xf32, #tpu.memory_space<vmem_shared>> -> memref<200x64xf32, #tpu.memory_space<vmem_shared>>
      %dma_wait3A_155 = arith.constant 0 : i32
      %dma_wait3A_156 = tpu.memref_slice %arg11[%multiple_of3A_117, %dma_wait3A_155] : memref<10008x64xf32, #tpu.memory_space<vmem_shared>> -> memref<200x64xf32, #tpu.memory_space<vmem_shared>>
      tpu.wait_dma2 semaphore(%arg13 : memref<!tpu.dma_semaphore, #tpu.memory_space<semaphore_mem>>) src(%arg10 : memref<200x64xf32, #tpu.memory_space<vmem>>) dst(%dma_wait3A_156 : memref<200x64xf32, #tpu.memory_space<vmem_shared>>)
      %dma_wait3A_157 = arith.constant 0 : i32
      %dma_wait3A_158 = tpu.memref_slice %arg11[%multiple_of3A_126, %dma_wait3A_157] : memref<10008x64xf32, #tpu.memory_space<vmem_shared>> -> memref<200x64xf32, #tpu.memory_space<vmem_shared>>
      %dma_wait3A_159 = arith.constant 0 : i32
      %dma_wait3A_160 = tpu.memref_slice %arg11[%multiple_of3A_126, %dma_wait3A_159] : memref<10008x64xf32, #tpu.memory_space<vmem_shared>> -> memref<200x64xf32, #tpu.memory_space<vmem_shared>>
      tpu.wait_dma2 semaphore(%arg13 : memref<!tpu.dma_semaphore, #tpu.memory_space<semaphore_mem>>) src(%arg10 : memref<200x64xf32, #tpu.memory_space<vmem>>) dst(%dma_wait3A_160 : memref<200x64xf32, #tpu.memory_space<vmem_shared>>)
      %dma_wait3A_161 = arith.constant 0 : i32
      %dma_wait3A_162 = tpu.memref_slice %arg11[%multiple_of3A_135, %dma_wait3A_161] : memref<10008x64xf32, #tpu.memory_space<vmem_shared>> -> memref<200x64xf32, #tpu.memory_space<vmem_shared>>
      %dma_wait3A_163 = arith.constant 0 : i32
      %dma_wait3A_164 = tpu.memref_slice %arg11[%multiple_of3A_135, %dma_wait3A_163] : memref<10008x64xf32, #tpu.memory_space<vmem_shared>> -> memref<200x64xf32, #tpu.memory_space<vmem_shared>>
      tpu.wait_dma2 semaphore(%arg13 : memref<!tpu.dma_semaphore, #tpu.memory_space<semaphore_mem>>) src(%arg10 : memref<200x64xf32, #tpu.memory_space<vmem>>) dst(%dma_wait3A_164 : memref<200x64xf32, #tpu.memory_space<vmem_shared>>)
      %dma_wait3A_165 = arith.constant 0 : i32
      %dma_wait3A_166 = tpu.memref_slice %arg11[%multiple_of3A_144, %dma_wait3A_165] : memref<10008x64xf32, #tpu.memory_space<vmem_shared>> -> memref<200x64xf32, #tpu.memory_space<vmem_shared>>
      %dma_wait3A_167 = arith.constant 0 : i32
      %dma_wait3A_168 = tpu.memref_slice %arg11[%multiple_of3A_144, %dma_wait3A_167] : memref<10008x64xf32, #tpu.memory_space<vmem_shared>> -> memref<200x64xf32, #tpu.memory_space<vmem_shared>>
      tpu.wait_dma2 semaphore(%arg13 : memref<!tpu.dma_semaphore, #tpu.memory_space<semaphore_mem>>) src(%arg10 : memref<200x64xf32, #tpu.memory_space<vmem>>) dst(%dma_wait3A_168 : memref<200x64xf32, #tpu.memory_space<vmem_shared>>)
    } else {
    }
    %dma_wait3A = arith.constant 0 : i32
    %dma_wait3A_17 = arith.constant 0 : i32
    %dma_wait3A_18 = tpu.memref_slice %arg3[%arg1, %dma_wait3A, %dma_wait3A_17] : memref<16x160x128xi32, #tpu.memory_space<hbm>> -> memref<1x160x128xi32, #tpu.memory_space<hbm>>
    %dma_wait3A_19 = tpu.memref_squeeze %dma_wait3A_18 : memref<1x160x128xi32, #tpu.memory_space<hbm>> -> memref<160x128xi32, #tpu.memory_space<hbm>>
    %dma_wait3A_20 = arith.constant 0 : i32
    %dma_wait3A_21 = arith.constant 0 : i32
    %dma_wait3A_22 = tpu.memref_slice %arg3[%arg1, %dma_wait3A_20, %dma_wait3A_21] : memref<16x160x128xi32, #tpu.memory_space<hbm>> -> memref<1x160x128xi32, #tpu.memory_space<hbm>>
    %dma_wait3A_23 = tpu.memref_squeeze %dma_wait3A_22 : memref<1x160x128xi32, #tpu.memory_space<hbm>> -> memref<160x128xi32, #tpu.memory_space<hbm>>
    tpu.wait_dma2 semaphore(%arg12 : memref<!tpu.dma_semaphore, #tpu.memory_space<semaphore_mem>>) src(%dma_wait3A_23 : memref<160x128xi32, #tpu.memory_space<hbm>>) dst(%arg7 : memref<160x128xi32, #tpu.memory_space<vmem>>)
    %dma_wait3A_24 = arith.constant 0 : i32
    %dma_wait3A_25 = arith.constant 0 : i32
    %dma_wait3A_26 = tpu.memref_slice %arg4[%arg1, %dma_wait3A_24, %dma_wait3A_25] : memref<16x160x128xi32, #tpu.memory_space<hbm>> -> memref<1x160x128xi32, #tpu.memory_space<hbm>>
    %dma_wait3A_27 = tpu.memref_squeeze %dma_wait3A_26 : memref<1x160x128xi32, #tpu.memory_space<hbm>> -> memref<160x128xi32, #tpu.memory_space<hbm>>
    %dma_wait3A_28 = arith.constant 0 : i32
    %dma_wait3A_29 = arith.constant 0 : i32
    %dma_wait3A_30 = tpu.memref_slice %arg4[%arg1, %dma_wait3A_28, %dma_wait3A_29] : memref<16x160x128xi32, #tpu.memory_space<hbm>> -> memref<1x160x128xi32, #tpu.memory_space<hbm>>
    %dma_wait3A_31 = tpu.memref_squeeze %dma_wait3A_30 : memref<1x160x128xi32, #tpu.memory_space<hbm>> -> memref<160x128xi32, #tpu.memory_space<hbm>>
    tpu.wait_dma2 semaphore(%arg12 : memref<!tpu.dma_semaphore, #tpu.memory_space<semaphore_mem>>) src(%dma_wait3A_31 : memref<160x128xi32, #tpu.memory_space<hbm>>) dst(%arg8 : memref<160x128xi32, #tpu.memory_space<vmem>>)
    %barrier3A = arith.constant 0 : index
    tpu.barrier barrier_id(%barrier3A)
    %dma_start3A_32 = arith.constant 0 : i32
    %dma_start3A_33 = arith.constant 0 : i32
    %dma_start3A_34 = arith.constant 0 : i32
    %dma_start3A_35 = arith.constant 0 : i32
    %dma_start3A_36 = tpu.memref_slice %arg9[%dma_start3A_33, %dma_start3A_34, %dma_start3A_35] : memref<4x128x64xf32, #tpu.memory_space<vmem>> -> memref<1x128x64xf32, #tpu.memory_space<vmem>>
    %dma_start3A_37 = tpu.memref_squeeze %dma_start3A_36 : memref<1x128x64xf32, #tpu.memory_space<vmem>> -> memref<128x64xf32, #tpu.memory_space<vmem>>
    %dma_start3A_38 = arith.constant 0 : i32
    %dma_start3A_39 = tpu.memref_slice %arg7[%dma_start3A_32, %dma_start3A_38] : memref<160x128xi32, #tpu.memory_space<vmem>> -> memref<1x128xi32, #tpu.memory_space<vmem>>
    %dma_start3A_40 = tpu.memref_squeeze %dma_start3A_39 : memref<1x128xi32, #tpu.memory_space<vmem>> -> memref<128xi32, #tpu.memory_space<vmem>>
    %dma_start3A_41 = arith.constant 0 : i32
    %dma_start3A_42 = arith.constant 0 : i32
    %dma_start3A_43 = tpu.memref_slice %arg2[%arg0, %dma_start3A_41, %dma_start3A_42] : memref<2x10008x64xf32, #tpu.memory_space<hbm>> -> memref<1x10008x64xf32, #tpu.memory_space<hbm>>
    %dma_start3A_44 = tpu.memref_squeeze %dma_start3A_43 : memref<1x10008x64xf32, #tpu.memory_space<hbm>> -> memref<10008x64xf32, #tpu.memory_space<hbm>>
    %dma_start3A_45 = arith.constant 0 : i32
    %dma_start3A_46 = arith.constant 0 : i32
    %dma_start3A_47 = tpu.memref_slice %dma_start3A_44[%dma_start3A_45, %dma_start3A_46] : memref<10008x64xf32, #tpu.memory_space<hbm>> -> memref<10008x64xf32, #tpu.memory_space<hbm>>
    tpu.enqueue_indirect_dma source(%dma_start3A_47 : memref<10008x64xf32, #tpu.memory_space<hbm>>) target(%dma_start3A_37 : memref<128x64xf32, #tpu.memory_space<vmem>>) offsets(%dma_start3A_40 : memref<128xi32, #tpu.memory_space<vmem>>) semaphore(%arg12 : memref<!tpu.dma_semaphore, #tpu.memory_space<semaphore_mem>>)
    %dma_start3A_48 = arith.constant 1 : i32
    %dma_start3A_49 = arith.constant 1 : i32
    %dma_start3A_50 = arith.constant 0 : i32
    %dma_start3A_51 = arith.constant 0 : i32
    %dma_start3A_52 = tpu.memref_slice %arg9[%dma_start3A_49, %dma_start3A_50, %dma_start3A_51] : memref<4x128x64xf32, #tpu.memory_space<vmem>> -> memref<1x128x64xf32, #tpu.memory_space<vmem>>
    %dma_start3A_53 = tpu.memref_squeeze %dma_start3A_52 : memref<1x128x64xf32, #tpu.memory_space<vmem>> -> memref<128x64xf32, #tpu.memory_space<vmem>>
    %dma_start3A_54 = arith.constant 0 : i32
    %dma_start3A_55 = tpu.memref_slice %arg7[%dma_start3A_48, %dma_start3A_54] : memref<160x128xi32, #tpu.memory_space<vmem>> -> memref<1x128xi32, #tpu.memory_space<vmem>>
    %dma_start3A_56 = tpu.memref_squeeze %dma_start3A_55 : memref<1x128xi32, #tpu.memory_space<vmem>> -> memref<128xi32, #tpu.memory_space<vmem>>
    %dma_start3A_57 = arith.constant 0 : i32
    %dma_start3A_58 = arith.constant 0 : i32
    %dma_start3A_59 = tpu.memref_slice %arg2[%arg0, %dma_start3A_57, %dma_start3A_58] : memref<2x10008x64xf32, #tpu.memory_space<hbm>> -> memref<1x10008x64xf32, #tpu.memory_space<hbm>>
    %dma_start3A_60 = tpu.memref_squeeze %dma_start3A_59 : memref<1x10008x64xf32, #tpu.memory_space<hbm>> -> memref<10008x64xf32, #tpu.memory_space<hbm>>
    %dma_start3A_61 = arith.constant 0 : i32
    %dma_start3A_62 = arith.constant 0 : i32
    %dma_start3A_63 = tpu.memref_slice %dma_start3A_60[%dma_start3A_61, %dma_start3A_62] : memref<10008x64xf32, #tpu.memory_space<hbm>> -> memref<10008x64xf32, #tpu.memory_space<hbm>>
    tpu.enqueue_indirect_dma source(%dma_start3A_63 : memref<10008x64xf32, #tpu.memory_space<hbm>>) target(%dma_start3A_53 : memref<128x64xf32, #tpu.memory_space<vmem>>) offsets(%dma_start3A_56 : memref<128xi32, #tpu.memory_space<vmem>>) semaphore(%arg12 : memref<!tpu.dma_semaphore, #tpu.memory_space<semaphore_mem>>)
    %dma_start3A_64 = arith.constant 2 : i32
    %dma_start3A_65 = arith.constant 2 : i32
    %dma_start3A_66 = arith.constant 0 : i32
    %dma_start3A_67 = arith.constant 0 : i32
    %dma_start3A_68 = tpu.memref_slice %arg9[%dma_start3A_65, %dma_start3A_66, %dma_start3A_67] : memref<4x128x64xf32, #tpu.memory_space<vmem>> -> memref<1x128x64xf32, #tpu.memory_space<vmem>>
    %dma_start3A_69 = tpu.memref_squeeze %dma_start3A_68 : memref<1x128x64xf32, #tpu.memory_space<vmem>> -> memref<128x64xf32, #tpu.memory_space<vmem>>
    %dma_start3A_70 = arith.constant 0 : i32
    %dma_start3A_71 = tpu.memref_slice %arg7[%dma_start3A_64, %dma_start3A_70] : memref<160x128xi32, #tpu.memory_space<vmem>> -> memref<1x128xi32, #tpu.memory_space<vmem>>
    %dma_start3A_72 = tpu.memref_squeeze %dma_start3A_71 : memref<1x128xi32, #tpu.memory_space<vmem>> -> memref<128xi32, #tpu.memory_space<vmem>>
    %dma_start3A_73 = arith.constant 0 : i32
    %dma_start3A_74 = arith.constant 0 : i32
    %dma_start3A_75 = tpu.memref_slice %arg2[%arg0, %dma_start3A_73, %dma_start3A_74] : memref<2x10008x64xf32, #tpu.memory_space<hbm>> -> memref<1x10008x64xf32, #tpu.memory_space<hbm>>
    %dma_start3A_76 = tpu.memref_squeeze %dma_start3A_75 : memref<1x10008x64xf32, #tpu.memory_space<hbm>> -> memref<10008x64xf32, #tpu.memory_space<hbm>>
    %dma_start3A_77 = arith.constant 0 : i32
    %dma_start3A_78 = arith.constant 0 : i32
    %dma_start3A_79 = tpu.memref_slice %dma_start3A_76[%dma_start3A_77, %dma_start3A_78] : memref<10008x64xf32, #tpu.memory_space<hbm>> -> memref<10008x64xf32, #tpu.memory_space<hbm>>
    tpu.enqueue_indirect_dma source(%dma_start3A_79 : memref<10008x64xf32, #tpu.memory_space<hbm>>) target(%dma_start3A_69 : memref<128x64xf32, #tpu.memory_space<vmem>>) offsets(%dma_start3A_72 : memref<128xi32, #tpu.memory_space<vmem>>) semaphore(%arg12 : memref<!tpu.dma_semaphore, #tpu.memory_space<semaphore_mem>>)
    %dma_start3A_80 = arith.constant 3 : i32
    %dma_start3A_81 = arith.constant 3 : i32
    %dma_start3A_82 = arith.constant 0 : i32
    %dma_start3A_83 = arith.constant 0 : i32
    %dma_start3A_84 = tpu.memref_slice %arg9[%dma_start3A_81, %dma_start3A_82, %dma_start3A_83] : memref<4x128x64xf32, #tpu.memory_space<vmem>> -> memref<1x128x64xf32, #tpu.memory_space<vmem>>
    %dma_start3A_85 = tpu.memref_squeeze %dma_start3A_84 : memref<1x128x64xf32, #tpu.memory_space<vmem>> -> memref<128x64xf32, #tpu.memory_space<vmem>>
    %dma_start3A_86 = arith.constant 0 : i32
    %dma_start3A_87 = tpu.memref_slice %arg7[%dma_start3A_80, %dma_start3A_86] : memref<160x128xi32, #tpu.memory_space<vmem>> -> memref<1x128xi32, #tpu.memory_space<vmem>>
    %dma_start3A_88 = tpu.memref_squeeze %dma_start3A_87 : memref<1x128xi32, #tpu.memory_space<vmem>> -> memref<128xi32, #tpu.memory_space<vmem>>
    %dma_start3A_89 = arith.constant 0 : i32
    %dma_start3A_90 = arith.constant 0 : i32
    %dma_start3A_91 = tpu.memref_slice %arg2[%arg0, %dma_start3A_89, %dma_start3A_90] : memref<2x10008x64xf32, #tpu.memory_space<hbm>> -> memref<1x10008x64xf32, #tpu.memory_space<hbm>>
    %dma_start3A_92 = tpu.memref_squeeze %dma_start3A_91 : memref<1x10008x64xf32, #tpu.memory_space<hbm>> -> memref<10008x64xf32, #tpu.memory_space<hbm>>
    %dma_start3A_93 = arith.constant 0 : i32
    %dma_start3A_94 = arith.constant 0 : i32
    %dma_start3A_95 = tpu.memref_slice %dma_start3A_92[%dma_start3A_93, %dma_start3A_94] : memref<10008x64xf32, #tpu.memory_space<hbm>> -> memref<10008x64xf32, #tpu.memory_space<hbm>>
    tpu.enqueue_indirect_dma source(%dma_start3A_95 : memref<10008x64xf32, #tpu.memory_space<hbm>>) target(%dma_start3A_85 : memref<128x64xf32, #tpu.memory_space<vmem>>) offsets(%dma_start3A_88 : memref<128xi32, #tpu.memory_space<vmem>>) semaphore(%arg12 : memref<!tpu.dma_semaphore, #tpu.memory_space<semaphore_mem>>)
    %scan3A = arith.constant 0 : i32
    %scan3A_96 = arith.constant 0 : i32
    %scan3A_97 = arith.constant 40 : i32
    %scan3A_98 = arith.addi %scan3A_96, %scan3A_97 : i32
    %scan3A_99 = arith.constant 1 : i32
    scf.for %scan3A_107 = %scan3A_96 to %scan3A_98 step %scan3A_99  : i32 {
      %mul3A = arith.constant 4 : i32
      %mul3A_108 = arith.muli %mul3A, %scan3A_107 : i32
      %add3A = arith.constant 0 : i32
      %add3A_109 = arith.addi %mul3A_108, %add3A : i32
      %dma_wait3A_110 = arith.constant 0 : i32
      %dma_wait3A_111 = arith.constant 0 : i32
      %dma_wait3A_112 = arith.constant 0 : i32
      %dma_wait3A_113 = tpu.memref_slice %arg9[%dma_wait3A_110, %dma_wait3A_111, %dma_wait3A_112] : memref<4x128x64xf32, #tpu.memory_space<vmem>> -> memref<1x128x64xf32, #tpu.memory_space<vmem>>
      %dma_wait3A_114 = tpu.memref_squeeze %dma_wait3A_113 : memref<1x128x64xf32, #tpu.memory_space<vmem>> -> memref<128x64xf32, #tpu.memory_space<vmem>>
      %dma_wait3A_115 = arith.constant 0 : i32
      %dma_wait3A_116 = tpu.memref_slice %arg7[%add3A_109, %dma_wait3A_115] : memref<160x128xi32, #tpu.memory_space<vmem>> -> memref<1x128xi32, #tpu.memory_space<vmem>>
      %dma_wait3A_117 = tpu.memref_squeeze %dma_wait3A_116 : memref<1x128xi32, #tpu.memory_space<vmem>> -> memref<128xi32, #tpu.memory_space<vmem>>
      %dma_wait3A_118 = arith.constant 0 : i32
      %dma_wait3A_119 = arith.constant 0 : i32
      %dma_wait3A_120 = tpu.memref_slice %arg2[%arg0, %dma_wait3A_118, %dma_wait3A_119] : memref<2x10008x64xf32, #tpu.memory_space<hbm>> -> memref<1x10008x64xf32, #tpu.memory_space<hbm>>
      %dma_wait3A_121 = tpu.memref_squeeze %dma_wait3A_120 : memref<1x10008x64xf32, #tpu.memory_space<hbm>> -> memref<10008x64xf32, #tpu.memory_space<hbm>>
      %dma_wait3A_122 = arith.constant 0 : i32
      %dma_wait3A_123 = arith.constant 0 : i32
      %dma_wait3A_124 = tpu.memref_slice %dma_wait3A_121[%dma_wait3A_122, %dma_wait3A_123] : memref<10008x64xf32, #tpu.memory_space<hbm>> -> memref<10008x64xf32, #tpu.memory_space<hbm>>
      tpu.wait_indirect_dma semaphore(%arg12 : memref<!tpu.dma_semaphore, #tpu.memory_space<semaphore_mem>>) src(%dma_wait3A_124 : memref<10008x64xf32, #tpu.memory_space<hbm>>) dst(%dma_wait3A_114 : memref<128x64xf32, #tpu.memory_space<vmem>>)
      %add3A_125 = arith.constant 0 : i32
      %add3A_126 = arith.addi %mul3A_108, %add3A_125 : i32
      %dma_start3A_127 = arith.constant 0 : i32
      %dma_start3A_128 = arith.constant 0 : i32
      %dma_start3A_129 = arith.constant 0 : i32
      %dma_start3A_130 = tpu.memref_slice %arg9[%dma_start3A_127, %dma_start3A_128, %dma_start3A_129] : memref<4x128x64xf32, #tpu.memory_space<vmem>> -> memref<1x128x64xf32, #tpu.memory_space<vmem>>
      %dma_start3A_131 = tpu.memref_squeeze %dma_start3A_130 : memref<1x128x64xf32, #tpu.memory_space<vmem>> -> memref<128x64xf32, #tpu.memory_space<vmem>>
      %dma_start3A_132 = arith.constant 0 : i32
      %dma_start3A_133 = tpu.memref_slice %arg8[%add3A_126, %dma_start3A_132] : memref<160x128xi32, #tpu.memory_space<vmem>> -> memref<1x128xi32, #tpu.memory_space<vmem>>
      %dma_start3A_134 = tpu.memref_squeeze %dma_start3A_133 : memref<1x128xi32, #tpu.memory_space<vmem>> -> memref<128xi32, #tpu.memory_space<vmem>>
      %dma_start3A_135 = arith.constant 0 : i32
      %dma_start3A_136 = arith.constant 0 : i32
      %dma_start3A_137 = tpu.memref_slice %arg11[%dma_start3A_135, %dma_start3A_136] : memref<10008x64xf32, #tpu.memory_space<vmem_shared>> -> memref<10008x64xf32, #tpu.memory_space<vmem_shared>>
      tpu.enqueue_indirect_dma source(%dma_start3A_131 : memref<128x64xf32, #tpu.memory_space<vmem>>) target(%dma_start3A_137 : memref<10008x64xf32, #tpu.memory_space<vmem_shared>>) offsets(%dma_start3A_134 : memref<128xi32, #tpu.memory_space<vmem>>) semaphore(%arg13 : memref<!tpu.dma_semaphore, #tpu.memory_space<semaphore_mem>>) {add = true}
      %add3A_138 = arith.constant 1 : i32
      %add3A_139 = arith.addi %mul3A_108, %add3A_138 : i32
      %dma_wait3A_140 = arith.constant 1 : i32
      %dma_wait3A_141 = arith.constant 0 : i32
      %dma_wait3A_142 = arith.constant 0 : i32
      %dma_wait3A_143 = tpu.memref_slice %arg9[%dma_wait3A_140, %dma_wait3A_141, %dma_wait3A_142] : memref<4x128x64xf32, #tpu.memory_space<vmem>> -> memref<1x128x64xf32, #tpu.memory_space<vmem>>
      %dma_wait3A_144 = tpu.memref_squeeze %dma_wait3A_143 : memref<1x128x64xf32, #tpu.memory_space<vmem>> -> memref<128x64xf32, #tpu.memory_space<vmem>>
      %dma_wait3A_145 = arith.constant 0 : i32
      %dma_wait3A_146 = tpu.memref_slice %arg7[%add3A_139, %dma_wait3A_145] : memref<160x128xi32, #tpu.memory_space<vmem>> -> memref<1x128xi32, #tpu.memory_space<vmem>>
      %dma_wait3A_147 = tpu.memref_squeeze %dma_wait3A_146 : memref<1x128xi32, #tpu.memory_space<vmem>> -> memref<128xi32, #tpu.memory_space<vmem>>
      %dma_wait3A_148 = arith.constant 0 : i32
      %dma_wait3A_149 = arith.constant 0 : i32
      %dma_wait3A_150 = tpu.memref_slice %arg2[%arg0, %dma_wait3A_148, %dma_wait3A_149] : memref<2x10008x64xf32, #tpu.memory_space<hbm>> -> memref<1x10008x64xf32, #tpu.memory_space<hbm>>
      %dma_wait3A_151 = tpu.memref_squeeze %dma_wait3A_150 : memref<1x10008x64xf32, #tpu.memory_space<hbm>> -> memref<10008x64xf32, #tpu.memory_space<hbm>>
      %dma_wait3A_152 = arith.constant 0 : i32
      %dma_wait3A_153 = arith.constant 0 : i32
      %dma_wait3A_154 = tpu.memref_slice %dma_wait3A_151[%dma_wait3A_152, %dma_wait3A_153] : memref<10008x64xf32, #tpu.memory_space<hbm>> -> memref<10008x64xf32, #tpu.memory_space<hbm>>
      tpu.wait_indirect_dma semaphore(%arg12 : memref<!tpu.dma_semaphore, #tpu.memory_space<semaphore_mem>>) src(%dma_wait3A_154 : memref<10008x64xf32, #tpu.memory_space<hbm>>) dst(%dma_wait3A_144 : memref<128x64xf32, #tpu.memory_space<vmem>>)
      %add3A_155 = arith.constant 1 : i32
      %add3A_156 = arith.addi %mul3A_108, %add3A_155 : i32
      %dma_start3A_157 = arith.constant 1 : i32
      %dma_start3A_158 = arith.constant 0 : i32
      %dma_start3A_159 = arith.constant 0 : i32
      %dma_start3A_160 = tpu.memref_slice %arg9[%dma_start3A_157, %dma_start3A_158, %dma_start3A_159] : memref<4x128x64xf32, #tpu.memory_space<vmem>> -> memref<1x128x64xf32, #tpu.memory_space<vmem>>
      %dma_start3A_161 = tpu.memref_squeeze %dma_start3A_160 : memref<1x128x64xf32, #tpu.memory_space<vmem>> -> memref<128x64xf32, #tpu.memory_space<vmem>>
      %dma_start3A_162 = arith.constant 0 : i32
      %dma_start3A_163 = tpu.memref_slice %arg8[%add3A_156, %dma_start3A_162] : memref<160x128xi32, #tpu.memory_space<vmem>> -> memref<1x128xi32, #tpu.memory_space<vmem>>
      %dma_start3A_164 = tpu.memref_squeeze %dma_start3A_163 : memref<1x128xi32, #tpu.memory_space<vmem>> -> memref<128xi32, #tpu.memory_space<vmem>>
      %dma_start3A_165 = arith.constant 0 : i32
      %dma_start3A_166 = arith.constant 0 : i32
      %dma_start3A_167 = tpu.memref_slice %arg11[%dma_start3A_165, %dma_start3A_166] : memref<10008x64xf32, #tpu.memory_space<vmem_shared>> -> memref<10008x64xf32, #tpu.memory_space<vmem_shared>>
      tpu.enqueue_indirect_dma source(%dma_start3A_161 : memref<128x64xf32, #tpu.memory_space<vmem>>) target(%dma_start3A_167 : memref<10008x64xf32, #tpu.memory_space<vmem_shared>>) offsets(%dma_start3A_164 : memref<128xi32, #tpu.memory_space<vmem>>) semaphore(%arg13 : memref<!tpu.dma_semaphore, #tpu.memory_space<semaphore_mem>>) {add = true}
      %add3A_168 = arith.constant 2 : i32
      %add3A_169 = arith.addi %mul3A_108, %add3A_168 : i32
      %dma_wait3A_170 = arith.constant 2 : i32
      %dma_wait3A_171 = arith.constant 0 : i32
      %dma_wait3A_172 = arith.constant 0 : i32
      %dma_wait3A_173 = tpu.memref_slice %arg9[%dma_wait3A_170, %dma_wait3A_171, %dma_wait3A_172] : memref<4x128x64xf32, #tpu.memory_space<vmem>> -> memref<1x128x64xf32, #tpu.memory_space<vmem>>
      %dma_wait3A_174 = tpu.memref_squeeze %dma_wait3A_173 : memref<1x128x64xf32, #tpu.memory_space<vmem>> -> memref<128x64xf32, #tpu.memory_space<vmem>>
      %dma_wait3A_175 = arith.constant 0 : i32
      %dma_wait3A_176 = tpu.memref_slice %arg7[%add3A_169, %dma_wait3A_175] : memref<160x128xi32, #tpu.memory_space<vmem>> -> memref<1x128xi32, #tpu.memory_space<vmem>>
      %dma_wait3A_177 = tpu.memref_squeeze %dma_wait3A_176 : memref<1x128xi32, #tpu.memory_space<vmem>> -> memref<128xi32, #tpu.memory_space<vmem>>
      %dma_wait3A_178 = arith.constant 0 : i32
      %dma_wait3A_179 = arith.constant 0 : i32
      %dma_wait3A_180 = tpu.memref_slice %arg2[%arg0, %dma_wait3A_178, %dma_wait3A_179] : memref<2x10008x64xf32, #tpu.memory_space<hbm>> -> memref<1x10008x64xf32, #tpu.memory_space<hbm>>
      %dma_wait3A_181 = tpu.memref_squeeze %dma_wait3A_180 : memref<1x10008x64xf32, #tpu.memory_space<hbm>> -> memref<10008x64xf32, #tpu.memory_space<hbm>>
      %dma_wait3A_182 = arith.constant 0 : i32
      %dma_wait3A_183 = arith.constant 0 : i32
      %dma_wait3A_184 = tpu.memref_slice %dma_wait3A_181[%dma_wait3A_182, %dma_wait3A_183] : memref<10008x64xf32, #tpu.memory_space<hbm>> -> memref<10008x64xf32, #tpu.memory_space<hbm>>
      tpu.wait_indirect_dma semaphore(%arg12 : memref<!tpu.dma_semaphore, #tpu.memory_space<semaphore_mem>>) src(%dma_wait3A_184 : memref<10008x64xf32, #tpu.memory_space<hbm>>) dst(%dma_wait3A_174 : memref<128x64xf32, #tpu.memory_space<vmem>>)
      %add3A_185 = arith.constant 2 : i32
      %add3A_186 = arith.addi %mul3A_108, %add3A_185 : i32
      %dma_start3A_187 = arith.constant 2 : i32
      %dma_start3A_188 = arith.constant 0 : i32
      %dma_start3A_189 = arith.constant 0 : i32
      %dma_start3A_190 = tpu.memref_slice %arg9[%dma_start3A_187, %dma_start3A_188, %dma_start3A_189] : memref<4x128x64xf32, #tpu.memory_space<vmem>> -> memref<1x128x64xf32, #tpu.memory_space<vmem>>
      %dma_start3A_191 = tpu.memref_squeeze %dma_start3A_190 : memref<1x128x64xf32, #tpu.memory_space<vmem>> -> memref<128x64xf32, #tpu.memory_space<vmem>>
      %dma_start3A_192 = arith.constant 0 : i32
      %dma_start3A_193 = tpu.memref_slice %arg8[%add3A_186, %dma_start3A_192] : memref<160x128xi32, #tpu.memory_space<vmem>> -> memref<1x128xi32, #tpu.memory_space<vmem>>
      %dma_start3A_194 = tpu.memref_squeeze %dma_start3A_193 : memref<1x128xi32, #tpu.memory_space<vmem>> -> memref<128xi32, #tpu.memory_space<vmem>>
      %dma_start3A_195 = arith.constant 0 : i32
      %dma_start3A_196 = arith.constant 0 : i32
      %dma_start3A_197 = tpu.memref_slice %arg11[%dma_start3A_195, %dma_start3A_196] : memref<10008x64xf32, #tpu.memory_space<vmem_shared>> -> memref<10008x64xf32, #tpu.memory_space<vmem_shared>>
      tpu.enqueue_indirect_dma source(%dma_start3A_191 : memref<128x64xf32, #tpu.memory_space<vmem>>) target(%dma_start3A_197 : memref<10008x64xf32, #tpu.memory_space<vmem_shared>>) offsets(%dma_start3A_194 : memref<128xi32, #tpu.memory_space<vmem>>) semaphore(%arg13 : memref<!tpu.dma_semaphore, #tpu.memory_space<semaphore_mem>>) {add = true}
      %add3A_198 = arith.constant 3 : i32
      %add3A_199 = arith.addi %mul3A_108, %add3A_198 : i32
      %dma_wait3A_200 = arith.constant 3 : i32
      %dma_wait3A_201 = arith.constant 0 : i32
      %dma_wait3A_202 = arith.constant 0 : i32
      %dma_wait3A_203 = tpu.memref_slice %arg9[%dma_wait3A_200, %dma_wait3A_201, %dma_wait3A_202] : memref<4x128x64xf32, #tpu.memory_space<vmem>> -> memref<1x128x64xf32, #tpu.memory_space<vmem>>
      %dma_wait3A_204 = tpu.memref_squeeze %dma_wait3A_203 : memref<1x128x64xf32, #tpu.memory_space<vmem>> -> memref<128x64xf32, #tpu.memory_space<vmem>>
      %dma_wait3A_205 = arith.constant 0 : i32
      %dma_wait3A_206 = tpu.memref_slice %arg7[%add3A_199, %dma_wait3A_205] : memref<160x128xi32, #tpu.memory_space<vmem>> -> memref<1x128xi32, #tpu.memory_space<vmem>>
      %dma_wait3A_207 = tpu.memref_squeeze %dma_wait3A_206 : memref<1x128xi32, #tpu.memory_space<vmem>> -> memref<128xi32, #tpu.memory_space<vmem>>
      %dma_wait3A_208 = arith.constant 0 : i32
      %dma_wait3A_209 = arith.constant 0 : i32
      %dma_wait3A_210 = tpu.memref_slice %arg2[%arg0, %dma_wait3A_208, %dma_wait3A_209] : memref<2x10008x64xf32, #tpu.memory_space<hbm>> -> memref<1x10008x64xf32, #tpu.memory_space<hbm>>
      %dma_wait3A_211 = tpu.memref_squeeze %dma_wait3A_210 : memref<1x10008x64xf32, #tpu.memory_space<hbm>> -> memref<10008x64xf32, #tpu.memory_space<hbm>>
      %dma_wait3A_212 = arith.constant 0 : i32
      %dma_wait3A_213 = arith.constant 0 : i32
      %dma_wait3A_214 = tpu.memref_slice %dma_wait3A_211[%dma_wait3A_212, %dma_wait3A_213] : memref<10008x64xf32, #tpu.memory_space<hbm>> -> memref<10008x64xf32, #tpu.memory_space<hbm>>
      tpu.wait_indirect_dma semaphore(%arg12 : memref<!tpu.dma_semaphore, #tpu.memory_space<semaphore_mem>>) src(%dma_wait3A_214 : memref<10008x64xf32, #tpu.memory_space<hbm>>) dst(%dma_wait3A_204 : memref<128x64xf32, #tpu.memory_space<vmem>>)
      %add3A_215 = arith.constant 3 : i32
      %add3A_216 = arith.addi %mul3A_108, %add3A_215 : i32
      %dma_start3A_217 = arith.constant 3 : i32
      %dma_start3A_218 = arith.constant 0 : i32
      %dma_start3A_219 = arith.constant 0 : i32
      %dma_start3A_220 = tpu.memref_slice %arg9[%dma_start3A_217, %dma_start3A_218, %dma_start3A_219] : memref<4x128x64xf32, #tpu.memory_space<vmem>> -> memref<1x128x64xf32, #tpu.memory_space<vmem>>
      %dma_start3A_221 = tpu.memref_squeeze %dma_start3A_220 : memref<1x128x64xf32, #tpu.memory_space<vmem>> -> memref<128x64xf32, #tpu.memory_space<vmem>>
      %dma_start3A_222 = arith.constant 0 : i32
      %dma_start3A_223 = tpu.memref_slice %arg8[%add3A_216, %dma_start3A_222] : memref<160x128xi32, #tpu.memory_space<vmem>> -> memref<1x128xi32, #tpu.memory_space<vmem>>
      %dma_start3A_224 = tpu.memref_squeeze %dma_start3A_223 : memref<1x128xi32, #tpu.memory_space<vmem>> -> memref<128xi32, #tpu.memory_space<vmem>>
      %dma_start3A_225 = arith.constant 0 : i32
      %dma_start3A_226 = arith.constant 0 : i32
      %dma_start3A_227 = tpu.memref_slice %arg11[%dma_start3A_225, %dma_start3A_226] : memref<10008x64xf32, #tpu.memory_space<vmem_shared>> -> memref<10008x64xf32, #tpu.memory_space<vmem_shared>>
      tpu.enqueue_indirect_dma source(%dma_start3A_221 : memref<128x64xf32, #tpu.memory_space<vmem>>) target(%dma_start3A_227 : memref<10008x64xf32, #tpu.memory_space<vmem_shared>>) offsets(%dma_start3A_224 : memref<128xi32, #tpu.memory_space<vmem>>) semaphore(%arg13 : memref<!tpu.dma_semaphore, #tpu.memory_space<semaphore_mem>>) {add = true}
      %dma_wait3A_228 = arith.constant 0 : i32
      %dma_wait3A_229 = arith.constant 0 : i32
      %dma_wait3A_230 = arith.constant 0 : i32
      %dma_wait3A_231 = tpu.memref_slice %arg9[%dma_wait3A_228, %dma_wait3A_229, %dma_wait3A_230] : memref<4x128x64xf32, #tpu.memory_space<vmem>> -> memref<1x128x64xf32, #tpu.memory_space<vmem>>
      %dma_wait3A_232 = tpu.memref_squeeze %dma_wait3A_231 : memref<1x128x64xf32, #tpu.memory_space<vmem>> -> memref<128x64xf32, #tpu.memory_space<vmem>>
      %dma_wait3A_233 = arith.constant 0 : i32
      %dma_wait3A_234 = tpu.memref_slice %arg8[%add3A_126, %dma_wait3A_233] : memref<160x128xi32, #tpu.memory_space<vmem>> -> memref<1x128xi32, #tpu.memory_space<vmem>>
      %dma_wait3A_235 = tpu.memref_squeeze %dma_wait3A_234 : memref<1x128xi32, #tpu.memory_space<vmem>> -> memref<128xi32, #tpu.memory_space<vmem>>
      %dma_wait3A_236 = arith.constant 0 : i32
      %dma_wait3A_237 = arith.constant 0 : i32
      %dma_wait3A_238 = tpu.memref_slice %arg11[%dma_wait3A_236, %dma_wait3A_237] : memref<10008x64xf32, #tpu.memory_space<vmem_shared>> -> memref<10008x64xf32, #tpu.memory_space<vmem_shared>>
      tpu.wait_indirect_dma semaphore(%arg13 : memref<!tpu.dma_semaphore, #tpu.memory_space<semaphore_mem>>) src(%dma_wait3A_232 : memref<128x64xf32, #tpu.memory_space<vmem>>) dst(%dma_wait3A_238 : memref<10008x64xf32, #tpu.memory_space<vmem_shared>>)
      %lt3A_239 = arith.constant 39 : i32
      %lt3A_240 = arith.cmpi slt, %scan3A_107, %lt3A_239 : i32
      %convert_element_type3A_241 = arith.extui %lt3A_240 : i1 to i32
      %cond3A_242 = arith.constant 0 : i32
      %cond3A_243 = arith.cmpi ne, %convert_element_type3A_241, %cond3A_242 : i32
      scf.if %cond3A_243 {
        %add3A_292 = arith.constant 4 : i32
        %add3A_293 = arith.addi %mul3A_108, %add3A_292 : i32
        %add3A_294 = arith.constant 0 : i32
        %add3A_295 = arith.addi %add3A_293, %add3A_294 : i32
        %dma_start3A_296 = arith.constant 0 : i32
        %dma_start3A_297 = arith.constant 0 : i32
        %dma_start3A_298 = arith.constant 0 : i32
        %dma_start3A_299 = tpu.memref_slice %arg9[%dma_start3A_296, %dma_start3A_297, %dma_start3A_298] : memref<4x128x64xf32, #tpu.memory_space<vmem>> -> memref<1x128x64xf32, #tpu.memory_space<vmem>>
        %dma_start3A_300 = tpu.memref_squeeze %dma_start3A_299 : memref<1x128x64xf32, #tpu.memory_space<vmem>> -> memref<128x64xf32, #tpu.memory_space<vmem>>
        %dma_start3A_301 = arith.constant 0 : i32
        %dma_start3A_302 = tpu.memref_slice %arg7[%add3A_295, %dma_start3A_301] : memref<160x128xi32, #tpu.memory_space<vmem>> -> memref<1x128xi32, #tpu.memory_space<vmem>>
        %dma_start3A_303 = tpu.memref_squeeze %dma_start3A_302 : memref<1x128xi32, #tpu.memory_space<vmem>> -> memref<128xi32, #tpu.memory_space<vmem>>
        %dma_start3A_304 = arith.constant 0 : i32
        %dma_start3A_305 = arith.constant 0 : i32
        %dma_start3A_306 = tpu.memref_slice %arg2[%arg0, %dma_start3A_304, %dma_start3A_305] : memref<2x10008x64xf32, #tpu.memory_space<hbm>> -> memref<1x10008x64xf32, #tpu.memory_space<hbm>>
        %dma_start3A_307 = tpu.memref_squeeze %dma_start3A_306 : memref<1x10008x64xf32, #tpu.memory_space<hbm>> -> memref<10008x64xf32, #tpu.memory_space<hbm>>
        %dma_start3A_308 = arith.constant 0 : i32
        %dma_start3A_309 = arith.constant 0 : i32
        %dma_start3A_310 = tpu.memref_slice %dma_start3A_307[%dma_start3A_308, %dma_start3A_309] : memref<10008x64xf32, #tpu.memory_space<hbm>> -> memref<10008x64xf32, #tpu.memory_space<hbm>>
        tpu.enqueue_indirect_dma source(%dma_start3A_310 : memref<10008x64xf32, #tpu.memory_space<hbm>>) target(%dma_start3A_300 : memref<128x64xf32, #tpu.memory_space<vmem>>) offsets(%dma_start3A_303 : memref<128xi32, #tpu.memory_space<vmem>>) semaphore(%arg12 : memref<!tpu.dma_semaphore, #tpu.memory_space<semaphore_mem>>)
      } else {
      }
      %dma_wait3A_244 = arith.constant 1 : i32
      %dma_wait3A_245 = arith.constant 0 : i32
      %dma_wait3A_246 = arith.constant 0 : i32
      %dma_wait3A_247 = tpu.memref_slice %arg9[%dma_wait3A_244, %dma_wait3A_245, %dma_wait3A_246] : memref<4x128x64xf32, #tpu.memory_space<vmem>> -> memref<1x128x64xf32, #tpu.memory_space<vmem>>
      %dma_wait3A_248 = tpu.memref_squeeze %dma_wait3A_247 : memref<1x128x64xf32, #tpu.memory_space<vmem>> -> memref<128x64xf32, #tpu.memory_space<vmem>>
      %dma_wait3A_249 = arith.constant 0 : i32
      %dma_wait3A_250 = tpu.memref_slice %arg8[%add3A_156, %dma_wait3A_249] : memref<160x128xi32, #tpu.memory_space<vmem>> -> memref<1x128xi32, #tpu.memory_space<vmem>>
      %dma_wait3A_251 = tpu.memref_squeeze %dma_wait3A_250 : memref<1x128xi32, #tpu.memory_space<vmem>> -> memref<128xi32, #tpu.memory_space<vmem>>
      %dma_wait3A_252 = arith.constant 0 : i32
      %dma_wait3A_253 = arith.constant 0 : i32
      %dma_wait3A_254 = tpu.memref_slice %arg11[%dma_wait3A_252, %dma_wait3A_253] : memref<10008x64xf32, #tpu.memory_space<vmem_shared>> -> memref<10008x64xf32, #tpu.memory_space<vmem_shared>>
      tpu.wait_indirect_dma semaphore(%arg13 : memref<!tpu.dma_semaphore, #tpu.memory_space<semaphore_mem>>) src(%dma_wait3A_248 : memref<128x64xf32, #tpu.memory_space<vmem>>) dst(%dma_wait3A_254 : memref<10008x64xf32, #tpu.memory_space<vmem_shared>>)
      %lt3A_255 = arith.constant 39 : i32
      %lt3A_256 = arith.cmpi slt, %scan3A_107, %lt3A_255 : i32
      %convert_element_type3A_257 = arith.extui %lt3A_256 : i1 to i32
      %cond3A_258 = arith.constant 0 : i32
      %cond3A_259 = arith.cmpi ne, %convert_element_type3A_257, %cond3A_258 : i32
      scf.if %cond3A_259 {
        %add3A_292 = arith.constant 4 : i32
        %add3A_293 = arith.addi %mul3A_108, %add3A_292 : i32
        %add3A_294 = arith.constant 1 : i32
        %add3A_295 = arith.addi %add3A_293, %add3A_294 : i32
        %dma_start3A_296 = arith.constant 1 : i32
        %dma_start3A_297 = arith.constant 0 : i32
        %dma_start3A_298 = arith.constant 0 : i32
        %dma_start3A_299 = tpu.memref_slice %arg9[%dma_start3A_296, %dma_start3A_297, %dma_start3A_298] : memref<4x128x64xf32, #tpu.memory_space<vmem>> -> memref<1x128x64xf32, #tpu.memory_space<vmem>>
        %dma_start3A_300 = tpu.memref_squeeze %dma_start3A_299 : memref<1x128x64xf32, #tpu.memory_space<vmem>> -> memref<128x64xf32, #tpu.memory_space<vmem>>
        %dma_start3A_301 = arith.constant 0 : i32
        %dma_start3A_302 = tpu.memref_slice %arg7[%add3A_295, %dma_start3A_301] : memref<160x128xi32, #tpu.memory_space<vmem>> -> memref<1x128xi32, #tpu.memory_space<vmem>>
        %dma_start3A_303 = tpu.memref_squeeze %dma_start3A_302 : memref<1x128xi32, #tpu.memory_space<vmem>> -> memref<128xi32, #tpu.memory_space<vmem>>
        %dma_start3A_304 = arith.constant 0 : i32
        %dma_start3A_305 = arith.constant 0 : i32
        %dma_start3A_306 = tpu.memref_slice %arg2[%arg0, %dma_start3A_304, %dma_start3A_305] : memref<2x10008x64xf32, #tpu.memory_space<hbm>> -> memref<1x10008x64xf32, #tpu.memory_space<hbm>>
        %dma_start3A_307 = tpu.memref_squeeze %dma_start3A_306 : memref<1x10008x64xf32, #tpu.memory_space<hbm>> -> memref<10008x64xf32, #tpu.memory_space<hbm>>
        %dma_start3A_308 = arith.constant 0 : i32
        %dma_start3A_309 = arith.constant 0 : i32
        %dma_start3A_310 = tpu.memref_slice %dma_start3A_307[%dma_start3A_308, %dma_start3A_309] : memref<10008x64xf32, #tpu.memory_space<hbm>> -> memref<10008x64xf32, #tpu.memory_space<hbm>>
        tpu.enqueue_indirect_dma source(%dma_start3A_310 : memref<10008x64xf32, #tpu.memory_space<hbm>>) target(%dma_start3A_300 : memref<128x64xf32, #tpu.memory_space<vmem>>) offsets(%dma_start3A_303 : memref<128xi32, #tpu.memory_space<vmem>>) semaphore(%arg12 : memref<!tpu.dma_semaphore, #tpu.memory_space<semaphore_mem>>)
      } else {
      }
      %dma_wait3A_260 = arith.constant 2 : i32
      %dma_wait3A_261 = arith.constant 0 : i32
      %dma_wait3A_262 = arith.constant 0 : i32
      %dma_wait3A_263 = tpu.memref_slice %arg9[%dma_wait3A_260, %dma_wait3A_261, %dma_wait3A_262] : memref<4x128x64xf32, #tpu.memory_space<vmem>> -> memref<1x128x64xf32, #tpu.memory_space<vmem>>
      %dma_wait3A_264 = tpu.memref_squeeze %dma_wait3A_263 : memref<1x128x64xf32, #tpu.memory_space<vmem>> -> memref<128x64xf32, #tpu.memory_space<vmem>>
      %dma_wait3A_265 = arith.constant 0 : i32
      %dma_wait3A_266 = tpu.memref_slice %arg8[%add3A_186, %dma_wait3A_265] : memref<160x128xi32, #tpu.memory_space<vmem>> -> memref<1x128xi32, #tpu.memory_space<vmem>>
      %dma_wait3A_267 = tpu.memref_squeeze %dma_wait3A_266 : memref<1x128xi32, #tpu.memory_space<vmem>> -> memref<128xi32, #tpu.memory_space<vmem>>
      %dma_wait3A_268 = arith.constant 0 : i32
      %dma_wait3A_269 = arith.constant 0 : i32
      %dma_wait3A_270 = tpu.memref_slice %arg11[%dma_wait3A_268, %dma_wait3A_269] : memref<10008x64xf32, #tpu.memory_space<vmem_shared>> -> memref<10008x64xf32, #tpu.memory_space<vmem_shared>>
      tpu.wait_indirect_dma semaphore(%arg13 : memref<!tpu.dma_semaphore, #tpu.memory_space<semaphore_mem>>) src(%dma_wait3A_264 : memref<128x64xf32, #tpu.memory_space<vmem>>) dst(%dma_wait3A_270 : memref<10008x64xf32, #tpu.memory_space<vmem_shared>>)
      %lt3A_271 = arith.constant 39 : i32
      %lt3A_272 = arith.cmpi slt, %scan3A_107, %lt3A_271 : i32
      %convert_element_type3A_273 = arith.extui %lt3A_272 : i1 to i32
      %cond3A_274 = arith.constant 0 : i32
      %cond3A_275 = arith.cmpi ne, %convert_element_type3A_273, %cond3A_274 : i32
      scf.if %cond3A_275 {
        %add3A_292 = arith.constant 4 : i32
        %add3A_293 = arith.addi %mul3A_108, %add3A_292 : i32
        %add3A_294 = arith.constant 2 : i32
        %add3A_295 = arith.addi %add3A_293, %add3A_294 : i32
        %dma_start3A_296 = arith.constant 2 : i32
        %dma_start3A_297 = arith.constant 0 : i32
        %dma_start3A_298 = arith.constant 0 : i32
        %dma_start3A_299 = tpu.memref_slice %arg9[%dma_start3A_296, %dma_start3A_297, %dma_start3A_298] : memref<4x128x64xf32, #tpu.memory_space<vmem>> -> memref<1x128x64xf32, #tpu.memory_space<vmem>>
        %dma_start3A_300 = tpu.memref_squeeze %dma_start3A_299 : memref<1x128x64xf32, #tpu.memory_space<vmem>> -> memref<128x64xf32, #tpu.memory_space<vmem>>
        %dma_start3A_301 = arith.constant 0 : i32
        %dma_start3A_302 = tpu.memref_slice %arg7[%add3A_295, %dma_start3A_301] : memref<160x128xi32, #tpu.memory_space<vmem>> -> memref<1x128xi32, #tpu.memory_space<vmem>>
        %dma_start3A_303 = tpu.memref_squeeze %dma_start3A_302 : memref<1x128xi32, #tpu.memory_space<vmem>> -> memref<128xi32, #tpu.memory_space<vmem>>
        %dma_start3A_304 = arith.constant 0 : i32
        %dma_start3A_305 = arith.constant 0 : i32
        %dma_start3A_306 = tpu.memref_slice %arg2[%arg0, %dma_start3A_304, %dma_start3A_305] : memref<2x10008x64xf32, #tpu.memory_space<hbm>> -> memref<1x10008x64xf32, #tpu.memory_space<hbm>>
        %dma_start3A_307 = tpu.memref_squeeze %dma_start3A_306 : memref<1x10008x64xf32, #tpu.memory_space<hbm>> -> memref<10008x64xf32, #tpu.memory_space<hbm>>
        %dma_start3A_308 = arith.constant 0 : i32
        %dma_start3A_309 = arith.constant 0 : i32
        %dma_start3A_310 = tpu.memref_slice %dma_start3A_307[%dma_start3A_308, %dma_start3A_309] : memref<10008x64xf32, #tpu.memory_space<hbm>> -> memref<10008x64xf32, #tpu.memory_space<hbm>>
        tpu.enqueue_indirect_dma source(%dma_start3A_310 : memref<10008x64xf32, #tpu.memory_space<hbm>>) target(%dma_start3A_300 : memref<128x64xf32, #tpu.memory_space<vmem>>) offsets(%dma_start3A_303 : memref<128xi32, #tpu.memory_space<vmem>>) semaphore(%arg12 : memref<!tpu.dma_semaphore, #tpu.memory_space<semaphore_mem>>)
      } else {
      }
      %dma_wait3A_276 = arith.constant 3 : i32
      %dma_wait3A_277 = arith.constant 0 : i32
      %dma_wait3A_278 = arith.constant 0 : i32
      %dma_wait3A_279 = tpu.memref_slice %arg9[%dma_wait3A_276, %dma_wait3A_277, %dma_wait3A_278] : memref<4x128x64xf32, #tpu.memory_space<vmem>> -> memref<1x128x64xf32, #tpu.memory_space<vmem>>
      %dma_wait3A_280 = tpu.memref_squeeze %dma_wait3A_279 : memref<1x128x64xf32, #tpu.memory_space<vmem>> -> memref<128x64xf32, #tpu.memory_space<vmem>>
      %dma_wait3A_281 = arith.constant 0 : i32
      %dma_wait3A_282 = tpu.memref_slice %arg8[%add3A_216, %dma_wait3A_281] : memref<160x128xi32, #tpu.memory_space<vmem>> -> memref<1x128xi32, #tpu.memory_space<vmem>>
      %dma_wait3A_283 = tpu.memref_squeeze %dma_wait3A_282 : memref<1x128xi32, #tpu.memory_space<vmem>> -> memref<128xi32, #tpu.memory_space<vmem>>
      %dma_wait3A_284 = arith.constant 0 : i32
      %dma_wait3A_285 = arith.constant 0 : i32
      %dma_wait3A_286 = tpu.memref_slice %arg11[%dma_wait3A_284, %dma_wait3A_285] : memref<10008x64xf32, #tpu.memory_space<vmem_shared>> -> memref<10008x64xf32, #tpu.memory_space<vmem_shared>>
      tpu.wait_indirect_dma semaphore(%arg13 : memref<!tpu.dma_semaphore, #tpu.memory_space<semaphore_mem>>) src(%dma_wait3A_280 : memref<128x64xf32, #tpu.memory_space<vmem>>) dst(%dma_wait3A_286 : memref<10008x64xf32, #tpu.memory_space<vmem_shared>>)
      %lt3A_287 = arith.constant 39 : i32
      %lt3A_288 = arith.cmpi slt, %scan3A_107, %lt3A_287 : i32
      %convert_element_type3A_289 = arith.extui %lt3A_288 : i1 to i32
      %cond3A_290 = arith.constant 0 : i32
      %cond3A_291 = arith.cmpi ne, %convert_element_type3A_289, %cond3A_290 : i32
      scf.if %cond3A_291 {
        %add3A_292 = arith.constant 4 : i32
        %add3A_293 = arith.addi %mul3A_108, %add3A_292 : i32
        %add3A_294 = arith.constant 3 : i32
        %add3A_295 = arith.addi %add3A_293, %add3A_294 : i32
        %dma_start3A_296 = arith.constant 3 : i32
        %dma_start3A_297 = arith.constant 0 : i32
        %dma_start3A_298 = arith.constant 0 : i32
        %dma_start3A_299 = tpu.memref_slice %arg9[%dma_start3A_296, %dma_start3A_297, %dma_start3A_298] : memref<4x128x64xf32, #tpu.memory_space<vmem>> -> memref<1x128x64xf32, #tpu.memory_space<vmem>>
        %dma_start3A_300 = tpu.memref_squeeze %dma_start3A_299 : memref<1x128x64xf32, #tpu.memory_space<vmem>> -> memref<128x64xf32, #tpu.memory_space<vmem>>
        %dma_start3A_301 = arith.constant 0 : i32
        %dma_start3A_302 = tpu.memref_slice %arg7[%add3A_295, %dma_start3A_301] : memref<160x128xi32, #tpu.memory_space<vmem>> -> memref<1x128xi32, #tpu.memory_space<vmem>>
        %dma_start3A_303 = tpu.memref_squeeze %dma_start3A_302 : memref<1x128xi32, #tpu.memory_space<vmem>> -> memref<128xi32, #tpu.memory_space<vmem>>
        %dma_start3A_304 = arith.constant 0 : i32
        %dma_start3A_305 = arith.constant 0 : i32
        %dma_start3A_306 = tpu.memref_slice %arg2[%arg0, %dma_start3A_304, %dma_start3A_305] : memref<2x10008x64xf32, #tpu.memory_space<hbm>> -> memref<1x10008x64xf32, #tpu.memory_space<hbm>>
        %dma_start3A_307 = tpu.memref_squeeze %dma_start3A_306 : memref<1x10008x64xf32, #tpu.memory_space<hbm>> -> memref<10008x64xf32, #tpu.memory_space<hbm>>
        %dma_start3A_308 = arith.constant 0 : i32
        %dma_start3A_309 = arith.constant 0 : i32
        %dma_start3A_310 = tpu.memref_slice %dma_start3A_307[%dma_start3A_308, %dma_start3A_309] : memref<10008x64xf32, #tpu.memory_space<hbm>> -> memref<10008x64xf32, #tpu.memory_space<hbm>>
        tpu.enqueue_indirect_dma source(%dma_start3A_310 : memref<10008x64xf32, #tpu.memory_space<hbm>>) target(%dma_start3A_300 : memref<128x64xf32, #tpu.memory_space<vmem>>) offsets(%dma_start3A_303 : memref<128xi32, #tpu.memory_space<vmem>>) semaphore(%arg12 : memref<!tpu.dma_semaphore, #tpu.memory_space<semaphore_mem>>)
      } else {
      }
    }
    %scan3A_100 = arith.constant 40 : i32
    %barrier3A_101 = arith.constant 0 : index
    tpu.barrier barrier_id(%barrier3A_101)
    %lt3A_102 = arith.constant 10 : i32
    %lt3A_103 = arith.cmpi slt, %arg1, %lt3A_102 : i32
    %convert_element_type3A_104 = arith.extui %lt3A_103 : i1 to i32
    %cond3A_105 = arith.constant 0 : i32
    %cond3A_106 = arith.cmpi ne, %convert_element_type3A_104, %cond3A_105 : i32
    scf.if %cond3A_106 {
      %mul3A = arith.constant 1000 : i32
      %mul3A_107 = arith.muli %arg1, %mul3A : i32
      %add3A = arith.constant 0 : i32
      %add3A_108 = arith.addi %mul3A_107, %add3A : i32
      %multiple_of3A = tpu.assume_multiple %add3A_108, 8 : i32
      "tpu.region"() ({
        %run_scoped3A = tpu.sem_alloc : memref<!tpu.dma_semaphore, #tpu.memory_space<semaphore_mem>>
        %dma_start3A_129 = arith.constant 0 : i32
        %dma_start3A_130 = tpu.memref_slice %arg11[%multiple_of3A, %dma_start3A_129] : memref<10008x64xf32, #tpu.memory_space<vmem_shared>> -> memref<200x64xf32, #tpu.memory_space<vmem_shared>>
        %dma_start3A_131 = arith.constant 0 : i32
        %dma_start3A_132 = tpu.memref_slice %arg11[%multiple_of3A, %dma_start3A_131] : memref<10008x64xf32, #tpu.memory_space<vmem_shared>> -> memref<200x64xf32, #tpu.memory_space<vmem_shared>>
        tpu.enqueue_dma source(%dma_start3A_132 : memref<200x64xf32, #tpu.memory_space<vmem_shared>>) target(%arg10 : memref<200x64xf32, #tpu.memory_space<vmem>>) target_semaphore(%run_scoped3A : memref<!tpu.dma_semaphore, #tpu.memory_space<semaphore_mem>>)
        %dma_wait3A_133 = arith.constant 0 : i32
        %dma_wait3A_134 = tpu.memref_slice %arg11[%multiple_of3A, %dma_wait3A_133] : memref<10008x64xf32, #tpu.memory_space<vmem_shared>> -> memref<200x64xf32, #tpu.memory_space<vmem_shared>>
        %dma_wait3A_135 = arith.constant 0 : i32
        %dma_wait3A_136 = tpu.memref_slice %arg11[%multiple_of3A, %dma_wait3A_135] : memref<10008x64xf32, #tpu.memory_space<vmem_shared>> -> memref<200x64xf32, #tpu.memory_space<vmem_shared>>
        tpu.wait_dma2 semaphore(%run_scoped3A : memref<!tpu.dma_semaphore, #tpu.memory_space<semaphore_mem>>) src(%dma_wait3A_136 : memref<200x64xf32, #tpu.memory_space<vmem_shared>>) dst(%arg10 : memref<200x64xf32, #tpu.memory_space<vmem>>)
        tpu.yield
      }) : () -> ()
      "tpu.region"() ({
        %run_scoped3A = tpu.sem_alloc : memref<!tpu.dma_semaphore, #tpu.memory_space<semaphore_mem>>
        %dma_start3A_129 = arith.constant 0 : i32
        %dma_start3A_130 = tpu.memref_slice %arg6[%arg0, %multiple_of3A, %dma_start3A_129] : memref<2x10000x64xf32, #tpu.memory_space<hbm>> -> memref<1x200x64xf32, #tpu.memory_space<hbm>>
        %dma_start3A_131 = tpu.memref_squeeze %dma_start3A_130 : memref<1x200x64xf32, #tpu.memory_space<hbm>> -> memref<200x64xf32, #tpu.memory_space<hbm>>
        %dma_start3A_132 = arith.constant 0 : i32
        %dma_start3A_133 = tpu.memref_slice %arg6[%arg0, %multiple_of3A, %dma_start3A_132] : memref<2x10000x64xf32, #tpu.memory_space<hbm>> -> memref<1x200x64xf32, #tpu.memory_space<hbm>>
        %dma_start3A_134 = tpu.memref_squeeze %dma_start3A_133 : memref<1x200x64xf32, #tpu.memory_space<hbm>> -> memref<200x64xf32, #tpu.memory_space<hbm>>
        tpu.enqueue_dma source(%arg10 : memref<200x64xf32, #tpu.memory_space<vmem>>) target(%dma_start3A_134 : memref<200x64xf32, #tpu.memory_space<hbm>>) target_semaphore(%run_scoped3A : memref<!tpu.dma_semaphore, #tpu.memory_space<semaphore_mem>>)
        %dma_wait3A_135 = arith.constant 0 : i32
        %dma_wait3A_136 = tpu.memref_slice %arg6[%arg0, %multiple_of3A, %dma_wait3A_135] : memref<2x10000x64xf32, #tpu.memory_space<hbm>> -> memref<1x200x64xf32, #tpu.memory_space<hbm>>
        %dma_wait3A_137 = tpu.memref_squeeze %dma_wait3A_136 : memref<1x200x64xf32, #tpu.memory_space<hbm>> -> memref<200x64xf32, #tpu.memory_space<hbm>>
        %dma_wait3A_138 = arith.constant 0 : i32
        %dma_wait3A_139 = tpu.memref_slice %arg6[%arg0, %multiple_of3A, %dma_wait3A_138] : memref<2x10000x64xf32, #tpu.memory_space<hbm>> -> memref<1x200x64xf32, #tpu.memory_space<hbm>>
        %dma_wait3A_140 = tpu.memref_squeeze %dma_wait3A_139 : memref<1x200x64xf32, #tpu.memory_space<hbm>> -> memref<200x64xf32, #tpu.memory_space<hbm>>
        tpu.wait_dma2 semaphore(%run_scoped3A : memref<!tpu.dma_semaphore, #tpu.memory_space<semaphore_mem>>) src(%arg10 : memref<200x64xf32, #tpu.memory_space<vmem>>) dst(%dma_wait3A_140 : memref<200x64xf32, #tpu.memory_space<hbm>>)
        tpu.yield
      }) : () -> ()
      %mul3A_109 = arith.constant 1000 : i32
      %mul3A_110 = arith.muli %arg1, %mul3A_109 : i32
      %add3A_111 = arith.constant 200 : i32
      %add3A_112 = arith.addi %mul3A_110, %add3A_111 : i32
      %multiple_of3A_113 = tpu.assume_multiple %add3A_112, 8 : i32
      "tpu.region"() ({
        %run_scoped3A = tpu.sem_alloc : memref<!tpu.dma_semaphore, #tpu.memory_space<semaphore_mem>>
        %dma_start3A_129 = arith.constant 0 : i32
        %dma_start3A_130 = tpu.memref_slice %arg11[%multiple_of3A_113, %dma_start3A_129] : memref<10008x64xf32, #tpu.memory_space<vmem_shared>> -> memref<200x64xf32, #tpu.memory_space<vmem_shared>>
        %dma_start3A_131 = arith.constant 0 : i32
        %dma_start3A_132 = tpu.memref_slice %arg11[%multiple_of3A_113, %dma_start3A_131] : memref<10008x64xf32, #tpu.memory_space<vmem_shared>> -> memref<200x64xf32, #tpu.memory_space<vmem_shared>>
        tpu.enqueue_dma source(%dma_start3A_132 : memref<200x64xf32, #tpu.memory_space<vmem_shared>>) target(%arg10 : memref<200x64xf32, #tpu.memory_space<vmem>>) target_semaphore(%run_scoped3A : memref<!tpu.dma_semaphore, #tpu.memory_space<semaphore_mem>>)
        %dma_wait3A_133 = arith.constant 0 : i32
        %dma_wait3A_134 = tpu.memref_slice %arg11[%multiple_of3A_113, %dma_wait3A_133] : memref<10008x64xf32, #tpu.memory_space<vmem_shared>> -> memref<200x64xf32, #tpu.memory_space<vmem_shared>>
        %dma_wait3A_135 = arith.constant 0 : i32
        %dma_wait3A_136 = tpu.memref_slice %arg11[%multiple_of3A_113, %dma_wait3A_135] : memref<10008x64xf32, #tpu.memory_space<vmem_shared>> -> memref<200x64xf32, #tpu.memory_space<vmem_shared>>
        tpu.wait_dma2 semaphore(%run_scoped3A : memref<!tpu.dma_semaphore, #tpu.memory_space<semaphore_mem>>) src(%dma_wait3A_136 : memref<200x64xf32, #tpu.memory_space<vmem_shared>>) dst(%arg10 : memref<200x64xf32, #tpu.memory_space<vmem>>)
        tpu.yield
      }) : () -> ()
      "tpu.region"() ({
        %run_scoped3A = tpu.sem_alloc : memref<!tpu.dma_semaphore, #tpu.memory_space<semaphore_mem>>
        %dma_start3A_129 = arith.constant 0 : i32
        %dma_start3A_130 = tpu.memref_slice %arg6[%arg0, %multiple_of3A_113, %dma_start3A_129] : memref<2x10000x64xf32, #tpu.memory_space<hbm>> -> memref<1x200x64xf32, #tpu.memory_space<hbm>>
        %dma_start3A_131 = tpu.memref_squeeze %dma_start3A_130 : memref<1x200x64xf32, #tpu.memory_space<hbm>> -> memref<200x64xf32, #tpu.memory_space<hbm>>
        %dma_start3A_132 = arith.constant 0 : i32
        %dma_start3A_133 = tpu.memref_slice %arg6[%arg0, %multiple_of3A_113, %dma_start3A_132] : memref<2x10000x64xf32, #tpu.memory_space<hbm>> -> memref<1x200x64xf32, #tpu.memory_space<hbm>>
        %dma_start3A_134 = tpu.memref_squeeze %dma_start3A_133 : memref<1x200x64xf32, #tpu.memory_space<hbm>> -> memref<200x64xf32, #tpu.memory_space<hbm>>
        tpu.enqueue_dma source(%arg10 : memref<200x64xf32, #tpu.memory_space<vmem>>) target(%dma_start3A_134 : memref<200x64xf32, #tpu.memory_space<hbm>>) target_semaphore(%run_scoped3A : memref<!tpu.dma_semaphore, #tpu.memory_space<semaphore_mem>>)
        %dma_wait3A_135 = arith.constant 0 : i32
        %dma_wait3A_136 = tpu.memref_slice %arg6[%arg0, %multiple_of3A_113, %dma_wait3A_135] : memref<2x10000x64xf32, #tpu.memory_space<hbm>> -> memref<1x200x64xf32, #tpu.memory_space<hbm>>
        %dma_wait3A_137 = tpu.memref_squeeze %dma_wait3A_136 : memref<1x200x64xf32, #tpu.memory_space<hbm>> -> memref<200x64xf32, #tpu.memory_space<hbm>>
        %dma_wait3A_138 = arith.constant 0 : i32
        %dma_wait3A_139 = tpu.memref_slice %arg6[%arg0, %multiple_of3A_113, %dma_wait3A_138] : memref<2x10000x64xf32, #tpu.memory_space<hbm>> -> memref<1x200x64xf32, #tpu.memory_space<hbm>>
        %dma_wait3A_140 = tpu.memref_squeeze %dma_wait3A_139 : memref<1x200x64xf32, #tpu.memory_space<hbm>> -> memref<200x64xf32, #tpu.memory_space<hbm>>
        tpu.wait_dma2 semaphore(%run_scoped3A : memref<!tpu.dma_semaphore, #tpu.memory_space<semaphore_mem>>) src(%arg10 : memref<200x64xf32, #tpu.memory_space<vmem>>) dst(%dma_wait3A_140 : memref<200x64xf32, #tpu.memory_space<hbm>>)
        tpu.yield
      }) : () -> ()
      %mul3A_114 = arith.constant 1000 : i32
      %mul3A_115 = arith.muli %arg1, %mul3A_114 : i32
      %add3A_116 = arith.constant 400 : i32
      %add3A_117 = arith.addi %mul3A_115, %add3A_116 : i32
      %multiple_of3A_118 = tpu.assume_multiple %add3A_117, 8 : i32
      "tpu.region"() ({
        %run_scoped3A = tpu.sem_alloc : memref<!tpu.dma_semaphore, #tpu.memory_space<semaphore_mem>>
        %dma_start3A_129 = arith.constant 0 : i32
        %dma_start3A_130 = tpu.memref_slice %arg11[%multiple_of3A_118, %dma_start3A_129] : memref<10008x64xf32, #tpu.memory_space<vmem_shared>> -> memref<200x64xf32, #tpu.memory_space<vmem_shared>>
        %dma_start3A_131 = arith.constant 0 : i32
        %dma_start3A_132 = tpu.memref_slice %arg11[%multiple_of3A_118, %dma_start3A_131] : memref<10008x64xf32, #tpu.memory_space<vmem_shared>> -> memref<200x64xf32, #tpu.memory_space<vmem_shared>>
        tpu.enqueue_dma source(%dma_start3A_132 : memref<200x64xf32, #tpu.memory_space<vmem_shared>>) target(%arg10 : memref<200x64xf32, #tpu.memory_space<vmem>>) target_semaphore(%run_scoped3A : memref<!tpu.dma_semaphore, #tpu.memory_space<semaphore_mem>>)
        %dma_wait3A_133 = arith.constant 0 : i32
        %dma_wait3A_134 = tpu.memref_slice %arg11[%multiple_of3A_118, %dma_wait3A_133] : memref<10008x64xf32, #tpu.memory_space<vmem_shared>> -> memref<200x64xf32, #tpu.memory_space<vmem_shared>>
        %dma_wait3A_135 = arith.constant 0 : i32
        %dma_wait3A_136 = tpu.memref_slice %arg11[%multiple_of3A_118, %dma_wait3A_135] : memref<10008x64xf32, #tpu.memory_space<vmem_shared>> -> memref<200x64xf32, #tpu.memory_space<vmem_shared>>
        tpu.wait_dma2 semaphore(%run_scoped3A : memref<!tpu.dma_semaphore, #tpu.memory_space<semaphore_mem>>) src(%dma_wait3A_136 : memref<200x64xf32, #tpu.memory_space<vmem_shared>>) dst(%arg10 : memref<200x64xf32, #tpu.memory_space<vmem>>)
        tpu.yield
      }) : () -> ()
      "tpu.region"() ({
        %run_scoped3A = tpu.sem_alloc : memref<!tpu.dma_semaphore, #tpu.memory_space<semaphore_mem>>
        %dma_start3A_129 = arith.constant 0 : i32
        %dma_start3A_130 = tpu.memref_slice %arg6[%arg0, %multiple_of3A_118, %dma_start3A_129] : memref<2x10000x64xf32, #tpu.memory_space<hbm>> -> memref<1x200x64xf32, #tpu.memory_space<hbm>>
        %dma_start3A_131 = tpu.memref_squeeze %dma_start3A_130 : memref<1x200x64xf32, #tpu.memory_space<hbm>> -> memref<200x64xf32, #tpu.memory_space<hbm>>
        %dma_start3A_132 = arith.constant 0 : i32
        %dma_start3A_133 = tpu.memref_slice %arg6[%arg0, %multiple_of3A_118, %dma_start3A_132] : memref<2x10000x64xf32, #tpu.memory_space<hbm>> -> memref<1x200x64xf32, #tpu.memory_space<hbm>>
        %dma_start3A_134 = tpu.memref_squeeze %dma_start3A_133 : memref<1x200x64xf32, #tpu.memory_space<hbm>> -> memref<200x64xf32, #tpu.memory_space<hbm>>
        tpu.enqueue_dma source(%arg10 : memref<200x64xf32, #tpu.memory_space<vmem>>) target(%dma_start3A_134 : memref<200x64xf32, #tpu.memory_space<hbm>>) target_semaphore(%run_scoped3A : memref<!tpu.dma_semaphore, #tpu.memory_space<semaphore_mem>>)
        %dma_wait3A_135 = arith.constant 0 : i32
        %dma_wait3A_136 = tpu.memref_slice %arg6[%arg0, %multiple_of3A_118, %dma_wait3A_135] : memref<2x10000x64xf32, #tpu.memory_space<hbm>> -> memref<1x200x64xf32, #tpu.memory_space<hbm>>
        %dma_wait3A_137 = tpu.memref_squeeze %dma_wait3A_136 : memref<1x200x64xf32, #tpu.memory_space<hbm>> -> memref<200x64xf32, #tpu.memory_space<hbm>>
        %dma_wait3A_138 = arith.constant 0 : i32
        %dma_wait3A_139 = tpu.memref_slice %arg6[%arg0, %multiple_of3A_118, %dma_wait3A_138] : memref<2x10000x64xf32, #tpu.memory_space<hbm>> -> memref<1x200x64xf32, #tpu.memory_space<hbm>>
        %dma_wait3A_140 = tpu.memref_squeeze %dma_wait3A_139 : memref<1x200x64xf32, #tpu.memory_space<hbm>> -> memref<200x64xf32, #tpu.memory_space<hbm>>
        tpu.wait_dma2 semaphore(%run_scoped3A : memref<!tpu.dma_semaphore, #tpu.memory_space<semaphore_mem>>) src(%arg10 : memref<200x64xf32, #tpu.memory_space<vmem>>) dst(%dma_wait3A_140 : memref<200x64xf32, #tpu.memory_space<hbm>>)
        tpu.yield
      }) : () -> ()
      %mul3A_119 = arith.constant 1000 : i32
      %mul3A_120 = arith.muli %arg1, %mul3A_119 : i32
      %add3A_121 = arith.constant 600 : i32
      %add3A_122 = arith.addi %mul3A_120, %add3A_121 : i32
      %multiple_of3A_123 = tpu.assume_multiple %add3A_122, 8 : i32
      "tpu.region"() ({
        %run_scoped3A = tpu.sem_alloc : memref<!tpu.dma_semaphore, #tpu.memory_space<semaphore_mem>>
        %dma_start3A_129 = arith.constant 0 : i32
        %dma_start3A_130 = tpu.memref_slice %arg11[%multiple_of3A_123, %dma_start3A_129] : memref<10008x64xf32, #tpu.memory_space<vmem_shared>> -> memref<200x64xf32, #tpu.memory_space<vmem_shared>>
        %dma_start3A_131 = arith.constant 0 : i32
        %dma_start3A_132 = tpu.memref_slice %arg11[%multiple_of3A_123, %dma_start3A_131] : memref<10008x64xf32, #tpu.memory_space<vmem_shared>> -> memref<200x64xf32, #tpu.memory_space<vmem_shared>>
        tpu.enqueue_dma source(%dma_start3A_132 : memref<200x64xf32, #tpu.memory_space<vmem_shared>>) target(%arg10 : memref<200x64xf32, #tpu.memory_space<vmem>>) target_semaphore(%run_scoped3A : memref<!tpu.dma_semaphore, #tpu.memory_space<semaphore_mem>>)
        %dma_wait3A_133 = arith.constant 0 : i32
        %dma_wait3A_134 = tpu.memref_slice %arg11[%multiple_of3A_123, %dma_wait3A_133] : memref<10008x64xf32, #tpu.memory_space<vmem_shared>> -> memref<200x64xf32, #tpu.memory_space<vmem_shared>>
        %dma_wait3A_135 = arith.constant 0 : i32
        %dma_wait3A_136 = tpu.memref_slice %arg11[%multiple_of3A_123, %dma_wait3A_135] : memref<10008x64xf32, #tpu.memory_space<vmem_shared>> -> memref<200x64xf32, #tpu.memory_space<vmem_shared>>
        tpu.wait_dma2 semaphore(%run_scoped3A : memref<!tpu.dma_semaphore, #tpu.memory_space<semaphore_mem>>) src(%dma_wait3A_136 : memref<200x64xf32, #tpu.memory_space<vmem_shared>>) dst(%arg10 : memref<200x64xf32, #tpu.memory_space<vmem>>)
        tpu.yield
      }) : () -> ()
      "tpu.region"() ({
        %run_scoped3A = tpu.sem_alloc : memref<!tpu.dma_semaphore, #tpu.memory_space<semaphore_mem>>
        %dma_start3A_129 = arith.constant 0 : i32
        %dma_start3A_130 = tpu.memref_slice %arg6[%arg0, %multiple_of3A_123, %dma_start3A_129] : memref<2x10000x64xf32, #tpu.memory_space<hbm>> -> memref<1x200x64xf32, #tpu.memory_space<hbm>>
        %dma_start3A_131 = tpu.memref_squeeze %dma_start3A_130 : memref<1x200x64xf32, #tpu.memory_space<hbm>> -> memref<200x64xf32, #tpu.memory_space<hbm>>
        %dma_start3A_132 = arith.constant 0 : i32
        %dma_start3A_133 = tpu.memref_slice %arg6[%arg0, %multiple_of3A_123, %dma_start3A_132] : memref<2x10000x64xf32, #tpu.memory_space<hbm>> -> memref<1x200x64xf32, #tpu.memory_space<hbm>>
        %dma_start3A_134 = tpu.memref_squeeze %dma_start3A_133 : memref<1x200x64xf32, #tpu.memory_space<hbm>> -> memref<200x64xf32, #tpu.memory_space<hbm>>
        tpu.enqueue_dma source(%arg10 : memref<200x64xf32, #tpu.memory_space<vmem>>) target(%dma_start3A_134 : memref<200x64xf32, #tpu.memory_space<hbm>>) target_semaphore(%run_scoped3A : memref<!tpu.dma_semaphore, #tpu.memory_space<semaphore_mem>>)
        %dma_wait3A_135 = arith.constant 0 : i32
        %dma_wait3A_136 = tpu.memref_slice %arg6[%arg0, %multiple_of3A_123, %dma_wait3A_135] : memref<2x10000x64xf32, #tpu.memory_space<hbm>> -> memref<1x200x64xf32, #tpu.memory_space<hbm>>
        %dma_wait3A_137 = tpu.memref_squeeze %dma_wait3A_136 : memref<1x200x64xf32, #tpu.memory_space<hbm>> -> memref<200x64xf32, #tpu.memory_space<hbm>>
        %dma_wait3A_138 = arith.constant 0 : i32
        %dma_wait3A_139 = tpu.memref_slice %arg6[%arg0, %multiple_of3A_123, %dma_wait3A_138] : memref<2x10000x64xf32, #tpu.memory_space<hbm>> -> memref<1x200x64xf32, #tpu.memory_space<hbm>>
        %dma_wait3A_140 = tpu.memref_squeeze %dma_wait3A_139 : memref<1x200x64xf32, #tpu.memory_space<hbm>> -> memref<200x64xf32, #tpu.memory_space<hbm>>
        tpu.wait_dma2 semaphore(%run_scoped3A : memref<!tpu.dma_semaphore, #tpu.memory_space<semaphore_mem>>) src(%arg10 : memref<200x64xf32, #tpu.memory_space<vmem>>) dst(%dma_wait3A_140 : memref<200x64xf32, #tpu.memory_space<hbm>>)
        tpu.yield
      }) : () -> ()
      %mul3A_124 = arith.constant 1000 : i32
      %mul3A_125 = arith.muli %arg1, %mul3A_124 : i32
      %add3A_126 = arith.constant 800 : i32
      %add3A_127 = arith.addi %mul3A_125, %add3A_126 : i32
      %multiple_of3A_128 = tpu.assume_multiple %add3A_127, 8 : i32
      "tpu.region"() ({
        %run_scoped3A = tpu.sem_alloc : memref<!tpu.dma_semaphore, #tpu.memory_space<semaphore_mem>>
        %dma_start3A_129 = arith.constant 0 : i32
        %dma_start3A_130 = tpu.memref_slice %arg11[%multiple_of3A_128, %dma_start3A_129] : memref<10008x64xf32, #tpu.memory_space<vmem_shared>> -> memref<200x64xf32, #tpu.memory_space<vmem_shared>>
        %dma_start3A_131 = arith.constant 0 : i32
        %dma_start3A_132 = tpu.memref_slice %arg11[%multiple_of3A_128, %dma_start3A_131] : memref<10008x64xf32, #tpu.memory_space<vmem_shared>> -> memref<200x64xf32, #tpu.memory_space<vmem_shared>>
        tpu.enqueue_dma source(%dma_start3A_132 : memref<200x64xf32, #tpu.memory_space<vmem_shared>>) target(%arg10 : memref<200x64xf32, #tpu.memory_space<vmem>>) target_semaphore(%run_scoped3A : memref<!tpu.dma_semaphore, #tpu.memory_space<semaphore_mem>>)
        %dma_wait3A_133 = arith.constant 0 : i32
        %dma_wait3A_134 = tpu.memref_slice %arg11[%multiple_of3A_128, %dma_wait3A_133] : memref<10008x64xf32, #tpu.memory_space<vmem_shared>> -> memref<200x64xf32, #tpu.memory_space<vmem_shared>>
        %dma_wait3A_135 = arith.constant 0 : i32
        %dma_wait3A_136 = tpu.memref_slice %arg11[%multiple_of3A_128, %dma_wait3A_135] : memref<10008x64xf32, #tpu.memory_space<vmem_shared>> -> memref<200x64xf32, #tpu.memory_space<vmem_shared>>
        tpu.wait_dma2 semaphore(%run_scoped3A : memref<!tpu.dma_semaphore, #tpu.memory_space<semaphore_mem>>) src(%dma_wait3A_136 : memref<200x64xf32, #tpu.memory_space<vmem_shared>>) dst(%arg10 : memref<200x64xf32, #tpu.memory_space<vmem>>)
        tpu.yield
      }) : () -> ()
      "tpu.region"() ({
        %run_scoped3A = tpu.sem_alloc : memref<!tpu.dma_semaphore, #tpu.memory_space<semaphore_mem>>
        %dma_start3A_129 = arith.constant 0 : i32
        %dma_start3A_130 = tpu.memref_slice %arg6[%arg0, %multiple_of3A_128, %dma_start3A_129] : memref<2x10000x64xf32, #tpu.memory_space<hbm>> -> memref<1x200x64xf32, #tpu.memory_space<hbm>>
        %dma_start3A_131 = tpu.memref_squeeze %dma_start3A_130 : memref<1x200x64xf32, #tpu.memory_space<hbm>> -> memref<200x64xf32, #tpu.memory_space<hbm>>
        %dma_start3A_132 = arith.constant 0 : i32
        %dma_start3A_133 = tpu.memref_slice %arg6[%arg0, %multiple_of3A_128, %dma_start3A_132] : memref<2x10000x64xf32, #tpu.memory_space<hbm>> -> memref<1x200x64xf32, #tpu.memory_space<hbm>>
        %dma_start3A_134 = tpu.memref_squeeze %dma_start3A_133 : memref<1x200x64xf32, #tpu.memory_space<hbm>> -> memref<200x64xf32, #tpu.memory_space<hbm>>
        tpu.enqueue_dma source(%arg10 : memref<200x64xf32, #tpu.memory_space<vmem>>) target(%dma_start3A_134 : memref<200x64xf32, #tpu.memory_space<hbm>>) target_semaphore(%run_scoped3A : memref<!tpu.dma_semaphore, #tpu.memory_space<semaphore_mem>>)
        %dma_wait3A_135 = arith.constant 0 : i32
        %dma_wait3A_136 = tpu.memref_slice %arg6[%arg0, %multiple_of3A_128, %dma_wait3A_135] : memref<2x10000x64xf32, #tpu.memory_space<hbm>> -> memref<1x200x64xf32, #tpu.memory_space<hbm>>
        %dma_wait3A_137 = tpu.memref_squeeze %dma_wait3A_136 : memref<1x200x64xf32, #tpu.memory_space<hbm>> -> memref<200x64xf32, #tpu.memory_space<hbm>>
        %dma_wait3A_138 = arith.constant 0 : i32
        %dma_wait3A_139 = tpu.memref_slice %arg6[%arg0, %multiple_of3A_128, %dma_wait3A_138] : memref<2x10000x64xf32, #tpu.memory_space<hbm>> -> memref<1x200x64xf32, #tpu.memory_space<hbm>>
        %dma_wait3A_140 = tpu.memref_squeeze %dma_wait3A_139 : memref<1x200x64xf32, #tpu.memory_space<hbm>> -> memref<200x64xf32, #tpu.memory_space<hbm>>
        tpu.wait_dma2 semaphore(%run_scoped3A : memref<!tpu.dma_semaphore, #tpu.memory_space<semaphore_mem>>) src(%arg10 : memref<200x64xf32, #tpu.memory_space<vmem>>) dst(%dma_wait3A_140 : memref<200x64xf32, #tpu.memory_space<hbm>>)
        tpu.yield
      }) : () -> ()
    } else {
    }
    return
  }
}

module attributes {stable_mosaic.version = 14 : i64} {
  func.func @_tc_in_body(%arg0: memref<10000x128xf32, #tpu.memory_space<vmem>>, %arg1: memref<128x128xf32, #tpu.memory_space<vmem>>, %arg2: memref<10000x1xf32, #tpu.memory_space<vmem>>, %arg3: memref<2x10008x64xf32, #tpu.memory_space<vmem>>) attributes {dimension_semantics = [], scalar_prefetch = 0 : i64, scratch_operands = 0 : i64, tpu.core_type = #tpu.core_type<tc>} {
    %get3A = arith.constant 0 : index
    %get3A_0 = arith.constant 0 : index
    %get3A_1 = vector.load %arg2[%get3A, %get3A_0] : memref<10000x1xf32, #tpu.memory_space<vmem>>, vector<10000x1xf32>
    %max3A = arith.constant 1.000000e+00 : f32
    %max3A_2 = vector.broadcast %max3A : f32 to vector<10000x1xf32>
    %max3A_3 = arith.maximumf %get3A_1, %max3A_2 : vector<10000x1xf32>
    %rsqrt3A = math.rsqrt %max3A_3 : vector<10000x1xf32>
    %get3A_4 = arith.constant 0 : index
    %get3A_5 = arith.constant 0 : index
    %get3A_6 = vector.load %arg0[%get3A_4, %get3A_5] : memref<10000x128xf32, #tpu.memory_space<vmem>>, vector<10000x128xf32>
    %get3A_7 = arith.constant 0 : index
    %get3A_8 = arith.constant 0 : index
    %get3A_9 = vector.load %arg1[%get3A_7, %get3A_8] : memref<128x128xf32, #tpu.memory_space<vmem>>, vector<128x128xf32>
    %dot_general3A = arith.constant dense<0.000000e+00> : vector<10000x128xf32>
    %dot_general3A_10 = tpu.matmul %get3A_6, %get3A_9, %dot_general3A {dimension_numbers = #tpu.dot_dimension_numbers<[1], [0], [0], [1], [0, 0, 1, 1], [], []>, transpose_lhs_hint = false} : vector<10000x128xf32>, vector<128x128xf32>, vector<10000x128xf32> -> vector<10000x128xf32>
    %mul3A = vector.broadcast %rsqrt3A : vector<10000x1xf32> to vector<10000x128xf32>
    %mul3A_11 = arith.mulf %dot_general3A_10, %mul3A : vector<10000x128xf32>
    %slice3A = vector.extract_strided_slice %mul3A_11 {offsets = [0, 0], sizes = [10000, 64], strides = [1, 1]} : vector<10000x128xf32> to vector<10000x64xf32>
    %swap3A = arith.constant 0 : index
    %swap3A_12 = arith.constant 0 : index
    %swap3A_13 = arith.constant 0 : index
    %swap3A_14 = vector.load %arg3[%swap3A, %swap3A_12, %swap3A_13] : memref<2x10008x64xf32, #tpu.memory_space<vmem>>, vector<1x10000x64xf32>
    %swap3A_15 = vector.shape_cast %swap3A_14 : vector<1x10000x64xf32> to vector<10000x64xf32>
    %swap3A_16 = vector.shape_cast %slice3A : vector<10000x64xf32> to vector<1x10000x64xf32>
    tpu.vector_store %arg3[%swap3A, %swap3A_12, %swap3A_13], %swap3A_16 {strides = array<i32>} : memref<2x10008x64xf32, #tpu.memory_space<vmem>>, vector<1x10000x64xf32>,
    %slice3A_17 = vector.extract_strided_slice %mul3A_11 {offsets = [0, 64], sizes = [10000, 64], strides = [1, 1]} : vector<10000x128xf32> to vector<10000x64xf32>
    %swap3A_18 = arith.constant 1 : index
    %swap3A_19 = arith.constant 0 : index
    %swap3A_20 = arith.constant 0 : index
    %swap3A_21 = vector.load %arg3[%swap3A_18, %swap3A_19, %swap3A_20] : memref<2x10008x64xf32, #tpu.memory_space<vmem>>, vector<1x10000x64xf32>
    %swap3A_22 = vector.shape_cast %swap3A_21 : vector<1x10000x64xf32> to vector<10000x64xf32>
    %swap3A_23 = vector.shape_cast %slice3A_17 : vector<10000x64xf32> to vector<1x10000x64xf32>
    tpu.vector_store %arg3[%swap3A_18, %swap3A_19, %swap3A_20], %swap3A_23 {strides = array<i32>} : memref<2x10008x64xf32, #tpu.memory_space<vmem>>, vector<1x10000x64xf32>,
    %broadcast_in_dim3A = arith.constant 0.000000e+00 : f32
    %broadcast_in_dim3A_24 = vector.broadcast %broadcast_in_dim3A : f32 to vector<8x64xf32>
    %swap3A_25 = arith.constant 0 : index
    %swap3A_26 = arith.constant 10000 : index
    %swap3A_27 = arith.constant 0 : index
    %swap3A_28 = vector.load %arg3[%swap3A_25, %swap3A_26, %swap3A_27] : memref<2x10008x64xf32, #tpu.memory_space<vmem>>, vector<1x8x64xf32>
    %swap3A_29 = vector.shape_cast %swap3A_28 : vector<1x8x64xf32> to vector<8x64xf32>
    %swap3A_30 = vector.shape_cast %broadcast_in_dim3A_24 : vector<8x64xf32> to vector<1x8x64xf32>
    tpu.vector_store %arg3[%swap3A_25, %swap3A_26, %swap3A_27], %swap3A_30 {strides = array<i32>} : memref<2x10008x64xf32, #tpu.memory_space<vmem>>, vector<1x8x64xf32>,
    %swap3A_31 = arith.constant 1 : index
    %swap3A_32 = arith.constant 10000 : index
    %swap3A_33 = arith.constant 0 : index
    %swap3A_34 = vector.load %arg3[%swap3A_31, %swap3A_32, %swap3A_33] : memref<2x10008x64xf32, #tpu.memory_space<vmem>>, vector<1x8x64xf32>
    %swap3A_35 = vector.shape_cast %swap3A_34 : vector<1x8x64xf32> to vector<8x64xf32>
    %swap3A_36 = vector.shape_cast %broadcast_in_dim3A_24 : vector<8x64xf32> to vector<1x8x64xf32>
    tpu.vector_store %arg3[%swap3A_31, %swap3A_32, %swap3A_33], %swap3A_36 {strides = array<i32>} : memref<2x10008x64xf32, #tpu.memory_space<vmem>>, vector<1x8x64xf32>,
    return
  }
}

module attributes {stable_mosaic.version = 14 : i64} {
  func.func @_tc_mid_body(%arg0: memref<2x10000x64xf32, #tpu.memory_space<vmem>>, %arg1: memref<10000x1xf32, #tpu.memory_space<vmem>>, %arg2: memref<10000x1xf32, #tpu.memory_space<vmem>>, %arg3: memref<1x128xf32, #tpu.memory_space<vmem>>, %arg4: memref<128x128xf32, #tpu.memory_space<vmem>>, %arg5: memref<2x10008x64xf32, #tpu.memory_space<vmem>>) attributes {dimension_semantics = [], scalar_prefetch = 0 : i64, scratch_operands = 0 : i64, tpu.core_type = #tpu.core_type<tc>} {
    %get3A = arith.constant 0 : index
    %get3A_0 = arith.constant 0 : index
    %get3A_1 = vector.load %arg1[%get3A, %get3A_0] : memref<10000x1xf32, #tpu.memory_space<vmem>>, vector<10000x1xf32>
    %max3A = arith.constant 1.000000e+00 : f32
    %max3A_2 = vector.broadcast %max3A : f32 to vector<10000x1xf32>
    %max3A_3 = arith.maximumf %get3A_1, %max3A_2 : vector<10000x1xf32>
    %rsqrt3A = math.rsqrt %max3A_3 : vector<10000x1xf32>
    %get3A_4 = arith.constant 0 : index
    %get3A_5 = arith.constant 0 : index
    %get3A_6 = vector.load %arg2[%get3A_4, %get3A_5] : memref<10000x1xf32, #tpu.memory_space<vmem>>, vector<10000x1xf32>
    %max3A_7 = arith.constant 1.000000e+00 : f32
    %max3A_8 = vector.broadcast %max3A_7 : f32 to vector<10000x1xf32>
    %max3A_9 = arith.maximumf %get3A_6, %max3A_8 : vector<10000x1xf32>
    %rsqrt3A_10 = math.rsqrt %max3A_9 : vector<10000x1xf32>
    %get3A_11 = arith.constant 0 : index
    %get3A_12 = arith.constant 0 : index
    %get3A_13 = arith.constant 0 : index
    %get3A_14 = vector.load %arg0[%get3A_11, %get3A_12, %get3A_13] : memref<2x10000x64xf32, #tpu.memory_space<vmem>>, vector<1x10000x64xf32>
    %get3A_15 = vector.shape_cast %get3A_14 : vector<1x10000x64xf32> to vector<10000x64xf32>
    %get3A_16 = arith.constant 1 : index
    %get3A_17 = arith.constant 0 : index
    %get3A_18 = arith.constant 0 : index
    %get3A_19 = vector.load %arg0[%get3A_16, %get3A_17, %get3A_18] : memref<2x10000x64xf32, #tpu.memory_space<vmem>>, vector<1x10000x64xf32>
    %get3A_20 = vector.shape_cast %get3A_19 : vector<1x10000x64xf32> to vector<10000x64xf32>
    %concatenate3A = tpu.concatenate %get3A_15, %get3A_20 in 1 : vector<10000x64xf32>, vector<10000x64xf32> -> vector<10000x128xf32>
    %mul3A = vector.broadcast %rsqrt3A_10 : vector<10000x1xf32> to vector<10000x128xf32>
    %mul3A_21 = arith.mulf %concatenate3A, %mul3A : vector<10000x128xf32>
    %get3A_22 = arith.constant 0 : index
    %get3A_23 = arith.constant 0 : index
    %get3A_24 = vector.load %arg3[%get3A_22, %get3A_23] : memref<1x128xf32, #tpu.memory_space<vmem>>, vector<1x128xf32>
    %add3A = vector.broadcast %get3A_24 : vector<1x128xf32> to vector<10000x128xf32>
    %add3A_25 = arith.addf %mul3A_21, %add3A : vector<10000x128xf32>
    %max3A_26 = arith.constant 0.000000e+00 : f32
    %max3A_27 = vector.broadcast %max3A_26 : f32 to vector<10000x128xf32>
    %max3A_28 = arith.maximumf %add3A_25, %max3A_27 : vector<10000x128xf32>
    %get3A_29 = arith.constant 0 : index
    %get3A_30 = arith.constant 0 : index
    %get3A_31 = vector.load %arg4[%get3A_29, %get3A_30] : memref<128x128xf32, #tpu.memory_space<vmem>>, vector<128x128xf32>
    %dot_general3A = arith.constant dense<0.000000e+00> : vector<10000x128xf32>
    %dot_general3A_32 = tpu.matmul %max3A_28, %get3A_31, %dot_general3A {dimension_numbers = #tpu.dot_dimension_numbers<[1], [0], [0], [1], [0, 0, 1, 1], [], []>, transpose_lhs_hint = false} : vector<10000x128xf32>, vector<128x128xf32>, vector<10000x128xf32> -> vector<10000x128xf32>
    %mul3A_33 = vector.broadcast %rsqrt3A : vector<10000x1xf32> to vector<10000x128xf32>
    %mul3A_34 = arith.mulf %dot_general3A_32, %mul3A_33 : vector<10000x128xf32>
    %slice3A = vector.extract_strided_slice %mul3A_34 {offsets = [0, 0], sizes = [10000, 64], strides = [1, 1]} : vector<10000x128xf32> to vector<10000x64xf32>
    %swap3A = arith.constant 0 : index
    %swap3A_35 = arith.constant 0 : index
    %swap3A_36 = arith.constant 0 : index
    %swap3A_37 = vector.load %arg5[%swap3A, %swap3A_35, %swap3A_36] : memref<2x10008x64xf32, #tpu.memory_space<vmem>>, vector<1x10000x64xf32>
    %swap3A_38 = vector.shape_cast %swap3A_37 : vector<1x10000x64xf32> to vector<10000x64xf32>
    %swap3A_39 = vector.shape_cast %slice3A : vector<10000x64xf32> to vector<1x10000x64xf32>
    tpu.vector_store %arg5[%swap3A, %swap3A_35, %swap3A_36], %swap3A_39 {strides = array<i32>} : memref<2x10008x64xf32, #tpu.memory_space<vmem>>, vector<1x10000x64xf32>,
    %slice3A_40 = vector.extract_strided_slice %mul3A_34 {offsets = [0, 64], sizes = [10000, 64], strides = [1, 1]} : vector<10000x128xf32> to vector<10000x64xf32>
    %swap3A_41 = arith.constant 1 : index
    %swap3A_42 = arith.constant 0 : index
    %swap3A_43 = arith.constant 0 : index
    %swap3A_44 = vector.load %arg5[%swap3A_41, %swap3A_42, %swap3A_43] : memref<2x10008x64xf32, #tpu.memory_space<vmem>>, vector<1x10000x64xf32>
    %swap3A_45 = vector.shape_cast %swap3A_44 : vector<1x10000x64xf32> to vector<10000x64xf32>
    %swap3A_46 = vector.shape_cast %slice3A_40 : vector<10000x64xf32> to vector<1x10000x64xf32>
    tpu.vector_store %arg5[%swap3A_41, %swap3A_42, %swap3A_43], %swap3A_46 {strides = array<i32>} : memref<2x10008x64xf32, #tpu.memory_space<vmem>>, vector<1x10000x64xf32>,
    %broadcast_in_dim3A = arith.constant 0.000000e+00 : f32
    %broadcast_in_dim3A_47 = vector.broadcast %broadcast_in_dim3A : f32 to vector<8x64xf32>
    %swap3A_48 = arith.constant 0 : index
    %swap3A_49 = arith.constant 10000 : index
    %swap3A_50 = arith.constant 0 : index
    %swap3A_51 = vector.load %arg5[%swap3A_48, %swap3A_49, %swap3A_50] : memref<2x10008x64xf32, #tpu.memory_space<vmem>>, vector<1x8x64xf32>
    %swap3A_52 = vector.shape_cast %swap3A_51 : vector<1x8x64xf32> to vector<8x64xf32>
    %swap3A_53 = vector.shape_cast %broadcast_in_dim3A_47 : vector<8x64xf32> to vector<1x8x64xf32>
    tpu.vector_store %arg5[%swap3A_48, %swap3A_49, %swap3A_50], %swap3A_53 {strides = array<i32>} : memref<2x10008x64xf32, #tpu.memory_space<vmem>>, vector<1x8x64xf32>,
    %swap3A_54 = arith.constant 1 : index
    %swap3A_55 = arith.constant 10000 : index
    %swap3A_56 = arith.constant 0 : index
    %swap3A_57 = vector.load %arg5[%swap3A_54, %swap3A_55, %swap3A_56] : memref<2x10008x64xf32, #tpu.memory_space<vmem>>, vector<1x8x64xf32>
    %swap3A_58 = vector.shape_cast %swap3A_57 : vector<1x8x64xf32> to vector<8x64xf32>
    %swap3A_59 = vector.shape_cast %broadcast_in_dim3A_47 : vector<8x64xf32> to vector<1x8x64xf32>
    tpu.vector_store %arg5[%swap3A_54, %swap3A_55, %swap3A_56], %swap3A_59 {strides = array<i32>} : memref<2x10008x64xf32, #tpu.memory_space<vmem>>, vector<1x8x64xf32>,
    return
  }
}

module attributes {stable_mosaic.version = 14 : i64} {
  func.func @_tc_out_body(%arg0: memref<2x10000x64xf32, #tpu.memory_space<vmem>>, %arg1: memref<10000x1xf32, #tpu.memory_space<vmem>>, %arg2: memref<1x128xf32, #tpu.memory_space<vmem>>, %arg3: memref<10000x128xf32, #tpu.memory_space<vmem>>) attributes {dimension_semantics = [], scalar_prefetch = 0 : i64, scratch_operands = 0 : i64, tpu.core_type = #tpu.core_type<tc>} {
    %get3A = arith.constant 0 : index
    %get3A_0 = arith.constant 0 : index
    %get3A_1 = vector.load %arg1[%get3A, %get3A_0] : memref<10000x1xf32, #tpu.memory_space<vmem>>, vector<10000x1xf32>
    %max3A = arith.constant 1.000000e+00 : f32
    %max3A_2 = vector.broadcast %max3A : f32 to vector<10000x1xf32>
    %max3A_3 = arith.maximumf %get3A_1, %max3A_2 : vector<10000x1xf32>
    %rsqrt3A = math.rsqrt %max3A_3 : vector<10000x1xf32>
    %get3A_4 = arith.constant 0 : index
    %get3A_5 = arith.constant 0 : index
    %get3A_6 = arith.constant 0 : index
    %get3A_7 = vector.load %arg0[%get3A_4, %get3A_5, %get3A_6] : memref<2x10000x64xf32, #tpu.memory_space<vmem>>, vector<1x10000x64xf32>
    %get3A_8 = vector.shape_cast %get3A_7 : vector<1x10000x64xf32> to vector<10000x64xf32>
    %get3A_9 = arith.constant 1 : index
    %get3A_10 = arith.constant 0 : index
    %get3A_11 = arith.constant 0 : index
    %get3A_12 = vector.load %arg0[%get3A_9, %get3A_10, %get3A_11] : memref<2x10000x64xf32, #tpu.memory_space<vmem>>, vector<1x10000x64xf32>
    %get3A_13 = vector.shape_cast %get3A_12 : vector<1x10000x64xf32> to vector<10000x64xf32>
    %concatenate3A = tpu.concatenate %get3A_8, %get3A_13 in 1 : vector<10000x64xf32>, vector<10000x64xf32> -> vector<10000x128xf32>
    %mul3A = vector.broadcast %rsqrt3A : vector<10000x1xf32> to vector<10000x128xf32>
    %mul3A_14 = arith.mulf %concatenate3A, %mul3A : vector<10000x128xf32>
    %get3A_15 = arith.constant 0 : index
    %get3A_16 = arith.constant 0 : index
    %get3A_17 = vector.load %arg2[%get3A_15, %get3A_16] : memref<1x128xf32, #tpu.memory_space<vmem>>, vector<1x128xf32>
    %add3A = vector.broadcast %get3A_17 : vector<1x128xf32> to vector<10000x128xf32>
    %add3A_18 = arith.addf %mul3A_14, %add3A : vector<10000x128xf32>
    %swap3A = arith.constant 0 : index
    %swap3A_19 = arith.constant 0 : index
    %swap3A_20 = vector.load %arg3[%swap3A, %swap3A_19] : memref<10000x128xf32, #tpu.memory_space<vmem>>, vector<10000x128xf32>
    tpu.vector_store %arg3[%swap3A, %swap3A_19], %add3A_18 {strides = array<i32>} : memref<10000x128xf32, #tpu.memory_space<vmem>>, vector<10000x128xf32>,
    return
  }
}

</mosaic_0001>

<sc_bundles>
// kernel: kernel.11.cloned.1.call-start
scs
__scs_entry_jumppad:
0x0: {  	(pc) =	sbr.rel $0x88, $3  }
0x1: {  	(tag) =	ssettag $0x0;
	lr =	simm.s32 $0x1  }
0x2: {  	[smem:$0x3F9B] =	sst lr;
	_ =	strace $0xD0000000  }
0x3: {  	_ = 	snop  }
0x4: {  	_ = 	snop  }
0x5: {  	_ = 	snop  }
0x6: {  	_ = 	snop  }
0x7: {  	_ = 	snop  }
__scs_overlays_trampoline_lowered:
0x8: {  	[smem:$0x3FAA] =	sst s0  }
0x9: {  	[smem:$0x3FAB] =	sst s1  }
0xa: {  	[smem:$0x3FAC] =	sst s2  }
0xb: {  	[smem:$0x3FAD] =	sst s3  }
0xc: {  	[smem:$0x3FAE] =	sst s4  }
0xd: {  	[smem:$0x3FAF] =	sst s5  }
0xe: {  	[smem:$0x3FB0] =	sst s6  }
0xf: {  	[smem:$0x3FB1] =	sst s7  }
0x10: {  	[smem:$0x3FB2] =	sst s8  }
0x11: {  	[smem:$0x3FB3] =	sst s9;
	s0 =	simm.s32 @!p0 $0x0  }
0x12: {  	s1 =	sld [smem:$0x3F99];
	s0 =	simm.s32 @p0 $0x1  }
0x13: {  	[smem:$0x3FB4] =	sst s0;
	s0 =	simm.s32 @!p1 $0x0  }
0x14: {  	s2 =	sld [smem:$0x3F98];
	s0 =	simm.s32 @p1 $0x1  }
0x15: {  	[smem:$0x3FB5] =	sst s0;
	s0 =	simm.s32 @!p2 $0x0  }
0x16: {  	s3 =	sld [smem:$0x3FDB];
	s0 =	simm.s32 @p2 $0x1  }
0x17: {  	s4 =	simm.s32 $0x1BF5;
	[smem:$0x3FB7] =	sst s0  }
0x18: {  	s0 =	sld [smem:$0x3F9A];
	_ =	swait.ge [sflag:s4], $0x0  }
0x19: {  	s7 =	sld [smem:$0x3F9B]  }
0x1a: {  	s8 =	sadd.s32 $0xFFFFE003, lr  }
0x1b: {  	s9 =	sadd.s32 $0xFFFFFEF7, lr;
	s5 =	simm.s32 $0xFFFFFFFF;
	p2 =	slt.u32 s8, $0xFFFFF086  }
0x1c: {  	p1 =	slt.u32 s9, $0xF7A;
	s5 =	simm.s32 @!p2 $0x0  }
0x1d: {  	s5 =	simm.s32 @p1 $0x1;
	p0 =	seq.s32 s7, s2  }
0x1e: {  	s7 =	smul.u32 @!p0 $0xF7A, s2;
	p2 =	seq.s32 @!p0 s5, $0x0  }
0x1f: {  	s9 =	smul.u32 $0xF7A, s1;
	s8 =	simm.s32 @!p0 $0x1BF5;
	p2 =	por !p2, p0  }
0x20: {  	[sflag:s8] =	ssyncset.s32 @!p0 $0xFFFFF086;
	s6 =	sadd.s32 @!p0 s3, s7;
	s7 =	simm.s32 @!p0 $0x108  }
0x21: {  	s3 =	sadd.s32 s3, s9;
	s6 =	sadd.s32 @!p0 $0x88, s6;
	s7 =	simm.s32 @p2 $0x1082  }
0x22: {  	[simem:s7], [sflag:s8] =	dma.local @!p0 [hbm:s6], $0xF7A  }
0x23: {  	s9 =	sor.u32 $0xD0000000, s2;
	s6 =	simm.s32 $0x108;
	_ =	swait.ge @!p0 [sflag:s8], $0x0  }
0x24: {  	s3 =	sadd.s32 $0x88, s3;
	s6 =	simm.s32 @!p1 $0x1082;
	[sflag:s4] =	ssyncset.s32 $0xFFFFF086  }
0x25: {  	[simem:s6], [sflag:s4] =	dma.local [hbm:s3], $0xF7A  }
0x26: {  	[smem:$0x3F9B] =	sst s1;
	(tag) =	ssettag s2;
	_ =	strace s9  }
0x27: {  	s1 =	sld [smem:$0x3FAB]  }
0x28: {  	s2 =	sld [smem:$0x3FAC]  }
0x29: {  	s4 =	sld [smem:$0x3FAE]  }
0x2a: {  	p0 =	seq.s32 s5, $0x0;
	s5 =	sld [smem:$0x3FAF]  }
0x2b: {  	s6 =	sld [smem:$0x3FB0]  }
0x2c: {  	s7 =	sld [smem:$0x3FB1]  }
0x2d: {  	s3 =	simm.s32 $0x108;
	s8 =	sld [smem:$0x3FB2]  }
0x2e: {  	s3 =	simm.s32 @!p0 $0x1082;
	s9 =	sld [smem:$0x3FB3]  }
0x2f: {  	lr =	sadd.s32 s0, s3;
	s0 =	sld [smem:$0x3FAA]  }
0x30: {  	s3 =	sld [smem:$0x3FAD]  }
0x31: {  	[smem:$0x3FB6] =	sst s10  }
0x32: {  	s10 =	sld [smem:$0x3FB4];
	_ =	sdelay $0x3  }
0x33: {  	p0 =	seq.s32 s10, $0x1;
	s10 =	sld [smem:$0x3FB6];
	_ =	sdelay $0x3  }
0x34: {  	[smem:$0x3FB6] =	sst s10  }
0x35: {  	s10 =	sld [smem:$0x3FB5];
	_ =	sdelay $0x3  }
0x36: {  	p1 =	seq.s32 s10, $0x1;
	s10 =	sld [smem:$0x3FB6];
	_ =	sdelay $0x3  }
0x37: {  	[smem:$0x3FB6] =	sst s10  }
0x38: {  	s10 =	sld [smem:$0x3FB7]  }
0x39: {  	_ = 	snop;
	(pc) =	sbr.ind lr, $3  }
0x3a: {  	_ = 	snop  }
0x3b: {  	_ = 	snop  }
0x3c: {  	p2 =	seq.s32 s10, $0x1;
	s10 =	sld [smem:$0x3FB6]  }
0x3d: {  	_ =	shalt  }
0x3e: {  	_ =	shalt  }
0x3f: {  	_ =	shalt  }
0x40: {  	_ =	shalt  }
0x41: {  	_ =	shalt  }
0x42: {  	_ =	shalt  }
0x43: {  	_ =	shalt  }
0x44: {  	_ =	shalt  }
0x45: {  	_ =	shalt  }
0x46: {  	_ =	shalt  }
0x47: {  	_ =	shalt  }
0x48: {  	_ =	shalt  }
0x49: {  	_ =	shalt  }
0x4a: {  	_ =	shalt  }
0x4b: {  	_ =	shalt  }
0x4c: {  	_ =	shalt  }
0x4d: {  	_ =	shalt  }
0x4e: {  	_ =	shalt  }
0x4f: {  	_ =	shalt  }
0x50: {  	_ =	shalt  }
0x51: {  	_ =	shalt  }
0x52: {  	_ =	shalt  }
0x53: {  	_ =	shalt  }
0x54: {  	_ =	shalt  }
0x55: {  	_ =	shalt  }
0x56: {  	_ =	shalt  }
0x57: {  	_ =	shalt  }
0x58: {  	_ =	shalt  }
0x59: {  	_ =	shalt  }
0x5a: {  	_ =	shalt  }
0x5b: {  	_ =	shalt  }
0x5c: {  	_ =	shalt  }
0x5d: {  	_ =	shalt  }
0x5e: {  	_ =	shalt  }
0x5f: {  	_ =	shalt  }
0x60: {  	_ =	shalt  }
0x61: {  	_ =	shalt  }
0x62: {  	_ =	shalt  }
0x63: {  	_ =	shalt  }
0x64: {  	_ =	shalt  }
0x65: {  	_ =	shalt  }
0x66: {  	_ =	shalt  }
0x67: {  	_ =	shalt  }
0x68: {  	_ =	shalt  }
0x69: {  	_ =	shalt  }
0x6a: {  	_ =	shalt  }
0x6b: {  	_ =	shalt  }
0x6c: {  	_ =	shalt  }
0x6d: {  	_ =	shalt  }
0x6e: {  	_ =	shalt  }
0x6f: {  	_ =	shalt  }
0x70: {  	_ =	shalt  }
0x71: {  	_ =	shalt  }
0x72: {  	_ =	shalt  }
0x73: {  	_ =	shalt  }
0x74: {  	_ =	shalt  }
0x75: {  	_ =	shalt  }
0x76: {  	_ =	shalt  }
0x77: {  	_ =	shalt  }
0x78: {  	_ =	shalt  }
0x79: {  	_ =	shalt  }
0x7a: {  	_ =	shalt  }
0x7b: {  	_ =	shalt  }
0x7c: {  	_ =	shalt  }
0x7d: {  	_ =	shalt  }
0x7e: {  	_ =	shalt  }
0x7f: {  	_ =	shalt  }
0x80: {  	_ =	shalt  }
0x81: {  	_ =	shalt  }
0x82: {  	_ =	shalt  }
0x83: {  	_ =	shalt  }
0x84: {  	_ =	shalt  }
0x85: {  	_ =	shalt  }
0x86: {  	_ =	shalt  }
0x87: {  	_ =	shalt  }
.Lfunc_end0:
.L_simem_size_0:
called_computation.1_lowered:
.L_overlay_start_0:
0x88: {  	s2 =	sld [smem:$0x3FD9]  }
0x89: {  	s3 =	sld [smem:$0x3FFE];
	_ =	sdelay $0x1  }
0x8a: {  	s1 =	srdreg.scid  }
0x8b: {  	s0 =	sand.u32 $0x1, s1  }
0x8c: {  	s17 =	sshll.u32 s0, $0xA;
	s2 =	sadd.s32 s3, s2  }
0x8d: {  	s2 =	sadd.s32 s2, s17  }
0x8e: {  	[smem:$0x3FC2] =	sst s2  }
0x8f: {  	_ = 	snop  }
0x90: {  	s2 =	sld [smem:$0x3FD0];
	(tm) =	ssettm $0x1  }
0x91: {  	s18 =	sld [smem:$0x3FFB];
	_ =	sdelay $0x3  }
0x92: {  	_ =	strace s18  }
0x93: {  	s3 =	sld [smem:$0x3FFC];
	_ =	sdelay $0x3  }
0x94: {  	_ =	strace s3  }
0x95: {  	s3 =	sld [smem:$0x3FFD];
	_ =	sdelay $0x3  }
0x96: {  	_ =	strace s3  }
0x97: {  	_ =	strace $0x8FFFFFFF  }
0x98: {  	s19 =	sld [smem:$0x3FDB];
	_ =	sdelay $0x1  }
0x99: {  	s4 =	simm.s32 $_scs_section_size  }
0x9a: {  	s5 =	simm.s32 $_size__tile_overlayer_lowered;
	s6 =	simm.s32 $_tile_overlayer_lowered  }
0x9b: {  	s22 =	simm.s32 $0x1BFF;
	s21 =	sshll.u32 s6, $0x1;
	s3 =	sadd.s32 s4, s19  }
0x9c: {  	s7 =	simm.s32 $0x0;
	s20 =	sshll.u32 s5, $0x1;
	s5 =	sadd.s32 s21, s3  }
0x9d: {  	[timem:s7], [sflag:s22] =	dma.local [hbm:s5], s20  }
0x9e: {  	_ =	swait.ge [sflag:s22], s20  }
0x9f: {  	s4 =	ssub.s32 $0x0, s20;
	[sflag:s22] =	ssyncset.done $0x0  }
0xa0: {  	[sflag:s22] =	ssyncadd.s32 s4;
	_ =	sdelay $0x1  }
0xa1: {  	s23 =	simm.s32 $0x1B8B  }
0xa2: {  	_ =	swait.ge [sflag:s23], $0x1  }
0xa3: {  	[sflag:s23] =	ssyncset.done $0x0  }
0xa4: {  	s25 =	simm.s32 $0x1B8E;
	s24 =	sld [smem:$0x3FFE];
	[sflag:s23] =	ssyncadd.s32 $0xFFFFFFFF  }
0xa5: {  	s26 =	simm.s32 $execute0_lowered;
	[smem:$0x3FD2] =	sst s25  }
0xa6: {  	s5 =	sshll.u32 s26, $0x1;
	_ =	strace $0x80000049;
	[dreg:$0x1] =	wrdreg $0xFFFFFFFF  }
0xa7: {  	s28 =	simm.s32 $_size_execute0_lowered;
	s3 =	sadd.s32 s3, s5;
	[dreg:$0x0] =	wrdreg $0x0  }
0xa8: {  	s5 =	sshll.u32 s28, $0x1;
	[dreg:$0x2] =	wrdreg s3  }
0xa9: {  	[dreg:$0x3] =	wrdreg s5  }
0xaa: {  	[dreg:$0x4] =	wrdreg $0xC0  }
0xab: {  	_ =	task [dreg:s7], $0x5FFFF  }
0xac: {  	[dreg:$0x1] =	wrdreg $0xFFFFFFFF  }
0xad: {  	[dreg:$0x0] =	wrdreg $0x60  }
0xae: {  	[dreg:$0x2] =	wrdreg s24  }
0xaf: {  	[dreg:$0x3] =	wrdreg s2  }
0xb0: {  	[dreg:$0x4] =	wrdreg $0x152000  }
0xb1: {  	[dreg:$0x5] =	wrdreg $0x9  }
0xb2: {  	_ =	task.clear_ibuf [dreg:s7], $0x6FFFF;
	_ =	strace $0x90000049  }
0xb3: {  	s29 =	simm.s32 $0x9;
	_ =	strace $0x8000004B  }
0xb4: {  	_ =	swait.ge [sflag:s29], $0x1  }
0xb5: {  	[sflag:s29] =	ssyncadd.s32 $0xFFFFFFFF  }
0xb6: {  	_ =	strace $0x9000004B  }
0xb7: {  	_ =	sfence  }
0xb8: {  	s30 =	sld [smem:$0x0];
	_ =	sdelay $0x2  }
0xb9: {  	s31 =	sshll.u32 s1, $0xD;
	s1 =	sshrl.u32 s1, $0x2  }
0xba: {  	s3 =	sand.u32 $0x4000, s31;
	s1 =	sadd.s32 s1, s30  }
0xbb: {  	s0 =	sor.u32 s3, s0;
	s1 =	sshll.u32 s1, $0x11  }
0xbc: {  	s0 =	sor.u32 s1, s0  }
0xbd: {  	s0 =	sadd.s32 $0x8F2B, s0  }
0xbe: {  	[sflag:s0] =	ssyncadd.remote.s32 $0x1  }
0xbf: {  	_ =	sfence.sel $0xFFFF  }
0xc0: {  	[dreg:$0x0] =	wrdreg $0xFFFFFFFF;
	(pc) =	sbr.abs _section_cstart, $3  }
0xc1: {  	[dreg:$0x1] =	wrdreg $0xFFFFFFFF  }
0xc2: {  	_ =	task.clear_ibuf [dreg:s7], $0x2FFFF;
	_ =	strace $0x9FFFFFFF  }
0xc3: {  	(tm) =	ssettm $0x7FFFFFFF  }
tec
execute0_lowered:
.L_overlay_start_1:
0x0: {  	(tag) =	ssettag $0x1  }
0x1: {  	s0 =	rddreg [dreg:$0x0]  }
0x2: {  	s3 =	rddreg [dreg:$0x1]  }
0x3: {  	s1 =	rddreg [dreg:$0x2];
	s2 =	simm.s32 $0x0  }
0x4: {  	s4 =	srdreg.scid;
	s24 =	stileid.u32;
	s28 =	simm.s32 $0x1  }
0x5: {  	s29 =	simm.s32 $0x80;
	s30 =	simm.s32 $0xA000;
	s6 =	smul.u32 $0xA00, s24  }
0x6: {  	s31 =	simm.s32 $0xC000;
	[smem:$0x7FF] =	sst s2;
	s9 =	smul.u32 $0x3E800, s24  }
0x7: {  	s4 =	sand.u32 $0x1, s4;
	s18 =	smul.u32 $0xFA00, s24;
	p0 =	sgt.u32 s24, $0x9  }
0x8: {  	s24 =	simm.s32 $0x0;
	s5 =	smul.u32 $0x138C0, s4;
	s7 =	ssub.s32 $0x2, s4  }
0x9: {  	_ =	strace $0x8000004A;
	s4 =	smul.u32 $0x9C400, s4;
	s8 =	sshrl.u32 s7, $0x1  }
0xa: {  	s6 =	sadd.s32 s6, s0;
	s21 =	sshrl.u32 s9, $0x2;
	s15 =	sadd.s32 $0x3200, s18  }
0xb: {  	s25 =	sadd.s32 $0x6400, s18;
	s19 =	sadd.s32 $0x9600, s18;
	s5 =	sadd.s32 s5, s0  }
0xc: {  	s0 =	sadd.s32 $0x3CC00, s0;
	s20 =	sadd.s32 $0x1A00, s6;
	s6 =	sadd.s32 $0xBA00, s6  }
0xd: {  	s13 =	sadd.s32 s18, s4;
	s16 =	sadd.s32 s4, s15;
	[dreg:$0x4] =	wrdreg s0  }
0xe: {  	s15 =	sadd.s32 s15, s1;
	s17 =	sadd.s32 s25, s1;
	[dreg:$0x5] =	wrdreg s20  }
0xf: {  	s0 =	ssub.s32 s7, s8;
	[dreg:$0x6] =	wrdreg s6;
	s7 =	sadd.s32 s21, s1  }
0x10: {  	s12 =	sadd.s32 $0x15A00, s5;
	s22 =	sshrl.u32 s13, $0x3;
	s13 =	sadd.s32 s18, s1  }
0x11: {  	s23 =	sshrl.u32 s16, $0x3;
	s5 =	sadd.s32 s4, s25;
	s20 =	sadd.s32 s4, s19  }
0x12: {  	s21 =	sadd.s32 $0xC800, s18;
	s19 =	sadd.s32 s19, s1;
	s25 =	simm.s32 $0x10000  }
0x13: {  	s8 =	sadd.s32 $0x3200, s7;
	s9 =	sadd.s32 $0x6400, s7;
	s10 =	sadd.s32 $0x9600, s7  }
0x14: {  	s11 =	sadd.s32 $0xC800, s7;
	s14 =	sadd.s32 s3, s22;
	s16 =	sadd.s32 s3, s23  }
0x15: {  	s5 =	sshrl.u32 s5, $0x3;
	s26 =	sshrl.u32 s20, $0x3;
	s4 =	sadd.s32 s4, s21  }
0x16: {  	s21 =	sadd.s32 s21, s1;
	s23 =	smax.u32 s0, $0x1;
	s0 =	simm.s32 $0x2  }
0x17: {  	s18 =	sadd.s32 s3, s5;
	s20 =	sadd.s32 s3, s26;
	s4 =	sshrl.u32 s4, $0x3  }
0x18: {  	s26 =	simm.s32 $0x3;
	s22 =	sadd.s32 s3, s4;
	s3 =	simm.s32 $0xE000  }
.LBB2_1:
0x19: {  	s4 =	rddreg [dreg:$0x5]  }
0x1a: {  	[tilespmem:s2], [sflag:$0x1] =	stream.linear.gather [hbm4b:s4+s2], $0x5000, $0x38;
	[tilespmem:$0x1EE60] =	vst v63  }
0x1b: {  	s6 =	rddreg [dreg:$0x6];
	s5 =	simm.s32 $0x5000  }
0x1c: {  	[tilespmem:s5], [sflag:$0x1] =	stream.linear.gather [hbm4b:s6+s2], $0x5000, $0x38;
	[tilespmem:$0x1EE60] =	vst v63  }
0x1d: {  	s5 =	rddreg [dreg:$0x4];
	s6 =	simm.s32 $0x12000  }
0x1e: {  	[tilespmem:s6], [sflag:$0x3] =	stream.linear.gather [hbm4b:s5+s2], $0x3200, $0x38;
	[tilespmem:$0x1EE60] =	vst v63  }
0x1f: {  	_ =	swait.ge [sflag:s26], $0x3200  }
0x20: {  	[sflag:s26] =	ssyncset.done $0x0  }
0x21: {  	s4 =	simm.s32 @!p0 $0x12000;
	[sflag:s26] =	ssyncadd.s32 $0xFFFFCE00  }
0x22: {  	[spmem:s7] =	stream.linear.scatter @!p0 [tilespmem:s4], [sflag:$0x2], $0x3200, $0x38;
	[tilespmem:$0x1EE60] =	vst v63  }
0x23: {  	_ = 	snop  }
0x24: {  	[spmem:s8] =	stream.linear.scatter @!p0 [tilespmem:s4], [sflag:$0x2], $0x3200, $0x38;
	[tilespmem:$0x1EE60] =	vst v63  }
0x25: {  	_ = 	snop  }
0x26: {  	[spmem:s9] =	stream.linear.scatter @!p0 [tilespmem:s4], [sflag:$0x2], $0x3200, $0x38;
	[tilespmem:$0x1EE60] =	vst v63  }
0x27: {  	_ = 	snop  }
0x28: {  	[spmem:s10] =	stream.linear.scatter @!p0 [tilespmem:s4], [sflag:$0x2], $0x3200, $0x38;
	[tilespmem:$0x1EE60] =	vst v63  }
0x29: {  	_ = 	snop  }
0x2a: {  	[spmem:s11] =	stream.linear.scatter @!p0 [tilespmem:s4], [sflag:$0x2], $0x3200, $0x38;
	[tilespmem:$0x1EE60] =	vst v63  }
0x2b: {  	s4 =	simm.s32 @!p0 $0x2  }
0x2c: {  	_ =	swait.ge @!p0 [sflag:s4], $0x3200  }
0x2d: {  	[sflag:s4] =	ssyncset.done @!p0 $0x0  }
0x2e: {  	[sflag:s4] =	ssyncadd.s32 @!p0 $0xFFFFCE00  }
0x2f: {  	_ =	swait.ge @!p0 [sflag:s4], $0x3200  }
0x30: {  	[sflag:s4] =	ssyncset.done @!p0 $0x0  }
0x31: {  	[sflag:s4] =	ssyncadd.s32 @!p0 $0xFFFFCE00  }
0x32: {  	_ =	swait.ge @!p0 [sflag:s4], $0x3200  }
0x33: {  	[sflag:s4] =	ssyncset.done @!p0 $0x0  }
0x34: {  	[sflag:s4] =	ssyncadd.s32 @!p0 $0xFFFFCE00  }
0x35: {  	_ =	swait.ge @!p0 [sflag:s4], $0x3200  }
0x36: {  	[sflag:s4] =	ssyncset.done @!p0 $0x0  }
0x37: {  	[sflag:s4] =	ssyncadd.s32 @!p0 $0xFFFFCE00  }
0x38: {  	_ =	swait.ge @!p0 [sflag:s4], $0x3200  }
0x39: {  	[sflag:s4] =	ssyncset.done @!p0 $0x0  }
0x3a: {  	[sflag:s4] =	ssyncadd.s32 @!p0 $0xFFFFCE00  }
0x3b: {  	_ =	swait.ge [sflag:s28], $0x5000  }
0x3c: {  	[sflag:s28] =	ssyncset.done $0x0  }
0x3d: {  	[sflag:s28] =	ssyncadd.s32 $0xFFFFB000  }
0x3e: {  	_ =	swait.ge [sflag:s28], $0x5000  }
0x3f: {  	[sflag:s28] =	ssyncset.done $0x0  }
0x40: {  	[sflag:s28] =	ssyncadd.s32 $0xFFFFB000  }
0x41: {  	[bflag:$0x0] =	sbarrier.arrive $0xFFFF  }
0x42: {  	[tilespmem:s30], [sflag:$0x1] =	stream.indirect.gather [hbm4b:s12+s29], $0x40, s2, s29, $0xb8;
	[tilespmem:$0x1EE60] =	vst v63  }
0x43: {  	_ = 	snop  }
0x44: {  	[tilespmem:s31], [sflag:$0x1] =	stream.indirect.gather [hbm4b:s12+s29], $0x40, s29, s29, $0xb8;
	[tilespmem:$0x1EE60] =	vst v63  }
0x45: {  	s6 =	simm.s32 $0x100  }
0x46: {  	[tilespmem:s3], [sflag:$0x1] =	stream.indirect.gather [hbm4b:s12+s29], $0x40, s6, s29, $0xb8;
	[tilespmem:$0x1EE60] =	vst v63  }
0x47: {  	s5 =	simm.s32 $0x180  }
0x48: {  	[tilespmem:s25], [sflag:$0x1] =	stream.indirect.gather [hbm4b:s12+s29], $0x40, s5, s29, $0xb8;
	[tilespmem:$0x1EE60] =	vst v63  }
0x49: {  	_ =	swait.ge [sflag:s28], $0x2000  }
0x4a: {  	[sflag:s28] =	ssyncset.done $0x0  }
0x4b: {  	s6 =	simm.s32 $0x5000;
	[sflag:s28] =	ssyncadd.s32 $0xFFFFE000  }
0x4c: {  	[spmem:s1] =	stream.indirect.scatter.add.f32 [tilespmem:s30], [sflag:$0x2], $0x40, s6, s29, $0xb8;
	[tilespmem:$0x1EE60] =	vst v63  }
0x4d: {  	_ =	swait.ge [sflag:s28], $0x2000  }
0x4e: {  	[sflag:s28] =	ssyncset.done $0x0  }
0x4f: {  	s5 =	simm.s32 $0x5080;
	[sflag:s28] =	ssyncadd.s32 $0xFFFFE000  }
0x50: {  	[spmem:s1] =	stream.indirect.scatter.add.f32 [tilespmem:s31], [sflag:$0x2], $0x40, s5, s29, $0xb8;
	[tilespmem:$0x1EE60] =	vst v63  }
0x51: {  	_ =	swait.ge [sflag:s28], $0x2000  }
0x52: {  	[sflag:s28] =	ssyncset.done $0x0  }
0x53: {  	s6 =	simm.s32 $0x5100;
	[sflag:s28] =	ssyncadd.s32 $0xFFFFE000  }
0x54: {  	[spmem:s1] =	stream.indirect.scatter.add.f32 [tilespmem:s3], [sflag:$0x2], $0x40, s6, s29, $0xb8;
	[tilespmem:$0x1EE60] =	vst v63  }
0x55: {  	_ =	swait.ge [sflag:s28], $0x2000  }
0x56: {  	[sflag:s28] =	ssyncset.done $0x0  }
0x57: {  	s5 =	simm.s32 $0x5180;
	[sflag:s28] =	ssyncadd.s32 $0xFFFFE000  }
0x58: {  	[spmem:s1] =	stream.indirect.scatter.add.f32 [tilespmem:s25], [sflag:$0x2], $0x40, s5, s29, $0xb8;
	[tilespmem:$0x1EE60] =	vst v63  }
0x59: {  	_ =	swait.ge [sflag:s0], $0x2000  }
0x5a: {  	[sflag:s0] =	ssyncset.done $0x0  }
0x5b: {  	s6 =	simm.s32 $0x200;
	[sflag:s0] =	ssyncadd.s32 $0xFFFFE000  }
0x5c: {  	[tilespmem:s30], [sflag:$0x1] =	stream.indirect.gather [hbm4b:s12+s29], $0x40, s6, s29, $0xb8;
	[tilespmem:$0x1EE60] =	vst v63  }
0x5d: {  	_ =	swait.ge [sflag:s0], $0x2000  }
0x5e: {  	[sflag:s0] =	ssyncset.done $0x0  }
0x5f: {  	s5 =	simm.s32 $0x280;
	[sflag:s0] =	ssyncadd.s32 $0xFFFFE000  }
0x60: {  	[tilespmem:s31], [sflag:$0x1] =	stream.indirect.gather [hbm4b:s12+s29], $0x40, s5, s29, $0xb8;
	[tilespmem:$0x1EE60] =	vst v63  }
0x61: {  	_ =	swait.ge [sflag:s0], $0x2000  }
0x62: {  	[sflag:s0] =	ssyncset.done $0x0  }
0x63: {  	s6 =	simm.s32 $0x300;
	[sflag:s0] =	ssyncadd.s32 $0xFFFFE000  }
0x64: {  	[tilespmem:s3], [sflag:$0x1] =	stream.indirect.gather [hbm4b:s12+s29], $0x40, s6, s29, $0xb8;
	[tilespmem:$0x1EE60] =	vst v63  }
0x65: {  	_ =	swait.ge [sflag:s0], $0x2000  }
0x66: {  	[sflag:s0] =	ssyncset.done $0x0  }
0x67: {  	s4 =	simm.s32 $0x800;
	s5 =	simm.s32 $0x380;
	[sflag:s0] =	ssyncadd.s32 $0xFFFFE000  }
.LBB2_2:
0x68: {  	[tilespmem:s25], [sflag:$0x1] =	stream.indirect.gather [hbm4b:s12+s29], $0x40, s5, s29, $0xb8;
	[tilespmem:$0x1EE60] =	vst v63  }
0x69: {  	s5 =	smov.u32 s4  }
0x6a: {  	p1 =	sne.s32 s4, $0x13000;
	s4 =	sadd.s32 $0x800, s4;
	_ =	swait.ge [sflag:s28], $0x2000  }
0x6b: {  	s5 =	sshra.s32 s5, $0x2;
	[sflag:s28] =	ssyncset.done $0x0  }
0x6c: {  	s6 =	sadd.s32 $0x5000, s5;
	[sflag:s28] =	ssyncadd.s32 $0xFFFFE000  }
0x6d: {  	[spmem:s1] =	stream.indirect.scatter.add.f32 [tilespmem:s30], [sflag:$0x2], $0x40, s6, s29, $0xb8;
	[tilespmem:$0x1EE60] =	vst v63  }
0x6e: {  	_ =	swait.ge [sflag:s28], $0x2000  }
0x6f: {  	[sflag:s28] =	ssyncset.done $0x0  }
0x70: {  	s6 =	sadd.s32 $0x5080, s5;
	[sflag:s28] =	ssyncadd.s32 $0xFFFFE000  }
0x71: {  	[spmem:s1] =	stream.indirect.scatter.add.f32 [tilespmem:s31], [sflag:$0x2], $0x40, s6, s29, $0xb8;
	[tilespmem:$0x1EE60] =	vst v63  }
0x72: {  	_ =	swait.ge [sflag:s28], $0x2000  }
0x73: {  	[sflag:s28] =	ssyncset.done $0x0  }
0x74: {  	s6 =	sadd.s32 $0x5100, s5;
	[sflag:s28] =	ssyncadd.s32 $0xFFFFE000  }
0x75: {  	[spmem:s1] =	stream.indirect.scatter.add.f32 [tilespmem:s3], [sflag:$0x2], $0x40, s6, s29, $0xb8;
	[tilespmem:$0x1EE60] =	vst v63  }
0x76: {  	_ =	swait.ge [sflag:s28], $0x2000  }
0x77: {  	[sflag:s28] =	ssyncset.done $0x0  }
0x78: {  	s6 =	sadd.s32 $0x5180, s5;
	[sflag:s28] =	ssyncadd.s32 $0xFFFFE000  }
0x79: {  	[spmem:s1] =	stream.indirect.scatter.add.f32 [tilespmem:s25], [sflag:$0x2], $0x40, s6, s29, $0xb8;
	[tilespmem:$0x1EE60] =	vst v63  }
0x7a: {  	_ =	swait.ge [sflag:s0], $0x2000  }
0x7b: {  	[sflag:s0] =	ssyncset.done $0x0  }
0x7c: {  	s6 =	sadd.s32 $0x200, s5;
	[sflag:s0] =	ssyncadd.s32 $0xFFFFE000  }
0x7d: {  	[tilespmem:s30], [sflag:$0x1] =	stream.indirect.gather [hbm4b:s12+s29], $0x40, s6, s29, $0xb8;
	[tilespmem:$0x1EE60] =	vst v63  }
0x7e: {  	_ =	swait.ge [sflag:s0], $0x2000  }
0x7f: {  	[sflag:s0] =	ssyncset.done $0x0  }
0x80: {  	s6 =	sadd.s32 $0x280, s5;
	[sflag:s0] =	ssyncadd.s32 $0xFFFFE000  }
0x81: {  	[tilespmem:s31], [sflag:$0x1] =	stream.indirect.gather [hbm4b:s12+s29], $0x40, s6, s29, $0xb8;
	[tilespmem:$0x1EE60] =	vst v63  }
0x82: {  	_ =	swait.ge [sflag:s0], $0x2000  }
0x83: {  	[sflag:s0] =	ssyncset.done $0x0  }
.Ltmp0:
0x84: {  	s6 =	sadd.s32 $0x300, s5;
	[sflag:s0] =	ssyncadd.s32 $0xFFFFE000;
	(pc) =	sbr.rel @p1 .LBB2_2-.Ltmp0, $4  }
0x85: {  	[tilespmem:s3], [sflag:$0x1] =	stream.indirect.gather [hbm4b:s12+s29], $0x40, s6, s29, $0xb8;
	[tilespmem:$0x1EE60] =	vst v63  }
0x86: {  	_ =	swait.ge [sflag:s0], $0x2000  }
0x87: {  	[sflag:s0] =	ssyncset.done $0x0  }
0x88: {  	s5 =	sadd.s32 $0x380, s5;
	[sflag:s0] =	ssyncadd.s32 $0xFFFFE000  }
0x89: {  	[tilespmem:s25], [sflag:$0x1] =	stream.indirect.gather [hbm4b:s12+s29], $0x40, s5, s29, $0xb8;
	[tilespmem:$0x1EE60] =	vst v63  }
0x8a: {  	_ =	swait.ge [sflag:s28], $0x2000  }
0x8b: {  	[sflag:s28] =	ssyncset.done $0x0  }
0x8c: {  	s4 =	simm.s32 $0x9E00;
	[sflag:s28] =	ssyncadd.s32 $0xFFFFE000  }
0x8d: {  	[spmem:s1] =	stream.indirect.scatter.add.f32 [tilespmem:s30], [sflag:$0x2], $0x40, s4, s29, $0xb8;
	[tilespmem:$0x1EE60] =	vst v63  }
0x8e: {  	_ =	swait.ge [sflag:s28], $0x2000  }
0x8f: {  	[sflag:s28] =	ssyncset.done $0x0  }
0x90: {  	s6 =	simm.s32 $0x9E80;
	[sflag:s28] =	ssyncadd.s32 $0xFFFFE000  }
0x91: {  	[spmem:s1] =	stream.indirect.scatter.add.f32 [tilespmem:s31], [sflag:$0x2], $0x40, s6, s29, $0xb8;
	[tilespmem:$0x1EE60] =	vst v63  }
0x92: {  	_ =	swait.ge [sflag:s28], $0x2000  }
0x93: {  	[sflag:s28] =	ssyncset.done $0x0  }
0x94: {  	s5 =	simm.s32 $0x9F00;
	[sflag:s28] =	ssyncadd.s32 $0xFFFFE000  }
0x95: {  	[spmem:s1] =	stream.indirect.scatter.add.f32 [tilespmem:s3], [sflag:$0x2], $0x40, s5, s29, $0xb8;
	[tilespmem:$0x1EE60] =	vst v63  }
0x96: {  	_ =	swait.ge [sflag:s28], $0x2000  }
0x97: {  	[sflag:s28] =	ssyncset.done $0x0  }
0x98: {  	s6 =	simm.s32 $0x9F80;
	[sflag:s28] =	ssyncadd.s32 $0xFFFFE000  }
0x99: {  	[spmem:s1] =	stream.indirect.scatter.add.f32 [tilespmem:s25], [sflag:$0x2], $0x40, s6, s29, $0xb8;
	[tilespmem:$0x1EE60] =	vst v63  }
0x9a: {  	_ =	swait.ge [sflag:s0], $0x2000  }
0x9b: {  	[sflag:s0] =	ssyncset.done $0x0  }
0x9c: {  	[sflag:s0] =	ssyncadd.s32 $0xFFFFE000  }
0x9d: {  	_ =	swait.ge [sflag:s0], $0x2000  }
0x9e: {  	[sflag:s0] =	ssyncset.done $0x0  }
0x9f: {  	[sflag:s0] =	ssyncadd.s32 $0xFFFFE000  }
0xa0: {  	_ =	swait.ge [sflag:s0], $0x2000  }
0xa1: {  	[sflag:s0] =	ssyncset.done $0x0  }
0xa2: {  	[sflag:s0] =	ssyncadd.s32 $0xFFFFE000  }
0xa3: {  	_ =	swait.ge [sflag:s0], $0x2000  }
0xa4: {  	[sflag:s0] =	ssyncset.done $0x0  }
0xa5: {  	[sflag:s0] =	ssyncadd.s32 $0xFFFFE000  }
0xa6: {  	s4 =	simm.s32 @!p0 $0x12000;
	s5 =	simm.s32 @!p0 $0x3;
	[bflag:$0x0] =	sbarrier.arrive $0xFFFF  }
0xa7: {  	[tilespmem:s4], [sflag:$0x3] =	stream.linear.gather @!p0 [spmem:s13], $0x3200, $0x38;
	[tilespmem:$0x1EE60] =	vst v63  }
0xa8: {  	_ =	swait.ge @!p0 [sflag:s5], $0x3200  }
0xa9: {  	[sflag:s5] =	ssyncset.done @!p0 $0x0  }
0xaa: {  	s6 =	simm.s32 @!p0 $0x0;
	[sflag:s5] =	ssyncadd.s32 @!p0 $0xFFFFCE00  }
0xab: {  	[hbm4b:s14+s6] =	stream.linear.scatter @!p0 [tilespmem:s4], [sflag:$0x3], $0x3200, $0x38;
	[tilespmem:$0x1EE60] =	vst v63  }
0xac: {  	_ =	swait.ge @!p0 [sflag:s5], $0x3200  }
0xad: {  	[sflag:s5] =	ssyncset.done @!p0 $0x0  }
0xae: {  	[sflag:s5] =	ssyncadd.s32 @!p0 $0xFFFFCE00  }
0xaf: {  	[tilespmem:s4], [sflag:$0x3] =	stream.linear.gather @!p0 [spmem:s15], $0x3200, $0x38;
	[tilespmem:$0x1EE60] =	vst v63  }
0xb0: {  	_ =	swait.ge @!p0 [sflag:s5], $0x3200  }
0xb1: {  	[sflag:s5] =	ssyncset.done @!p0 $0x0  }
0xb2: {  	[sflag:s5] =	ssyncadd.s32 @!p0 $0xFFFFCE00  }
0xb3: {  	[hbm4b:s16+s6] =	stream.linear.scatter @!p0 [tilespmem:s4], [sflag:$0x3], $0x3200, $0x38;
	[tilespmem:$0x1EE60] =	vst v63  }
0xb4: {  	_ =	swait.ge @!p0 [sflag:s5], $0x3200  }
0xb5: {  	[sflag:s5] =	ssyncset.done @!p0 $0x0  }
0xb6: {  	[sflag:s5] =	ssyncadd.s32 @!p0 $0xFFFFCE00  }
0xb7: {  	[tilespmem:s4], [sflag:$0x3] =	stream.linear.gather @!p0 [spmem:s17], $0x3200, $0x38;
	[tilespmem:$0x1EE60] =	vst v63  }
0xb8: {  	_ =	swait.ge @!p0 [sflag:s5], $0x3200  }
0xb9: {  	[sflag:s5] =	ssyncset.done @!p0 $0x0  }
0xba: {  	[sflag:s5] =	ssyncadd.s32 @!p0 $0xFFFFCE00  }
0xbb: {  	[hbm4b:s18+s6] =	stream.linear.scatter @!p0 [tilespmem:s4], [sflag:$0x3], $0x3200, $0x38;
	[tilespmem:$0x1EE60] =	vst v63  }
0xbc: {  	_ =	swait.ge @!p0 [sflag:s5], $0x3200  }
0xbd: {  	[sflag:s5] =	ssyncset.done @!p0 $0x0  }
0xbe: {  	[sflag:s5] =	ssyncadd.s32 @!p0 $0xFFFFCE00  }
0xbf: {  	[tilespmem:s4], [sflag:$0x3] =	stream.linear.gather @!p0 [spmem:s19], $0x3200, $0x38;
	[tilespmem:$0x1EE60] =	vst v63  }
0xc0: {  	_ =	swait.ge @!p0 [sflag:s5], $0x3200  }
0xc1: {  	[sflag:s5] =	ssyncset.done @!p0 $0x0  }
0xc2: {  	[sflag:s5] =	ssyncadd.s32 @!p0 $0xFFFFCE00  }
0xc3: {  	[hbm4b:s20+s6] =	stream.linear.scatter @!p0 [tilespmem:s4], [sflag:$0x3], $0x3200, $0x38;
	[tilespmem:$0x1EE60] =	vst v63  }
0xc4: {  	_ =	swait.ge @!p0 [sflag:s5], $0x3200  }
0xc5: {  	[sflag:s5] =	ssyncset.done @!p0 $0x0  }
0xc6: {  	[sflag:s5] =	ssyncadd.s32 @!p0 $0xFFFFCE00  }
0xc7: {  	[tilespmem:s4], [sflag:$0x3] =	stream.linear.gather @!p0 [spmem:s21], $0x3200, $0x38;
	[tilespmem:$0x1EE60] =	vst v63  }
0xc8: {  	s24 =	sadd.s32 $0x1, s24;
	_ =	swait.ge @!p0 [sflag:s5], $0x3200  }
0xc9: {  	p1 =	sne.s32 s24, s23;
	[sflag:s5] =	ssyncset.done @!p0 $0x0  }
.Ltmp1:
0xca: {  	[sflag:s5] =	ssyncadd.s32 @!p0 $0xFFFFCE00;
	(pc) =	sbr.rel @p1 .LBB2_1-.Ltmp1, $4  }
0xcb: {  	[hbm4b:s22+s6] =	stream.linear.scatter @!p0 [tilespmem:s4], [sflag:$0x3], $0x3200, $0x38;
	[tilespmem:$0x1EE60] =	vst v63  }
0xcc: {  	_ =	swait.ge @!p0 [sflag:s5], $0x3200  }
0xcd: {  	[sflag:s5] =	ssyncset.done @!p0 $0x0  }
0xce: {  	[sflag:s5] =	ssyncadd.s32 @!p0 $0xFFFFCE00  }
0xcf: {  	_ =	sfence.sel $0x180000  }
0xd0: {  	[bflag:$0x0] =	sbarrier.arrive $0xFFFF  }
0xd1: {  	_ =	strace $0x9000004A  }
0xd2: {  	s0 =	stileid.u32;
	[bflag:$0x2] =	sbarrier.arrive $0xFFFF  }
0xd3: {  	p0 =	sne.s32 s0, $0x0;
	s0 =	rddreg [dreg:$0x3]  }
0xd4: {  	s0 =	sadd.s32 @!p0 $0x100000, s0  }
0xd5: {  	[sflag:s0] =	ssyncadd.tile.s32 @!p0 $0x1;
	_ =	shalt  }
.Lfunc_end2:
_tile_overlayer_lowered:
.L_overlay_start_2:
0xd6: {  	(tag) =	ssettag $0x2  }
0xd7: {  	s0 =	rddreg [dreg:$0x0];
	s2 =	stileid.u32  }
0xd8: {  	s1 =	rddreg [dreg:$0x1];
	p0 =	sne.s32 s2, $0x0  }
0xd9: {  	s3 =	rddreg [dreg:$0x2];
	[bflag:$0x3] =	sbarrier.arrive $0xFFFF;
	s2 =	simm.s32 @!p0 $0x1C03  }
0xda: {  	[timem:s3], [sflag:s2] =	dma.local @!p0 [hbm:s0], s1  }
0xdb: {  	s0 =	simm.s32 @!p0 $0x3  }
0xdc: {  	_ =	swait.ge @!p0 [sflag:s0], s1  }
0xdd: {  	s1 =	ssub.s32 @!p0 $0x0, s1;
	[sflag:s0] =	ssyncset.done @!p0 $0x0  }
0xde: {  	[sflag:s0] =	ssyncadd.s32 @!p0 s1  }
0xdf: {  	[bflag:$0x3] =	sbarrier.arrive $0xFFFF  }
0xe0: {  	_ =	shalt  }

// kernel: kernel.14.cloned.1.call-start
scs
__scs_entry_jumppad:
0x0: {  	(pc) =	sbr.rel $0x88, $3  }
0x1: {  	(tag) =	ssettag $0x0;
	lr =	simm.s32 $0x1  }
0x2: {  	[smem:$0x3F9B] =	sst lr;
	_ =	strace $0xD0000000  }
0x3: {  	_ = 	snop  }
0x4: {  	_ = 	snop  }
0x5: {  	_ = 	snop  }
0x6: {  	_ = 	snop  }
0x7: {  	_ = 	snop  }
__scs_overlays_trampoline_lowered:
0x8: {  	[smem:$0x3FAA] =	sst s0  }
0x9: {  	[smem:$0x3FAB] =	sst s1  }
0xa: {  	[smem:$0x3FAC] =	sst s2  }
0xb: {  	[smem:$0x3FAD] =	sst s3  }
0xc: {  	[smem:$0x3FAE] =	sst s4  }
0xd: {  	[smem:$0x3FAF] =	sst s5  }
0xe: {  	[smem:$0x3FB0] =	sst s6  }
0xf: {  	[smem:$0x3FB1] =	sst s7  }
0x10: {  	[smem:$0x3FB2] =	sst s8  }
0x11: {  	[smem:$0x3FB3] =	sst s9;
	s0 =	simm.s32 @!p0 $0x0  }
0x12: {  	s1 =	sld [smem:$0x3F99];
	s0 =	simm.s32 @p0 $0x1  }
0x13: {  	[smem:$0x3FB4] =	sst s0;
	s0 =	simm.s32 @!p1 $0x0  }
0x14: {  	s2 =	sld [smem:$0x3F98];
	s0 =	simm.s32 @p1 $0x1  }
0x15: {  	[smem:$0x3FB5] =	sst s0;
	s0 =	simm.s32 @!p2 $0x0  }
0x16: {  	s3 =	sld [smem:$0x3FDB];
	s0 =	simm.s32 @p2 $0x1  }
0x17: {  	s4 =	simm.s32 $0x1BF5;
	[smem:$0x3FB7] =	sst s0  }
0x18: {  	s0 =	sld [smem:$0x3F9A];
	_ =	swait.ge [sflag:s4], $0x0  }
0x19: {  	s7 =	sld [smem:$0x3F9B]  }
0x1a: {  	s8 =	sadd.s32 $0xFFFFE003, lr  }
0x1b: {  	s9 =	sadd.s32 $0xFFFFFEF7, lr;
	s5 =	simm.s32 $0xFFFFFFFF;
	p2 =	slt.u32 s8, $0xFFFFF086  }
0x1c: {  	p1 =	slt.u32 s9, $0xF7A;
	s5 =	simm.s32 @!p2 $0x0  }
0x1d: {  	s5 =	simm.s32 @p1 $0x1;
	p0 =	seq.s32 s7, s2  }
0x1e: {  	s7 =	smul.u32 @!p0 $0xF7A, s2;
	p2 =	seq.s32 @!p0 s5, $0x0  }
0x1f: {  	s9 =	smul.u32 $0xF7A, s1;
	s8 =	simm.s32 @!p0 $0x1BF5;
	p2 =	por !p2, p0  }
0x20: {  	[sflag:s8] =	ssyncset.s32 @!p0 $0xFFFFF086;
	s6 =	sadd.s32 @!p0 s3, s7;
	s7 =	simm.s32 @!p0 $0x108  }
0x21: {  	s3 =	sadd.s32 s3, s9;
	s6 =	sadd.s32 @!p0 $0x88, s6;
	s7 =	simm.s32 @p2 $0x1082  }
0x22: {  	[simem:s7], [sflag:s8] =	dma.local @!p0 [hbm:s6], $0xF7A  }
0x23: {  	s9 =	sor.u32 $0xD0000000, s2;
	s6 =	simm.s32 $0x108;
	_ =	swait.ge @!p0 [sflag:s8], $0x0  }
0x24: {  	s3 =	sadd.s32 $0x88, s3;
	s6 =	simm.s32 @!p1 $0x1082;
	[sflag:s4] =	ssyncset.s32 $0xFFFFF086  }
0x25: {  	[simem:s6], [sflag:s4] =	dma.local [hbm:s3], $0xF7A  }
0x26: {  	[smem:$0x3F9B] =	sst s1;
	(tag) =	ssettag s2;
	_ =	strace s9  }
0x27: {  	s1 =	sld [smem:$0x3FAB]  }
0x28: {  	s2 =	sld [smem:$0x3FAC]  }
0x29: {  	s4 =	sld [smem:$0x3FAE]  }
0x2a: {  	p0 =	seq.s32 s5, $0x0;
	s5 =	sld [smem:$0x3FAF]  }
0x2b: {  	s6 =	sld [smem:$0x3FB0]  }
0x2c: {  	s7 =	sld [smem:$0x3FB1]  }
0x2d: {  	s3 =	simm.s32 $0x108;
	s8 =	sld [smem:$0x3FB2]  }
0x2e: {  	s3 =	simm.s32 @!p0 $0x1082;
	s9 =	sld [smem:$0x3FB3]  }
0x2f: {  	lr =	sadd.s32 s0, s3;
	s0 =	sld [smem:$0x3FAA]  }
0x30: {  	s3 =	sld [smem:$0x3FAD]  }
0x31: {  	[smem:$0x3FB6] =	sst s10  }
0x32: {  	s10 =	sld [smem:$0x3FB4];
	_ =	sdelay $0x3  }
0x33: {  	p0 =	seq.s32 s10, $0x1;
	s10 =	sld [smem:$0x3FB6];
	_ =	sdelay $0x3  }
0x34: {  	[smem:$0x3FB6] =	sst s10  }
0x35: {  	s10 =	sld [smem:$0x3FB5];
	_ =	sdelay $0x3  }
0x36: {  	p1 =	seq.s32 s10, $0x1;
	s10 =	sld [smem:$0x3FB6];
	_ =	sdelay $0x3  }
0x37: {  	[smem:$0x3FB6] =	sst s10  }
0x38: {  	s10 =	sld [smem:$0x3FB7]  }
0x39: {  	_ = 	snop;
	(pc) =	sbr.ind lr, $3  }
0x3a: {  	_ = 	snop  }
0x3b: {  	_ = 	snop  }
0x3c: {  	p2 =	seq.s32 s10, $0x1;
	s10 =	sld [smem:$0x3FB6]  }
0x3d: {  	_ =	shalt  }
0x3e: {  	_ =	shalt  }
0x3f: {  	_ =	shalt  }
0x40: {  	_ =	shalt  }
0x41: {  	_ =	shalt  }
0x42: {  	_ =	shalt  }
0x43: {  	_ =	shalt  }
0x44: {  	_ =	shalt  }
0x45: {  	_ =	shalt  }
0x46: {  	_ =	shalt  }
0x47: {  	_ =	shalt  }
0x48: {  	_ =	shalt  }
0x49: {  	_ =	shalt  }
0x4a: {  	_ =	shalt  }
0x4b: {  	_ =	shalt  }
0x4c: {  	_ =	shalt  }
0x4d: {  	_ =	shalt  }
0x4e: {  	_ =	shalt  }
0x4f: {  	_ =	shalt  }
0x50: {  	_ =	shalt  }
0x51: {  	_ =	shalt  }
0x52: {  	_ =	shalt  }
0x53: {  	_ =	shalt  }
0x54: {  	_ =	shalt  }
0x55: {  	_ =	shalt  }
0x56: {  	_ =	shalt  }
0x57: {  	_ =	shalt  }
0x58: {  	_ =	shalt  }
0x59: {  	_ =	shalt  }
0x5a: {  	_ =	shalt  }
0x5b: {  	_ =	shalt  }
0x5c: {  	_ =	shalt  }
0x5d: {  	_ =	shalt  }
0x5e: {  	_ =	shalt  }
0x5f: {  	_ =	shalt  }
0x60: {  	_ =	shalt  }
0x61: {  	_ =	shalt  }
0x62: {  	_ =	shalt  }
0x63: {  	_ =	shalt  }
0x64: {  	_ =	shalt  }
0x65: {  	_ =	shalt  }
0x66: {  	_ =	shalt  }
0x67: {  	_ =	shalt  }
0x68: {  	_ =	shalt  }
0x69: {  	_ =	shalt  }
0x6a: {  	_ =	shalt  }
0x6b: {  	_ =	shalt  }
0x6c: {  	_ =	shalt  }
0x6d: {  	_ =	shalt  }
0x6e: {  	_ =	shalt  }
0x6f: {  	_ =	shalt  }
0x70: {  	_ =	shalt  }
0x71: {  	_ =	shalt  }
0x72: {  	_ =	shalt  }
0x73: {  	_ =	shalt  }
0x74: {  	_ =	shalt  }
0x75: {  	_ =	shalt  }
0x76: {  	_ =	shalt  }
0x77: {  	_ =	shalt  }
0x78: {  	_ =	shalt  }
0x79: {  	_ =	shalt  }
0x7a: {  	_ =	shalt  }
0x7b: {  	_ =	shalt  }
0x7c: {  	_ =	shalt  }
0x7d: {  	_ =	shalt  }
0x7e: {  	_ =	shalt  }
0x7f: {  	_ =	shalt  }
0x80: {  	_ =	shalt  }
0x81: {  	_ =	shalt  }
0x82: {  	_ =	shalt  }
0x83: {  	_ =	shalt  }
0x84: {  	_ =	shalt  }
0x85: {  	_ =	shalt  }
0x86: {  	_ =	shalt  }
0x87: {  	_ =	shalt  }
.Lfunc_end0:
.L_simem_size_0:
called_computation.2_lowered:
.L_overlay_start_0:
0x88: {  	s2 =	sld [smem:$0x3FD9]  }
0x89: {  	s3 =	sld [smem:$0x3FFE];
	_ =	sdelay $0x1  }
0x8a: {  	s1 =	srdreg.scid  }
0x8b: {  	s0 =	sand.u32 $0x1, s1  }
0x8c: {  	s17 =	sshll.u32 s0, $0xA;
	s2 =	sadd.s32 s3, s2  }
0x8d: {  	s2 =	sadd.s32 s2, s17  }
0x8e: {  	[smem:$0x3FC2] =	sst s2  }
0x8f: {  	_ = 	snop  }
0x90: {  	s2 =	sld [smem:$0x3FD0];
	(tm) =	ssettm $0x1  }
0x91: {  	s18 =	sld [smem:$0x3FFB];
	_ =	sdelay $0x3  }
0x92: {  	_ =	strace s18  }
0x93: {  	s3 =	sld [smem:$0x3FFC];
	_ =	sdelay $0x3  }
0x94: {  	_ =	strace s3  }
0x95: {  	s3 =	sld [smem:$0x3FFD];
	_ =	sdelay $0x3  }
0x96: {  	_ =	strace s3  }
0x97: {  	_ =	strace $0x8FFFFFFF  }
0x98: {  	s19 =	sld [smem:$0x3FDB];
	_ =	sdelay $0x1  }
0x99: {  	s4 =	simm.s32 $_scs_section_size  }
0x9a: {  	s5 =	simm.s32 $_size__tile_overlayer_lowered;
	s6 =	simm.s32 $_tile_overlayer_lowered  }
0x9b: {  	s22 =	simm.s32 $0x1BFF;
	s21 =	sshll.u32 s6, $0x1;
	s3 =	sadd.s32 s4, s19  }
0x9c: {  	s7 =	simm.s32 $0x0;
	s20 =	sshll.u32 s5, $0x1;
	s5 =	sadd.s32 s21, s3  }
0x9d: {  	[timem:s7], [sflag:s22] =	dma.local [hbm:s5], s20  }
0x9e: {  	_ =	swait.ge [sflag:s22], s20  }
0x9f: {  	s4 =	ssub.s32 $0x0, s20;
	[sflag:s22] =	ssyncset.done $0x0  }
0xa0: {  	[sflag:s22] =	ssyncadd.s32 s4;
	_ =	sdelay $0x1  }
0xa1: {  	s23 =	simm.s32 $0x1B8B  }
0xa2: {  	_ =	swait.ge [sflag:s23], $0x1  }
0xa3: {  	[sflag:s23] =	ssyncset.done $0x0  }
0xa4: {  	s25 =	simm.s32 $0x1B8E;
	s24 =	sld [smem:$0x3FFE];
	[sflag:s23] =	ssyncadd.s32 $0xFFFFFFFF  }
0xa5: {  	s26 =	simm.s32 $execute0_lowered;
	[smem:$0x3FD2] =	sst s25  }
0xa6: {  	s5 =	sshll.u32 s26, $0x1;
	_ =	strace $0x8000004C;
	[dreg:$0x1] =	wrdreg $0xFFFFFFFF  }
0xa7: {  	s28 =	simm.s32 $_size_execute0_lowered;
	s3 =	sadd.s32 s3, s5;
	[dreg:$0x0] =	wrdreg $0x0  }
0xa8: {  	s5 =	sshll.u32 s28, $0x1;
	[dreg:$0x2] =	wrdreg s3  }
0xa9: {  	[dreg:$0x3] =	wrdreg s5  }
0xaa: {  	[dreg:$0x4] =	wrdreg $0xC0  }
0xab: {  	_ =	task [dreg:s7], $0x5FFFF  }
0xac: {  	[dreg:$0x1] =	wrdreg $0xFFFFFFFF  }
0xad: {  	[dreg:$0x0] =	wrdreg $0x60  }
0xae: {  	[dreg:$0x2] =	wrdreg s24  }
0xaf: {  	[dreg:$0x3] =	wrdreg s2  }
0xb0: {  	[dreg:$0x4] =	wrdreg $0x152000  }
0xb1: {  	[dreg:$0x5] =	wrdreg $0x9  }
0xb2: {  	_ =	task.clear_ibuf [dreg:s7], $0x6FFFF;
	_ =	strace $0x9000004C  }
0xb3: {  	s29 =	simm.s32 $0x9;
	_ =	strace $0x8000004E  }
0xb4: {  	_ =	swait.ge [sflag:s29], $0x1  }
0xb5: {  	[sflag:s29] =	ssyncadd.s32 $0xFFFFFFFF  }
0xb6: {  	_ =	strace $0x9000004E  }
0xb7: {  	_ =	sfence  }
0xb8: {  	s30 =	sld [smem:$0x0];
	_ =	sdelay $0x2  }
0xb9: {  	s31 =	sshll.u32 s1, $0xD;
	s1 =	sshrl.u32 s1, $0x2  }
0xba: {  	s3 =	sand.u32 $0x4000, s31;
	s1 =	sadd.s32 s1, s30  }
0xbb: {  	s0 =	sor.u32 s3, s0;
	s1 =	sshll.u32 s1, $0x11  }
0xbc: {  	s0 =	sor.u32 s1, s0  }
0xbd: {  	s0 =	sadd.s32 $0x8F2B, s0  }
0xbe: {  	[sflag:s0] =	ssyncadd.remote.s32 $0x1  }
0xbf: {  	_ =	sfence.sel $0xFFFF  }
0xc0: {  	[dreg:$0x0] =	wrdreg $0xFFFFFFFF;
	(pc) =	sbr.abs _section_cstart, $3  }
0xc1: {  	[dreg:$0x1] =	wrdreg $0xFFFFFFFF  }
0xc2: {  	_ =	task.clear_ibuf [dreg:s7], $0x2FFFF;
	_ =	strace $0x9FFFFFFF  }
0xc3: {  	(tm) =	ssettm $0x7FFFFFFF  }
tec
execute0_lowered:
.L_overlay_start_1:
0x0: {  	(tag) =	ssettag $0x1  }
0x1: {  	s0 =	rddreg [dreg:$0x0]  }
0x2: {  	s3 =	rddreg [dreg:$0x1]  }
0x3: {  	s1 =	rddreg [dreg:$0x2];
	s2 =	simm.s32 $0x0  }
0x4: {  	s4 =	srdreg.scid;
	s24 =	stileid.u32;
	s28 =	simm.s32 $0x1  }
0x5: {  	s29 =	simm.s32 $0x80;
	s30 =	simm.s32 $0xA000;
	s6 =	smul.u32 $0xA00, s24  }
0x6: {  	s31 =	simm.s32 $0xC000;
	[smem:$0x7FF] =	sst s2;
	s9 =	smul.u32 $0x3E800, s24  }
0x7: {  	s4 =	sand.u32 $0x1, s4;
	s18 =	smul.u32 $0xFA00, s24;
	p0 =	sgt.u32 s24, $0x9  }
0x8: {  	s24 =	simm.s32 $0x0;
	s5 =	smul.u32 $0x138C0, s4;
	s7 =	ssub.s32 $0x2, s4  }
0x9: {  	_ =	strace $0x8000004D;
	s4 =	smul.u32 $0x9C400, s4;
	s8 =	sshrl.u32 s7, $0x1  }
0xa: {  	s6 =	sadd.s32 s6, s0;
	s21 =	sshrl.u32 s9, $0x2;
	s15 =	sadd.s32 $0x3200, s18  }
0xb: {  	s25 =	sadd.s32 $0x6400, s18;
	s19 =	sadd.s32 $0x9600, s18;
	s5 =	sadd.s32 s5, s0  }
0xc: {  	s0 =	sadd.s32 $0x3CC00, s0;
	s20 =	sadd.s32 $0x1A00, s6;
	s6 =	sadd.s32 $0xBA00, s6  }
0xd: {  	s13 =	sadd.s32 s18, s4;
	s16 =	sadd.s32 s4, s15;
	[dreg:$0x4] =	wrdreg s0  }
0xe: {  	s15 =	sadd.s32 s15, s1;
	s17 =	sadd.s32 s25, s1;
	[dreg:$0x5] =	wrdreg s20  }
0xf: {  	s0 =	ssub.s32 s7, s8;
	[dreg:$0x6] =	wrdreg s6;
	s7 =	sadd.s32 s21, s1  }
0x10: {  	s12 =	sadd.s32 $0x15A00, s5;
	s22 =	sshrl.u32 s13, $0x3;
	s13 =	sadd.s32 s18, s1  }
0x11: {  	s23 =	sshrl.u32 s16, $0x3;
	s5 =	sadd.s32 s4, s25;
	s20 =	sadd.s32 s4, s19  }
0x12: {  	s21 =	sadd.s32 $0xC800, s18;
	s19 =	sadd.s32 s19, s1;
	s25 =	simm.s32 $0x10000  }
0x13: {  	s8 =	sadd.s32 $0x3200, s7;
	s9 =	sadd.s32 $0x6400, s7;
	s10 =	sadd.s32 $0x9600, s7  }
0x14: {  	s11 =	sadd.s32 $0xC800, s7;
	s14 =	sadd.s32 s3, s22;
	s16 =	sadd.s32 s3, s23  }
0x15: {  	s5 =	sshrl.u32 s5, $0x3;
	s26 =	sshrl.u32 s20, $0x3;
	s4 =	sadd.s32 s4, s21  }
0x16: {  	s21 =	sadd.s32 s21, s1;
	s23 =	smax.u32 s0, $0x1;
	s0 =	simm.s32 $0x2  }
0x17: {  	s18 =	sadd.s32 s3, s5;
	s20 =	sadd.s32 s3, s26;
	s4 =	sshrl.u32 s4, $0x3  }
0x18: {  	s26 =	simm.s32 $0x3;
	s22 =	sadd.s32 s3, s4;
	s3 =	simm.s32 $0xE000  }
.LBB2_1:
0x19: {  	s4 =	rddreg [dreg:$0x5]  }
0x1a: {  	[tilespmem:s2], [sflag:$0x1] =	stream.linear.gather [hbm4b:s4+s2], $0x5000, $0x38;
	[tilespmem:$0x1EE60] =	vst v63  }
0x1b: {  	s6 =	rddreg [dreg:$0x6];
	s5 =	simm.s32 $0x5000  }
0x1c: {  	[tilespmem:s5], [sflag:$0x1] =	stream.linear.gather [hbm4b:s6+s2], $0x5000, $0x38;
	[tilespmem:$0x1EE60] =	vst v63  }
0x1d: {  	s5 =	rddreg [dreg:$0x4];
	s6 =	simm.s32 $0x12000  }
0x1e: {  	[tilespmem:s6], [sflag:$0x3] =	stream.linear.gather [hbm4b:s5+s2], $0x3200, $0x38;
	[tilespmem:$0x1EE60] =	vst v63  }
0x1f: {  	_ =	swait.ge [sflag:s26], $0x3200  }
0x20: {  	[sflag:s26] =	ssyncset.done $0x0  }
0x21: {  	s4 =	simm.s32 @!p0 $0x12000;
	[sflag:s26] =	ssyncadd.s32 $0xFFFFCE00  }
0x22: {  	[spmem:s7] =	stream.linear.scatter @!p0 [tilespmem:s4], [sflag:$0x2], $0x3200, $0x38;
	[tilespmem:$0x1EE60] =	vst v63  }
0x23: {  	_ = 	snop  }
0x24: {  	[spmem:s8] =	stream.linear.scatter @!p0 [tilespmem:s4], [sflag:$0x2], $0x3200, $0x38;
	[tilespmem:$0x1EE60] =	vst v63  }
0x25: {  	_ = 	snop  }
0x26: {  	[spmem:s9] =	stream.linear.scatter @!p0 [tilespmem:s4], [sflag:$0x2], $0x3200, $0x38;
	[tilespmem:$0x1EE60] =	vst v63  }
0x27: {  	_ = 	snop  }
0x28: {  	[spmem:s10] =	stream.linear.scatter @!p0 [tilespmem:s4], [sflag:$0x2], $0x3200, $0x38;
	[tilespmem:$0x1EE60] =	vst v63  }
0x29: {  	_ = 	snop  }
0x2a: {  	[spmem:s11] =	stream.linear.scatter @!p0 [tilespmem:s4], [sflag:$0x2], $0x3200, $0x38;
	[tilespmem:$0x1EE60] =	vst v63  }
0x2b: {  	s4 =	simm.s32 @!p0 $0x2  }
0x2c: {  	_ =	swait.ge @!p0 [sflag:s4], $0x3200  }
0x2d: {  	[sflag:s4] =	ssyncset.done @!p0 $0x0  }
0x2e: {  	[sflag:s4] =	ssyncadd.s32 @!p0 $0xFFFFCE00  }
0x2f: {  	_ =	swait.ge @!p0 [sflag:s4], $0x3200  }
0x30: {  	[sflag:s4] =	ssyncset.done @!p0 $0x0  }
0x31: {  	[sflag:s4] =	ssyncadd.s32 @!p0 $0xFFFFCE00  }
0x32: {  	_ =	swait.ge @!p0 [sflag:s4], $0x3200  }
0x33: {  	[sflag:s4] =	ssyncset.done @!p0 $0x0  }
0x34: {  	[sflag:s4] =	ssyncadd.s32 @!p0 $0xFFFFCE00  }
0x35: {  	_ =	swait.ge @!p0 [sflag:s4], $0x3200  }
0x36: {  	[sflag:s4] =	ssyncset.done @!p0 $0x0  }
0x37: {  	[sflag:s4] =	ssyncadd.s32 @!p0 $0xFFFFCE00  }
0x38: {  	_ =	swait.ge @!p0 [sflag:s4], $0x3200  }
0x39: {  	[sflag:s4] =	ssyncset.done @!p0 $0x0  }
0x3a: {  	[sflag:s4] =	ssyncadd.s32 @!p0 $0xFFFFCE00  }
0x3b: {  	_ =	swait.ge [sflag:s28], $0x5000  }
0x3c: {  	[sflag:s28] =	ssyncset.done $0x0  }
0x3d: {  	[sflag:s28] =	ssyncadd.s32 $0xFFFFB000  }
0x3e: {  	_ =	swait.ge [sflag:s28], $0x5000  }
0x3f: {  	[sflag:s28] =	ssyncset.done $0x0  }
0x40: {  	[sflag:s28] =	ssyncadd.s32 $0xFFFFB000  }
0x41: {  	[bflag:$0x0] =	sbarrier.arrive $0xFFFF  }
0x42: {  	[tilespmem:s30], [sflag:$0x1] =	stream.indirect.gather [hbm4b:s12+s29], $0x40, s2, s29, $0xb8;
	[tilespmem:$0x1EE60] =	vst v63  }
0x43: {  	_ = 	snop  }
0x44: {  	[tilespmem:s31], [sflag:$0x1] =	stream.indirect.gather [hbm4b:s12+s29], $0x40, s29, s29, $0xb8;
	[tilespmem:$0x1EE60] =	vst v63  }
0x45: {  	s6 =	simm.s32 $0x100  }
0x46: {  	[tilespmem:s3], [sflag:$0x1] =	stream.indirect.gather [hbm4b:s12+s29], $0x40, s6, s29, $0xb8;
	[tilespmem:$0x1EE60] =	vst v63  }
0x47: {  	s5 =	simm.s32 $0x180  }
0x48: {  	[tilespmem:s25], [sflag:$0x1] =	stream.indirect.gather [hbm4b:s12+s29], $0x40, s5, s29, $0xb8;
	[tilespmem:$0x1EE60] =	vst v63  }
0x49: {  	_ =	swait.ge [sflag:s28], $0x2000  }
0x4a: {  	[sflag:s28] =	ssyncset.done $0x0  }
0x4b: {  	s6 =	simm.s32 $0x5000;
	[sflag:s28] =	ssyncadd.s32 $0xFFFFE000  }
0x4c: {  	[spmem:s1] =	stream.indirect.scatter.add.f32 [tilespmem:s30], [sflag:$0x2], $0x40, s6, s29, $0xb8;
	[tilespmem:$0x1EE60] =	vst v63  }
0x4d: {  	_ =	swait.ge [sflag:s28], $0x2000  }
0x4e: {  	[sflag:s28] =	ssyncset.done $0x0  }
0x4f: {  	s5 =	simm.s32 $0x5080;
	[sflag:s28] =	ssyncadd.s32 $0xFFFFE000  }
0x50: {  	[spmem:s1] =	stream.indirect.scatter.add.f32 [tilespmem:s31], [sflag:$0x2], $0x40, s5, s29, $0xb8;
	[tilespmem:$0x1EE60] =	vst v63  }
0x51: {  	_ =	swait.ge [sflag:s28], $0x2000  }
0x52: {  	[sflag:s28] =	ssyncset.done $0x0  }
0x53: {  	s6 =	simm.s32 $0x5100;
	[sflag:s28] =	ssyncadd.s32 $0xFFFFE000  }
0x54: {  	[spmem:s1] =	stream.indirect.scatter.add.f32 [tilespmem:s3], [sflag:$0x2], $0x40, s6, s29, $0xb8;
	[tilespmem:$0x1EE60] =	vst v63  }
0x55: {  	_ =	swait.ge [sflag:s28], $0x2000  }
0x56: {  	[sflag:s28] =	ssyncset.done $0x0  }
0x57: {  	s5 =	simm.s32 $0x5180;
	[sflag:s28] =	ssyncadd.s32 $0xFFFFE000  }
0x58: {  	[spmem:s1] =	stream.indirect.scatter.add.f32 [tilespmem:s25], [sflag:$0x2], $0x40, s5, s29, $0xb8;
	[tilespmem:$0x1EE60] =	vst v63  }
0x59: {  	_ =	swait.ge [sflag:s0], $0x2000  }
0x5a: {  	[sflag:s0] =	ssyncset.done $0x0  }
0x5b: {  	s6 =	simm.s32 $0x200;
	[sflag:s0] =	ssyncadd.s32 $0xFFFFE000  }
0x5c: {  	[tilespmem:s30], [sflag:$0x1] =	stream.indirect.gather [hbm4b:s12+s29], $0x40, s6, s29, $0xb8;
	[tilespmem:$0x1EE60] =	vst v63  }
0x5d: {  	_ =	swait.ge [sflag:s0], $0x2000  }
0x5e: {  	[sflag:s0] =	ssyncset.done $0x0  }
0x5f: {  	s5 =	simm.s32 $0x280;
	[sflag:s0] =	ssyncadd.s32 $0xFFFFE000  }
0x60: {  	[tilespmem:s31], [sflag:$0x1] =	stream.indirect.gather [hbm4b:s12+s29], $0x40, s5, s29, $0xb8;
	[tilespmem:$0x1EE60] =	vst v63  }
0x61: {  	_ =	swait.ge [sflag:s0], $0x2000  }
0x62: {  	[sflag:s0] =	ssyncset.done $0x0  }
0x63: {  	s6 =	simm.s32 $0x300;
	[sflag:s0] =	ssyncadd.s32 $0xFFFFE000  }
0x64: {  	[tilespmem:s3], [sflag:$0x1] =	stream.indirect.gather [hbm4b:s12+s29], $0x40, s6, s29, $0xb8;
	[tilespmem:$0x1EE60] =	vst v63  }
0x65: {  	_ =	swait.ge [sflag:s0], $0x2000  }
0x66: {  	[sflag:s0] =	ssyncset.done $0x0  }
0x67: {  	s4 =	simm.s32 $0x800;
	s5 =	simm.s32 $0x380;
	[sflag:s0] =	ssyncadd.s32 $0xFFFFE000  }
.LBB2_2:
0x68: {  	[tilespmem:s25], [sflag:$0x1] =	stream.indirect.gather [hbm4b:s12+s29], $0x40, s5, s29, $0xb8;
	[tilespmem:$0x1EE60] =	vst v63  }
0x69: {  	s5 =	smov.u32 s4  }
0x6a: {  	p1 =	sne.s32 s4, $0x13000;
	s4 =	sadd.s32 $0x800, s4;
	_ =	swait.ge [sflag:s28], $0x2000  }
0x6b: {  	s5 =	sshra.s32 s5, $0x2;
	[sflag:s28] =	ssyncset.done $0x0  }
0x6c: {  	s6 =	sadd.s32 $0x5000, s5;
	[sflag:s28] =	ssyncadd.s32 $0xFFFFE000  }
0x6d: {  	[spmem:s1] =	stream.indirect.scatter.add.f32 [tilespmem:s30], [sflag:$0x2], $0x40, s6, s29, $0xb8;
	[tilespmem:$0x1EE60] =	vst v63  }
0x6e: {  	_ =	swait.ge [sflag:s28], $0x2000  }
0x6f: {  	[sflag:s28] =	ssyncset.done $0x0  }
0x70: {  	s6 =	sadd.s32 $0x5080, s5;
	[sflag:s28] =	ssyncadd.s32 $0xFFFFE000  }
0x71: {  	[spmem:s1] =	stream.indirect.scatter.add.f32 [tilespmem:s31], [sflag:$0x2], $0x40, s6, s29, $0xb8;
	[tilespmem:$0x1EE60] =	vst v63  }
0x72: {  	_ =	swait.ge [sflag:s28], $0x2000  }
0x73: {  	[sflag:s28] =	ssyncset.done $0x0  }
0x74: {  	s6 =	sadd.s32 $0x5100, s5;
	[sflag:s28] =	ssyncadd.s32 $0xFFFFE000  }
0x75: {  	[spmem:s1] =	stream.indirect.scatter.add.f32 [tilespmem:s3], [sflag:$0x2], $0x40, s6, s29, $0xb8;
	[tilespmem:$0x1EE60] =	vst v63  }
0x76: {  	_ =	swait.ge [sflag:s28], $0x2000  }
0x77: {  	[sflag:s28] =	ssyncset.done $0x0  }
0x78: {  	s6 =	sadd.s32 $0x5180, s5;
	[sflag:s28] =	ssyncadd.s32 $0xFFFFE000  }
0x79: {  	[spmem:s1] =	stream.indirect.scatter.add.f32 [tilespmem:s25], [sflag:$0x2], $0x40, s6, s29, $0xb8;
	[tilespmem:$0x1EE60] =	vst v63  }
0x7a: {  	_ =	swait.ge [sflag:s0], $0x2000  }
0x7b: {  	[sflag:s0] =	ssyncset.done $0x0  }
0x7c: {  	s6 =	sadd.s32 $0x200, s5;
	[sflag:s0] =	ssyncadd.s32 $0xFFFFE000  }
0x7d: {  	[tilespmem:s30], [sflag:$0x1] =	stream.indirect.gather [hbm4b:s12+s29], $0x40, s6, s29, $0xb8;
	[tilespmem:$0x1EE60] =	vst v63  }
0x7e: {  	_ =	swait.ge [sflag:s0], $0x2000  }
0x7f: {  	[sflag:s0] =	ssyncset.done $0x0  }
0x80: {  	s6 =	sadd.s32 $0x280, s5;
	[sflag:s0] =	ssyncadd.s32 $0xFFFFE000  }
0x81: {  	[tilespmem:s31], [sflag:$0x1] =	stream.indirect.gather [hbm4b:s12+s29], $0x40, s6, s29, $0xb8;
	[tilespmem:$0x1EE60] =	vst v63  }
0x82: {  	_ =	swait.ge [sflag:s0], $0x2000  }
0x83: {  	[sflag:s0] =	ssyncset.done $0x0  }
.Ltmp0:
0x84: {  	s6 =	sadd.s32 $0x300, s5;
	[sflag:s0] =	ssyncadd.s32 $0xFFFFE000;
	(pc) =	sbr.rel @p1 .LBB2_2-.Ltmp0, $4  }
0x85: {  	[tilespmem:s3], [sflag:$0x1] =	stream.indirect.gather [hbm4b:s12+s29], $0x40, s6, s29, $0xb8;
	[tilespmem:$0x1EE60] =	vst v63  }
0x86: {  	_ =	swait.ge [sflag:s0], $0x2000  }
0x87: {  	[sflag:s0] =	ssyncset.done $0x0  }
0x88: {  	s5 =	sadd.s32 $0x380, s5;
	[sflag:s0] =	ssyncadd.s32 $0xFFFFE000  }
0x89: {  	[tilespmem:s25], [sflag:$0x1] =	stream.indirect.gather [hbm4b:s12+s29], $0x40, s5, s29, $0xb8;
	[tilespmem:$0x1EE60] =	vst v63  }
0x8a: {  	_ =	swait.ge [sflag:s28], $0x2000  }
0x8b: {  	[sflag:s28] =	ssyncset.done $0x0  }
0x8c: {  	s4 =	simm.s32 $0x9E00;
	[sflag:s28] =	ssyncadd.s32 $0xFFFFE000  }
0x8d: {  	[spmem:s1] =	stream.indirect.scatter.add.f32 [tilespmem:s30], [sflag:$0x2], $0x40, s4, s29, $0xb8;
	[tilespmem:$0x1EE60] =	vst v63  }
0x8e: {  	_ =	swait.ge [sflag:s28], $0x2000  }
0x8f: {  	[sflag:s28] =	ssyncset.done $0x0  }
0x90: {  	s6 =	simm.s32 $0x9E80;
	[sflag:s28] =	ssyncadd.s32 $0xFFFFE000  }
0x91: {  	[spmem:s1] =	stream.indirect.scatter.add.f32 [tilespmem:s31], [sflag:$0x2], $0x40, s6, s29, $0xb8;
	[tilespmem:$0x1EE60] =	vst v63  }
0x92: {  	_ =	swait.ge [sflag:s28], $0x2000  }
0x93: {  	[sflag:s28] =	ssyncset.done $0x0  }
0x94: {  	s5 =	simm.s32 $0x9F00;
	[sflag:s28] =	ssyncadd.s32 $0xFFFFE000  }
0x95: {  	[spmem:s1] =	stream.indirect.scatter.add.f32 [tilespmem:s3], [sflag:$0x2], $0x40, s5, s29, $0xb8;
	[tilespmem:$0x1EE60] =	vst v63  }
0x96: {  	_ =	swait.ge [sflag:s28], $0x2000  }
0x97: {  	[sflag:s28] =	ssyncset.done $0x0  }
0x98: {  	s6 =	simm.s32 $0x9F80;
	[sflag:s28] =	ssyncadd.s32 $0xFFFFE000  }
0x99: {  	[spmem:s1] =	stream.indirect.scatter.add.f32 [tilespmem:s25], [sflag:$0x2], $0x40, s6, s29, $0xb8;
	[tilespmem:$0x1EE60] =	vst v63  }
0x9a: {  	_ =	swait.ge [sflag:s0], $0x2000  }
0x9b: {  	[sflag:s0] =	ssyncset.done $0x0  }
0x9c: {  	[sflag:s0] =	ssyncadd.s32 $0xFFFFE000  }
0x9d: {  	_ =	swait.ge [sflag:s0], $0x2000  }
0x9e: {  	[sflag:s0] =	ssyncset.done $0x0  }
0x9f: {  	[sflag:s0] =	ssyncadd.s32 $0xFFFFE000  }
0xa0: {  	_ =	swait.ge [sflag:s0], $0x2000  }
0xa1: {  	[sflag:s0] =	ssyncset.done $0x0  }
0xa2: {  	[sflag:s0] =	ssyncadd.s32 $0xFFFFE000  }
0xa3: {  	_ =	swait.ge [sflag:s0], $0x2000  }
0xa4: {  	[sflag:s0] =	ssyncset.done $0x0  }
0xa5: {  	[sflag:s0] =	ssyncadd.s32 $0xFFFFE000  }
0xa6: {  	s4 =	simm.s32 @!p0 $0x12000;
	s5 =	simm.s32 @!p0 $0x3;
	[bflag:$0x0] =	sbarrier.arrive $0xFFFF  }
0xa7: {  	[tilespmem:s4], [sflag:$0x3] =	stream.linear.gather @!p0 [spmem:s13], $0x3200, $0x38;
	[tilespmem:$0x1EE60] =	vst v63  }
0xa8: {  	_ =	swait.ge @!p0 [sflag:s5], $0x3200  }
0xa9: {  	[sflag:s5] =	ssyncset.done @!p0 $0x0  }
0xaa: {  	s6 =	simm.s32 @!p0 $0x0;
	[sflag:s5] =	ssyncadd.s32 @!p0 $0xFFFFCE00  }
0xab: {  	[hbm4b:s14+s6] =	stream.linear.scatter @!p0 [tilespmem:s4], [sflag:$0x3], $0x3200, $0x38;
	[tilespmem:$0x1EE60] =	vst v63  }
0xac: {  	_ =	swait.ge @!p0 [sflag:s5], $0x3200  }
0xad: {  	[sflag:s5] =	ssyncset.done @!p0 $0x0  }
0xae: {  	[sflag:s5] =	ssyncadd.s32 @!p0 $0xFFFFCE00  }
0xaf: {  	[tilespmem:s4], [sflag:$0x3] =	stream.linear.gather @!p0 [spmem:s15], $0x3200, $0x38;
	[tilespmem:$0x1EE60] =	vst v63  }
0xb0: {  	_ =	swait.ge @!p0 [sflag:s5], $0x3200  }
0xb1: {  	[sflag:s5] =	ssyncset.done @!p0 $0x0  }
0xb2: {  	[sflag:s5] =	ssyncadd.s32 @!p0 $0xFFFFCE00  }
0xb3: {  	[hbm4b:s16+s6] =	stream.linear.scatter @!p0 [tilespmem:s4], [sflag:$0x3], $0x3200, $0x38;
	[tilespmem:$0x1EE60] =	vst v63  }
0xb4: {  	_ =	swait.ge @!p0 [sflag:s5], $0x3200  }
0xb5: {  	[sflag:s5] =	ssyncset.done @!p0 $0x0  }
0xb6: {  	[sflag:s5] =	ssyncadd.s32 @!p0 $0xFFFFCE00  }
0xb7: {  	[tilespmem:s4], [sflag:$0x3] =	stream.linear.gather @!p0 [spmem:s17], $0x3200, $0x38;
	[tilespmem:$0x1EE60] =	vst v63  }
0xb8: {  	_ =	swait.ge @!p0 [sflag:s5], $0x3200  }
0xb9: {  	[sflag:s5] =	ssyncset.done @!p0 $0x0  }
0xba: {  	[sflag:s5] =	ssyncadd.s32 @!p0 $0xFFFFCE00  }
0xbb: {  	[hbm4b:s18+s6] =	stream.linear.scatter @!p0 [tilespmem:s4], [sflag:$0x3], $0x3200, $0x38;
	[tilespmem:$0x1EE60] =	vst v63  }
0xbc: {  	_ =	swait.ge @!p0 [sflag:s5], $0x3200  }
0xbd: {  	[sflag:s5] =	ssyncset.done @!p0 $0x0  }
0xbe: {  	[sflag:s5] =	ssyncadd.s32 @!p0 $0xFFFFCE00  }
0xbf: {  	[tilespmem:s4], [sflag:$0x3] =	stream.linear.gather @!p0 [spmem:s19], $0x3200, $0x38;
	[tilespmem:$0x1EE60] =	vst v63  }
0xc0: {  	_ =	swait.ge @!p0 [sflag:s5], $0x3200  }
0xc1: {  	[sflag:s5] =	ssyncset.done @!p0 $0x0  }
0xc2: {  	[sflag:s5] =	ssyncadd.s32 @!p0 $0xFFFFCE00  }
0xc3: {  	[hbm4b:s20+s6] =	stream.linear.scatter @!p0 [tilespmem:s4], [sflag:$0x3], $0x3200, $0x38;
	[tilespmem:$0x1EE60] =	vst v63  }
0xc4: {  	_ =	swait.ge @!p0 [sflag:s5], $0x3200  }
0xc5: {  	[sflag:s5] =	ssyncset.done @!p0 $0x0  }
0xc6: {  	[sflag:s5] =	ssyncadd.s32 @!p0 $0xFFFFCE00  }
0xc7: {  	[tilespmem:s4], [sflag:$0x3] =	stream.linear.gather @!p0 [spmem:s21], $0x3200, $0x38;
	[tilespmem:$0x1EE60] =	vst v63  }
0xc8: {  	s24 =	sadd.s32 $0x1, s24;
	_ =	swait.ge @!p0 [sflag:s5], $0x3200  }
0xc9: {  	p1 =	sne.s32 s24, s23;
	[sflag:s5] =	ssyncset.done @!p0 $0x0  }
.Ltmp1:
0xca: {  	[sflag:s5] =	ssyncadd.s32 @!p0 $0xFFFFCE00;
	(pc) =	sbr.rel @p1 .LBB2_1-.Ltmp1, $4  }
0xcb: {  	[hbm4b:s22+s6] =	stream.linear.scatter @!p0 [tilespmem:s4], [sflag:$0x3], $0x3200, $0x38;
	[tilespmem:$0x1EE60] =	vst v63  }
0xcc: {  	_ =	swait.ge @!p0 [sflag:s5], $0x3200  }
0xcd: {  	[sflag:s5] =	ssyncset.done @!p0 $0x0  }
0xce: {  	[sflag:s5] =	ssyncadd.s32 @!p0 $0xFFFFCE00  }
0xcf: {  	_ =	sfence.sel $0x180000  }
0xd0: {  	[bflag:$0x0] =	sbarrier.arrive $0xFFFF  }
0xd1: {  	_ =	strace $0x9000004D  }
0xd2: {  	s0 =	stileid.u32;
	[bflag:$0x2] =	sbarrier.arrive $0xFFFF  }
0xd3: {  	p0 =	sne.s32 s0, $0x0;
	s0 =	rddreg [dreg:$0x3]  }
0xd4: {  	s0 =	sadd.s32 @!p0 $0x100000, s0  }
0xd5: {  	[sflag:s0] =	ssyncadd.tile.s32 @!p0 $0x1;
	_ =	shalt  }
.Lfunc_end2:
_tile_overlayer_lowered:
.L_overlay_start_2:
0xd6: {  	(tag) =	ssettag $0x2  }
0xd7: {  	s0 =	rddreg [dreg:$0x0];
	s2 =	stileid.u32  }
0xd8: {  	s1 =	rddreg [dreg:$0x1];
	p0 =	sne.s32 s2, $0x0  }
0xd9: {  	s3 =	rddreg [dreg:$0x2];
	[bflag:$0x3] =	sbarrier.arrive $0xFFFF;
	s2 =	simm.s32 @!p0 $0x1C03  }
0xda: {  	[timem:s3], [sflag:s2] =	dma.local @!p0 [hbm:s0], s1  }
0xdb: {  	s0 =	simm.s32 @!p0 $0x3  }
0xdc: {  	_ =	swait.ge @!p0 [sflag:s0], s1  }
0xdd: {  	s1 =	ssub.s32 @!p0 $0x0, s1;
	[sflag:s0] =	ssyncset.done @!p0 $0x0  }
0xde: {  	[sflag:s0] =	ssyncadd.s32 @!p0 s1  }
0xdf: {  	[bflag:$0x3] =	sbarrier.arrive $0xFFFF  }
0xe0: {  	_ =	shalt  }

// kernel: kernel.8.cloned.1.call-start
scs
__scs_entry_jumppad:
0x0: {  	(pc) =	sbr.rel $0x88, $3  }
0x1: {  	(tag) =	ssettag $0x0;
	lr =	simm.s32 $0x1  }
0x2: {  	[smem:$0x3F9B] =	sst lr;
	_ =	strace $0xD0000000  }
0x3: {  	_ = 	snop  }
0x4: {  	_ = 	snop  }
0x5: {  	_ = 	snop  }
0x6: {  	_ = 	snop  }
0x7: {  	_ = 	snop  }
__scs_overlays_trampoline_lowered:
0x8: {  	[smem:$0x3FAA] =	sst s0  }
0x9: {  	[smem:$0x3FAB] =	sst s1  }
0xa: {  	[smem:$0x3FAC] =	sst s2  }
0xb: {  	[smem:$0x3FAD] =	sst s3  }
0xc: {  	[smem:$0x3FAE] =	sst s4  }
0xd: {  	[smem:$0x3FAF] =	sst s5  }
0xe: {  	[smem:$0x3FB0] =	sst s6  }
0xf: {  	[smem:$0x3FB1] =	sst s7  }
0x10: {  	[smem:$0x3FB2] =	sst s8  }
0x11: {  	[smem:$0x3FB3] =	sst s9;
	s0 =	simm.s32 @!p0 $0x0  }
0x12: {  	s1 =	sld [smem:$0x3F99];
	s0 =	simm.s32 @p0 $0x1  }
0x13: {  	[smem:$0x3FB4] =	sst s0;
	s0 =	simm.s32 @!p1 $0x0  }
0x14: {  	s2 =	sld [smem:$0x3F98];
	s0 =	simm.s32 @p1 $0x1  }
0x15: {  	[smem:$0x3FB5] =	sst s0;
	s0 =	simm.s32 @!p2 $0x0  }
0x16: {  	s3 =	sld [smem:$0x3FDB];
	s0 =	simm.s32 @p2 $0x1  }
0x17: {  	s4 =	simm.s32 $0x1BF5;
	[smem:$0x3FB7] =	sst s0  }
0x18: {  	s0 =	sld [smem:$0x3F9A];
	_ =	swait.ge [sflag:s4], $0x0  }
0x19: {  	s7 =	sld [smem:$0x3F9B]  }
0x1a: {  	s8 =	sadd.s32 $0xFFFFE003, lr  }
0x1b: {  	s9 =	sadd.s32 $0xFFFFFEF7, lr;
	s5 =	simm.s32 $0xFFFFFFFF;
	p2 =	slt.u32 s8, $0xFFFFF086  }
0x1c: {  	p1 =	slt.u32 s9, $0xF7A;
	s5 =	simm.s32 @!p2 $0x0  }
0x1d: {  	s5 =	simm.s32 @p1 $0x1;
	p0 =	seq.s32 s7, s2  }
0x1e: {  	s7 =	smul.u32 @!p0 $0xF7A, s2;
	p2 =	seq.s32 @!p0 s5, $0x0  }
0x1f: {  	s9 =	smul.u32 $0xF7A, s1;
	s8 =	simm.s32 @!p0 $0x1BF5;
	p2 =	por !p2, p0  }
0x20: {  	[sflag:s8] =	ssyncset.s32 @!p0 $0xFFFFF086;
	s6 =	sadd.s32 @!p0 s3, s7;
	s7 =	simm.s32 @!p0 $0x108  }
0x21: {  	s3 =	sadd.s32 s3, s9;
	s6 =	sadd.s32 @!p0 $0x88, s6;
	s7 =	simm.s32 @p2 $0x1082  }
0x22: {  	[simem:s7], [sflag:s8] =	dma.local @!p0 [hbm:s6], $0xF7A  }
0x23: {  	s9 =	sor.u32 $0xD0000000, s2;
	s6 =	simm.s32 $0x108;
	_ =	swait.ge @!p0 [sflag:s8], $0x0  }
0x24: {  	s3 =	sadd.s32 $0x88, s3;
	s6 =	simm.s32 @!p1 $0x1082;
	[sflag:s4] =	ssyncset.s32 $0xFFFFF086  }
0x25: {  	[simem:s6], [sflag:s4] =	dma.local [hbm:s3], $0xF7A  }
0x26: {  	[smem:$0x3F9B] =	sst s1;
	(tag) =	ssettag s2;
	_ =	strace s9  }
0x27: {  	s1 =	sld [smem:$0x3FAB]  }
0x28: {  	s2 =	sld [smem:$0x3FAC]  }
0x29: {  	s4 =	sld [smem:$0x3FAE]  }
0x2a: {  	p0 =	seq.s32 s5, $0x0;
	s5 =	sld [smem:$0x3FAF]  }
0x2b: {  	s6 =	sld [smem:$0x3FB0]  }
0x2c: {  	s7 =	sld [smem:$0x3FB1]  }
0x2d: {  	s3 =	simm.s32 $0x108;
	s8 =	sld [smem:$0x3FB2]  }
0x2e: {  	s3 =	simm.s32 @!p0 $0x1082;
	s9 =	sld [smem:$0x3FB3]  }
0x2f: {  	lr =	sadd.s32 s0, s3;
	s0 =	sld [smem:$0x3FAA]  }
0x30: {  	s3 =	sld [smem:$0x3FAD]  }
0x31: {  	[smem:$0x3FB6] =	sst s10  }
0x32: {  	s10 =	sld [smem:$0x3FB4];
	_ =	sdelay $0x3  }
0x33: {  	p0 =	seq.s32 s10, $0x1;
	s10 =	sld [smem:$0x3FB6];
	_ =	sdelay $0x3  }
0x34: {  	[smem:$0x3FB6] =	sst s10  }
0x35: {  	s10 =	sld [smem:$0x3FB5];
	_ =	sdelay $0x3  }
0x36: {  	p1 =	seq.s32 s10, $0x1;
	s10 =	sld [smem:$0x3FB6];
	_ =	sdelay $0x3  }
0x37: {  	[smem:$0x3FB6] =	sst s10  }
0x38: {  	s10 =	sld [smem:$0x3FB7]  }
0x39: {  	_ = 	snop;
	(pc) =	sbr.ind lr, $3  }
0x3a: {  	_ = 	snop  }
0x3b: {  	_ = 	snop  }
0x3c: {  	p2 =	seq.s32 s10, $0x1;
	s10 =	sld [smem:$0x3FB6]  }
0x3d: {  	_ =	shalt  }
0x3e: {  	_ =	shalt  }
0x3f: {  	_ =	shalt  }
0x40: {  	_ =	shalt  }
0x41: {  	_ =	shalt  }
0x42: {  	_ =	shalt  }
0x43: {  	_ =	shalt  }
0x44: {  	_ =	shalt  }
0x45: {  	_ =	shalt  }
0x46: {  	_ =	shalt  }
0x47: {  	_ =	shalt  }
0x48: {  	_ =	shalt  }
0x49: {  	_ =	shalt  }
0x4a: {  	_ =	shalt  }
0x4b: {  	_ =	shalt  }
0x4c: {  	_ =	shalt  }
0x4d: {  	_ =	shalt  }
0x4e: {  	_ =	shalt  }
0x4f: {  	_ =	shalt  }
0x50: {  	_ =	shalt  }
0x51: {  	_ =	shalt  }
0x52: {  	_ =	shalt  }
0x53: {  	_ =	shalt  }
0x54: {  	_ =	shalt  }
0x55: {  	_ =	shalt  }
0x56: {  	_ =	shalt  }
0x57: {  	_ =	shalt  }
0x58: {  	_ =	shalt  }
0x59: {  	_ =	shalt  }
0x5a: {  	_ =	shalt  }
0x5b: {  	_ =	shalt  }
0x5c: {  	_ =	shalt  }
0x5d: {  	_ =	shalt  }
0x5e: {  	_ =	shalt  }
0x5f: {  	_ =	shalt  }
0x60: {  	_ =	shalt  }
0x61: {  	_ =	shalt  }
0x62: {  	_ =	shalt  }
0x63: {  	_ =	shalt  }
0x64: {  	_ =	shalt  }
0x65: {  	_ =	shalt  }
0x66: {  	_ =	shalt  }
0x67: {  	_ =	shalt  }
0x68: {  	_ =	shalt  }
0x69: {  	_ =	shalt  }
0x6a: {  	_ =	shalt  }
0x6b: {  	_ =	shalt  }
0x6c: {  	_ =	shalt  }
0x6d: {  	_ =	shalt  }
0x6e: {  	_ =	shalt  }
0x6f: {  	_ =	shalt  }
0x70: {  	_ =	shalt  }
0x71: {  	_ =	shalt  }
0x72: {  	_ =	shalt  }
0x73: {  	_ =	shalt  }
0x74: {  	_ =	shalt  }
0x75: {  	_ =	shalt  }
0x76: {  	_ =	shalt  }
0x77: {  	_ =	shalt  }
0x78: {  	_ =	shalt  }
0x79: {  	_ =	shalt  }
0x7a: {  	_ =	shalt  }
0x7b: {  	_ =	shalt  }
0x7c: {  	_ =	shalt  }
0x7d: {  	_ =	shalt  }
0x7e: {  	_ =	shalt  }
0x7f: {  	_ =	shalt  }
0x80: {  	_ =	shalt  }
0x81: {  	_ =	shalt  }
0x82: {  	_ =	shalt  }
0x83: {  	_ =	shalt  }
0x84: {  	_ =	shalt  }
0x85: {  	_ =	shalt  }
0x86: {  	_ =	shalt  }
0x87: {  	_ =	shalt  }
.Lfunc_end0:
.L_simem_size_0:
called_computation_lowered:
.L_overlay_start_0:
0x88: {  	s2 =	sld [smem:$0x3FD9]  }
0x89: {  	s3 =	sld [smem:$0x3FFE];
	_ =	sdelay $0x1  }
0x8a: {  	s1 =	srdreg.scid  }
0x8b: {  	s0 =	sand.u32 $0x1, s1  }
0x8c: {  	s17 =	sshll.u32 s0, $0xA;
	s2 =	sadd.s32 s3, s2  }
0x8d: {  	s2 =	sadd.s32 s2, s17  }
0x8e: {  	[smem:$0x3FC2] =	sst s2  }
0x8f: {  	_ = 	snop  }
0x90: {  	s2 =	sld [smem:$0x3FD0];
	(tm) =	ssettm $0x1  }
0x91: {  	s18 =	sld [smem:$0x3FFB];
	_ =	sdelay $0x3  }
0x92: {  	_ =	strace s18  }
0x93: {  	s3 =	sld [smem:$0x3FFC];
	_ =	sdelay $0x3  }
0x94: {  	_ =	strace s3  }
0x95: {  	s3 =	sld [smem:$0x3FFD];
	_ =	sdelay $0x3  }
0x96: {  	_ =	strace s3  }
0x97: {  	_ =	strace $0x8FFFFFFF  }
0x98: {  	s19 =	sld [smem:$0x3FDB];
	_ =	sdelay $0x1  }
0x99: {  	s4 =	simm.s32 $_scs_section_size  }
0x9a: {  	s5 =	simm.s32 $_size__tile_overlayer_lowered;
	s6 =	simm.s32 $_tile_overlayer_lowered  }
0x9b: {  	s22 =	simm.s32 $0x1BFF;
	s21 =	sshll.u32 s6, $0x1;
	s3 =	sadd.s32 s4, s19  }
0x9c: {  	s7 =	simm.s32 $0x0;
	s20 =	sshll.u32 s5, $0x1;
	s5 =	sadd.s32 s21, s3  }
0x9d: {  	[timem:s7], [sflag:s22] =	dma.local [hbm:s5], s20  }
0x9e: {  	_ =	swait.ge [sflag:s22], s20  }
0x9f: {  	s4 =	ssub.s32 $0x0, s20;
	[sflag:s22] =	ssyncset.done $0x0  }
0xa0: {  	[sflag:s22] =	ssyncadd.s32 s4;
	_ =	sdelay $0x1  }
0xa1: {  	s23 =	simm.s32 $0x1B8B  }
0xa2: {  	_ =	swait.ge [sflag:s23], $0x1  }
0xa3: {  	[sflag:s23] =	ssyncset.done $0x0  }
0xa4: {  	s25 =	simm.s32 $0x1B8E;
	s24 =	sld [smem:$0x3FFE];
	[sflag:s23] =	ssyncadd.s32 $0xFFFFFFFF  }
0xa5: {  	s26 =	simm.s32 $execute0_lowered;
	[smem:$0x3FD2] =	sst s25  }
0xa6: {  	s5 =	sshll.u32 s26, $0x1;
	_ =	strace $0x80000046;
	[dreg:$0x1] =	wrdreg $0xFFFFFFFF  }
0xa7: {  	s28 =	simm.s32 $_size_execute0_lowered;
	s3 =	sadd.s32 s3, s5;
	[dreg:$0x0] =	wrdreg $0x0  }
0xa8: {  	s5 =	sshll.u32 s28, $0x1;
	[dreg:$0x2] =	wrdreg s3  }
0xa9: {  	[dreg:$0x3] =	wrdreg s5  }
0xaa: {  	[dreg:$0x4] =	wrdreg $0xC0  }
0xab: {  	_ =	task [dreg:s7], $0x5FFFF  }
0xac: {  	[dreg:$0x1] =	wrdreg $0xFFFFFFFF  }
0xad: {  	[dreg:$0x0] =	wrdreg $0x60  }
0xae: {  	[dreg:$0x2] =	wrdreg s2  }
0xaf: {  	[dreg:$0x3] =	wrdreg s24  }
0xb0: {  	[dreg:$0x4] =	wrdreg $0x54800  }
0xb1: {  	[dreg:$0x5] =	wrdreg $0x9  }
0xb2: {  	_ =	task.clear_ibuf [dreg:s7], $0x6FFFF;
	_ =	strace $0x90000046  }
0xb3: {  	s29 =	simm.s32 $0x9;
	_ =	strace $0x80000048  }
0xb4: {  	_ =	swait.ge [sflag:s29], $0x1  }
0xb5: {  	[sflag:s29] =	ssyncadd.s32 $0xFFFFFFFF  }
0xb6: {  	_ =	strace $0x90000048  }
0xb7: {  	_ =	sfence  }
0xb8: {  	s30 =	sld [smem:$0x0];
	_ =	sdelay $0x2  }
0xb9: {  	s31 =	sshll.u32 s1, $0xD;
	s1 =	sshrl.u32 s1, $0x2  }
0xba: {  	s3 =	sand.u32 $0x4000, s31;
	s1 =	sadd.s32 s1, s30  }
0xbb: {  	s0 =	sor.u32 s3, s0;
	s1 =	sshll.u32 s1, $0x11  }
0xbc: {  	s0 =	sor.u32 s1, s0  }
0xbd: {  	s0 =	sadd.s32 $0x8F2B, s0  }
0xbe: {  	[sflag:s0] =	ssyncadd.remote.s32 $0x1  }
0xbf: {  	_ =	sfence.sel $0xFFFF  }
0xc0: {  	[dreg:$0x0] =	wrdreg $0xFFFFFFFF;
	(pc) =	sbr.abs _section_cstart, $3  }
0xc1: {  	[dreg:$0x1] =	wrdreg $0xFFFFFFFF  }
0xc2: {  	_ =	task.clear_ibuf [dreg:s7], $0x2FFFF;
	_ =	strace $0x9FFFFFFF  }
0xc3: {  	(tm) =	ssettm $0x7FFFFFFF  }
tec
execute0_lowered:
.L_overlay_start_1:
0x0: {  	(tag) =	ssettag $0x1  }
0x1: {  	s7 =	rddreg [dreg:$0x0]  }
0x2: {  	s6 =	rddreg [dreg:$0x1]  }
0x3: {  	s2 =	rddreg [dreg:$0x2]  }
0x4: {  	s0 =	rddreg [dreg:$0x3]  }
0x5: {  	s4 =	srdreg.scid;
	s1 =	stileid.u32;
	s3 =	simm.s32 $0x0  }
0x6: {  	s14 =	simm.s32 $0x80;
	s15 =	simm.s32 $0x0;
	s9 =	smul.u32 $0x3E8, s1  }
0x7: {  	s8 =	sand.u32 $0x1, s4;
	[smem:$0x7FF] =	sst s3;
	s12 =	smul.u32 $0x5000, s1  }
0x8: {  	s4 =	sadd.s32 $0x15A00, s6;
	s13 =	smul.u32 $0xFA0, s1;
	p0 =	sgt.u32 s1, $0x9  }
0x9: {  	s5 =	smul.u32 $0x2710, s8;
	_ =	strace $0x80000047;
	s28 =	ssub.s32 $0x2, s8  }
0xa: {  	s10 =	smul.u32 $0x50000, s8;
	s30 =	sshrl.u32 s28, $0x1;
	s31 =	sshrl.u32 s13, $0x2  }
0xb: {  	s13 =	simm.s32 $0x5080;
	s11 =	sadd.s32 s9, s5;
	s5 =	sadd.s32 $0x15C00, s6  }
0xc: {  	s29 =	sadd.s32 s12, s10;
	s10 =	ssub.s32 s28, s30;
	s12 =	simm.s32 $0x1  }
0xd: {  	s11 =	sshrl.u32 s11, $0x3;
	s8 =	sshrl.u32 s29, $0x3;
	s10 =	smax.u32 s10, $0x1  }
0xe: {  	s11 =	sadd.s32 s11, s6;
	s6 =	sadd.s32 s31, s2;
	s7 =	sadd.s32 s7, s8  }
0xf: {  	s8 =	sadd.s32 s9, s2;
	s9 =	sadd.s32 $0x15E00, s11;
	s11 =	simm.s32 $0x5000  }
.LBB2_1:
0x10: {  	[tilespmem:s11], [sflag:$0x1] =	stream.linear.gather [hbm4b:s4+s3], $0x80, $0x38;
	[tilespmem:$0x56F8] =	vst v63  }
0x11: {  	_ =	swait.ge [sflag:s12], $0x80  }
0x12: {  	[sflag:s12] =	ssyncset.done $0x0  }
0x13: {  	[sflag:s12] =	ssyncadd.s32 $0xFFFFFF80  }
0x14: {  	[tilespmem:s13], [sflag:$0x1] =	stream.linear.gather [hbm4b:s5+s3], $0x400, $0x38;
	[tilespmem:$0x56F8] =	vst v63  }
0x15: {  	_ =	swait.ge [sflag:s12], $0x400  }
0x16: {  	[sflag:s12] =	ssyncset.done $0x0  }
0x17: {  	s16 =	simm.s32 @!p0 $0x5080;
	[sflag:s12] =	ssyncadd.s32 $0xFFFFFC00  }
0x18: {  	[spmem:s6] =	stream.linear.scatter @!p0 [tilespmem:s16], [sflag:$0x1], $0x3E8, $0x38;
	[tilespmem:$0x56F8] =	vst v63  }
0x19: {  	s16 =	simm.s32 @!p0 $0x1  }
0x1a: {  	_ =	swait.ge @!p0 [sflag:s16], $0x3E8  }
0x1b: {  	[sflag:s16] =	ssyncset.done @!p0 $0x0  }
0x1c: {  	[sflag:s16] =	ssyncadd.s32 @!p0 $0xFFFFFC18  }
0x1d: {  	[bflag:$0x0] =	sbarrier.arrive $0xFFFF  }
0x1e: {  	[tilespmem:s3], [sflag:$0x1] =	stream.linear.gather [hbm4b:s7+s3], $0x5000, $0x38;
	[tilespmem:$0x56F8] =	vst v63  }
0x1f: {  	_ =	swait.ge [sflag:s12], $0x5000  }
0x20: {  	[sflag:s12] =	ssyncset.done $0x0  }
0x21: {  	s31 =	simm.s32 $0x0;
	[sflag:s12] =	ssyncadd.s32 $0xFFFFB000  }
0x22: {  	[spmem:s2] =	stream.indirect.scatter.add.f32 [tilespmem:s11], [sflag:$0x1], $0x1, s31, s14, $0xb8;
	[tilespmem:$0x56F8] =	vst v63  }
0x23: {  	_ =	swait.ge [sflag:s12], $0x80  }
0x24: {  	s16 =	simm.s32 $0x200;
	[sflag:s12] =	ssyncset.done $0x0  }
.LBB2_2:
0x25: {  	s17 =	sshra.s32 s16, $0x2;
	[sflag:s12] =	ssyncadd.s32 $0xFFFFFF80;
	p1 =	sne.s32 s16, $0x13E00  }
0x26: {  	[spmem:s2] =	stream.indirect.scatter.add.f32 [tilespmem:s11], [sflag:$0x1], $0x1, s17, s14, $0xb8;
	[tilespmem:$0x56F8] =	vst v63  }
.Ltmp0:
0x27: {  	_ = 	snop;
	(pc) =	sbr.rel @p1 .LBB2_2-.Ltmp0, $4  }
0x28: {  	_ = 	snop  }
0x29: {  	s16 =	sadd.s32 $0x200, s16  }
0x2a: {  	_ =	swait.ge [sflag:s12], $0x80  }
0x2b: {  	[sflag:s12] =	ssyncset.done $0x0  }
0x2c: {  	[sflag:s12] =	ssyncadd.s32 $0xFFFFFF80  }
0x2d: {  	s16 =	simm.s32 @!p0 $0x5080;
	s17 =	simm.s32 @!p0 $0x1;
	[bflag:$0x0] =	sbarrier.arrive $0xFFFF  }
0x2e: {  	[tilespmem:s16], [sflag:$0x1] =	stream.linear.gather @!p0 [spmem:s8], $0x3E8, $0x38;
	[tilespmem:$0x56F8] =	vst v63  }
0x2f: {  	s15 =	sadd.s32 $0x1, s15;
	_ =	swait.ge @!p0 [sflag:s17], $0x3E8  }
0x30: {  	p1 =	sne.s32 s15, s10;
	[sflag:s17] =	ssyncset.done @!p0 $0x0  }
.Ltmp1:
0x31: {  	s18 =	simm.s32 @!p0 $0x0;
	[sflag:s17] =	ssyncadd.s32 @!p0 $0xFFFFFC18;
	(pc) =	sbr.rel @p1 .LBB2_1-.Ltmp1, $4  }
0x32: {  	[hbm4b:s9+s18] =	stream.linear.scatter @!p0 [tilespmem:s16], [sflag:$0x1], $0x3E8, $0x38;
	[tilespmem:$0x56F8] =	vst v63  }
0x33: {  	_ =	swait.ge @!p0 [sflag:s17], $0x3E8  }
0x34: {  	[sflag:s17] =	ssyncset.done @!p0 $0x0  }
0x35: {  	[sflag:s17] =	ssyncadd.s32 @!p0 $0xFFFFFC18  }
0x36: {  	_ =	sfence.sel $0x180000  }
0x37: {  	[bflag:$0x0] =	sbarrier.arrive $0xFFFF  }
0x38: {  	p0 =	sne.s32 s1, $0x0;
	_ =	strace $0x90000047  }
0x39: {  	s0 =	sadd.s32 @!p0 $0x100000, s0;
	[bflag:$0x2] =	sbarrier.arrive $0xFFFF  }
0x3a: {  	[sflag:s0] =	ssyncadd.tile.s32 @!p0 $0x1;
	_ =	shalt  }
.Lfunc_end2:
_tile_overlayer_lowered:
.L_overlay_start_2:
0x3b: {  	(tag) =	ssettag $0x2  }
0x3c: {  	s0 =	rddreg [dreg:$0x0];
	s2 =	stileid.u32  }
0x3d: {  	s1 =	rddreg [dreg:$0x1];
	p0 =	sne.s32 s2, $0x0  }
0x3e: {  	s3 =	rddreg [dreg:$0x2];
	[bflag:$0x3] =	sbarrier.arrive $0xFFFF;
	s2 =	simm.s32 @!p0 $0x1C01  }
0x3f: {  	[timem:s3], [sflag:s2] =	dma.local @!p0 [hbm:s0], s1  }
0x40: {  	s0 =	simm.s32 @!p0 $0x1  }
0x41: {  	_ =	swait.ge @!p0 [sflag:s0], s1  }
0x42: {  	s1 =	ssub.s32 @!p0 $0x0, s1;
	[sflag:s0] =	ssyncset.done @!p0 $0x0  }
0x43: {  	[sflag:s0] =	ssyncadd.s32 @!p0 s1  }
0x44: {  	[bflag:$0x3] =	sbarrier.arrive $0xFFFF  }
0x45: {  	_ =	shalt  }

</sc_bundles>
